<compile_context>
chip_gen: v7x
topology: tpu7x:2x2x1
jax: 0.10.2.dev20260603
libtpu: 0.0.44.dev20260713+nightly
codegen_flags: <defaults>
</compile_context>

<pallas_src>
import functools

import jax
import jax.numpy as jnp
from jax import lax
from jax.experimental import pallas as pl
from jax.experimental.pallas import tpu as pltpu
from jax.experimental.pallas import tpu_sc as plsc

B, L, D = 16384, 50, 128
NC, NS = 2, 16
NW = NC * NS
BPW = B // NW
CB = 4
CLEN = CB * L
NCHUNK = BPW // CB
NBUF = 4


_mesh = plsc.VectorSubcoreMesh(core_axis_name="c", subcore_axis_name="s")


@functools.partial(
    pl.kernel,
    out_type=jax.ShapeDtypeStruct((B, L, D), jnp.float32),
    mesh=_mesh,
    scratch_types=[
        pltpu.VMEM((2, D), jnp.float32),
        pltpu.VMEM((BPW * L + 16,), jnp.int32),
        pltpu.VMEM((NBUF, CLEN, D), jnp.float32),
        pltpu.SemaphoreType.DMA,
        pltpu.SemaphoreType.DMA((NBUF,)),
    ],
    compiler_params=pltpu.CompilerParams(use_tc_tiling_on_sc=True,
                                         needs_layout_passes=False),
)
def _sc_lookup(idx_hbm, table_hbm, out_hbm, table_v, idx_v, rows_v,
               tsem, osems):
    wid = lax.axis_index("s") * NC + lax.axis_index("c")
    b0 = wid * BPW
    pltpu.async_copy(table_hbm, table_v, tsem).wait()
    pltpu.sync_copy(idx_hbm.at[pl.ds(b0 * L, BPW * L)],
                    idx_v.at[pl.ds(0, BPW * L)])

    def chunk_body(chunk, carry):
        slot = lax.rem(chunk, NBUF)

        @pl.when(chunk >= NBUF)
        def _():
            for q in range(CB):
                pltpu.make_async_copy(
                    rows_v.at[slot].at[pl.ds(q * L, L)],
                    out_hbm.at[b0],
                    osems.at[slot],
                ).wait()

        lane_j = [jnp.full((16,), j, jnp.int32) for j in range(16)]
        t0 = [table_v[0, pl.ds(k * 16, 16)] for k in range(D // 16)]
        t1 = [table_v[1, pl.ds(k * 16, 16)] for k in range(D // 16)]

        def rows_16(g, nrows):
            iv = idx_v[pl.ds(chunk * CLEN + g, 16)]
            for j in range(nrows):
                splat = lax.gather(
                    iv, lane_j[j][:, None],
                    lax.GatherDimensionNumbers(
                        offset_dims=(), collapsed_slice_dims=(0,),
                        start_index_map=(0,)),
                    (1,), mode=lax.GatherScatterMode.PROMISE_IN_BOUNDS)
                m = splat != 0
                for k in range(D // 16):
                    rows_v[slot, g + j, pl.ds(k * 16, 16)] = (
                        jnp.where(m, t1[k], t0[k]))

        def row_body(it, carry2):
            rows_16(it * 16, 16)
            return carry2

        lax.fori_loop(0, CLEN // 16, row_body, 0)
        if CLEN % 16:
            rows_16((CLEN // 16) * 16, CLEN % 16)

        for q in range(CB):
            pltpu.make_async_copy(
                rows_v.at[slot].at[pl.ds(q * L, L)],
                out_hbm.at[b0 + chunk * CB + q],
                osems.at[slot],
            ).start()
        return carry

    lax.fori_loop(0, NCHUNK, chunk_body, 0)
    for k in range(NBUF):
        for q in range(CB):
            pltpu.make_async_copy(
                rows_v.at[k].at[pl.ds(q * L, L)],
                out_hbm.at[b0],
                osems.at[k],
            ).wait()


def kernel(inputs, table):
    return _sc_lookup(inputs.reshape(B * L), table)

# --- scband reference (transcript-rebuilt; emitter-appended) ---
"""Pipeline reference for scband-result-encoder-670014899077 (READ-ONLY COPY).

The authoritative reference and input builder live on the scoring server;
editing this copy changes nothing except your own understanding.
"""

import jax, jax.numpy as jnp
import numpy as np

EMBED_DIM = 128

def setup_inputs(seed: int = 0) -> dict:
    key = jax.random.key(seed)
    k1, k2 = jax.random.split(key)
    inputs = jax.random.randint(k1, (16384, 50), 0, 2, dtype=jnp.int64)
    # nn.Embedding(2, embed_dim) weight ~ N(0,1)
    table = jax.random.normal(k2, (2, EMBED_DIM), dtype=jnp.float32)
    return {"inputs": inputs, "table": table}

def reference(inputs, table):
    # embedding lookup: outputs[b, l, :] = table[inputs[b, l], :]
    outputs = jnp.take(table, inputs, axis=0)
    return outputs

if __name__ == "__main__":
    import jax
    _d = setup_inputs()
    print(jax.jit(kernel)(*tuple(_d.values())))

</pallas_src>

<mosaic_0001>
#map = affine_map<(d0, d1) -> (0)>
#map1 = affine_map<(d0, d1) -> (0, 0)>
#map2 = affine_map<(d0, d1) -> (0, 0, 0)>
module attributes {stable_mosaic.version = 14 : i64} {
  func.func @_sc_lookup(%arg0: i32, %arg1: i32, %arg2: memref<819200xi32, #tpu.memory_space<hbm>>, %arg3: memref<2x128xf32, #tpu.memory_space<hbm>>, %arg4: memref<16384x50x128xf32, #tpu.memory_space<hbm>>, %arg5: memref<2x128xf32, #tpu.memory_space<vmem>>, %arg6: memref<25616xi32, #tpu.memory_space<vmem>>, %arg7: memref<4x200x128xf32, #tpu.memory_space<vmem>>, %arg8: memref<!tpu.dma_semaphore, #tpu.memory_space<semaphore_mem>>, %arg9: memref<4x!tpu.dma_semaphore, #tpu.memory_space<semaphore_mem>>) attributes {dimension_semantics = [#tpu.dimension_semantics<core_parallel>, #tpu.dimension_semantics<subcore_parallel>], iteration_bounds = array<i64: 2, 16>, scalar_prefetch = 0 : i64, scratch_operands = 5 : i64, tpu.core_type = #tpu.core_type<sc_vector_subcore>, window_params = [{transform_indices = #map}, {transform_indices = #map1}, {transform_indices = #map2}]} {
    %mul3A = arith.constant 2 : i32
    %mul3A_0 = arith.muli %arg1, %mul3A : i32
    %add3A = arith.addi %mul3A_0, %arg0 : i32
    %mul3A_1 = arith.constant 512 : i32
    %mul3A_2 = arith.muli %add3A, %mul3A_1 : i32
    tpu.enqueue_dma source(%arg3 : memref<2x128xf32, #tpu.memory_space<hbm>>) target(%arg5 : memref<2x128xf32, #tpu.memory_space<vmem>>) target_semaphore(%arg8 : memref<!tpu.dma_semaphore, #tpu.memory_space<semaphore_mem>>)
    tpu.wait_dma2 semaphore(%arg8 : memref<!tpu.dma_semaphore, #tpu.memory_space<semaphore_mem>>) src(%arg3 : memref<2x128xf32, #tpu.memory_space<hbm>>) dst(%arg5 : memref<2x128xf32, #tpu.memory_space<vmem>>)
    %mul3A_3 = arith.constant 50 : i32
    %mul3A_4 = arith.muli %mul3A_2, %mul3A_3 : i32
    "tpu.region"() ({
      %run_scoped3A = tpu.sem_alloc : memref<!tpu.dma_semaphore, #tpu.memory_space<semaphore_mem>>
      %dma_start3A = arith.constant 0 : i32
      %dma_start3A_425 = tpu.memref_slice %arg6[%dma_start3A] : memref<25616xi32, #tpu.memory_space<vmem>> -> memref<25600xi32, #tpu.memory_space<vmem>>
      %dma_start3A_426 = tpu.memref_slice %arg2[%mul3A_4] : memref<819200xi32, #tpu.memory_space<hbm>> -> memref<25600xi32, #tpu.memory_space<hbm>>
      %dma_start3A_427 = arith.constant 0 : i32
      %dma_start3A_428 = tpu.memref_slice %arg6[%dma_start3A_427] : memref<25616xi32, #tpu.memory_space<vmem>> -> memref<25600xi32, #tpu.memory_space<vmem>>
      %dma_start3A_429 = tpu.memref_slice %arg2[%mul3A_4] : memref<819200xi32, #tpu.memory_space<hbm>> -> memref<25600xi32, #tpu.memory_space<hbm>>
      tpu.enqueue_dma source(%dma_start3A_429 : memref<25600xi32, #tpu.memory_space<hbm>>) target(%dma_start3A_428 : memref<25600xi32, #tpu.memory_space<vmem>>) target_semaphore(%run_scoped3A : memref<!tpu.dma_semaphore, #tpu.memory_space<semaphore_mem>>)
      %dma_wait3A_430 = arith.constant 0 : i32
      %dma_wait3A_431 = tpu.memref_slice %arg6[%dma_wait3A_430] : memref<25616xi32, #tpu.memory_space<vmem>> -> memref<25600xi32, #tpu.memory_space<vmem>>
      %dma_wait3A_432 = tpu.memref_slice %arg2[%mul3A_4] : memref<819200xi32, #tpu.memory_space<hbm>> -> memref<25600xi32, #tpu.memory_space<hbm>>
      %dma_wait3A_433 = arith.constant 0 : i32
      %dma_wait3A_434 = tpu.memref_slice %arg6[%dma_wait3A_433] : memref<25616xi32, #tpu.memory_space<vmem>> -> memref<25600xi32, #tpu.memory_space<vmem>>
      %dma_wait3A_435 = tpu.memref_slice %arg2[%mul3A_4] : memref<819200xi32, #tpu.memory_space<hbm>> -> memref<25600xi32, #tpu.memory_space<hbm>>
      tpu.wait_dma2 semaphore(%run_scoped3A : memref<!tpu.dma_semaphore, #tpu.memory_space<semaphore_mem>>) src(%dma_wait3A_435 : memref<25600xi32, #tpu.memory_space<hbm>>) dst(%dma_wait3A_434 : memref<25600xi32, #tpu.memory_space<vmem>>)
      tpu.yield
    }) : () -> ()
    %scan3A = arith.constant 0 : i32
    %scan3A_5 = arith.constant 0 : i32
    %scan3A_6 = arith.constant 128 : i32
    %scan3A_7 = arith.addi %scan3A_5, %scan3A_6 : i32
    %scan3A_8 = arith.constant 1 : i32
    scf.for %scan3A_425 = %scan3A_5 to %scan3A_7 step %scan3A_8  : i32 {
      %rem3A = arith.constant 4 : i32
      %rem3A_426 = arith.remsi %scan3A_425, %rem3A : i32
      %ge3A = arith.constant 4 : i32
      %ge3A_427 = arith.cmpi sge, %scan3A_425, %ge3A : i32
      %convert_element_type3A = arith.extui %ge3A_427 : i1 to i32
      %cond3A = arith.constant 0 : i32
      %cond3A_428 = arith.cmpi ne, %convert_element_type3A, %cond3A : i32
      scf.if %cond3A_428 {
        %dma_wait3A_1078 = arith.constant 0 : i32
        %dma_wait3A_1079 = arith.constant 0 : i32
        %dma_wait3A_1080 = tpu.memref_slice %arg7[%rem3A_426, %dma_wait3A_1078, %dma_wait3A_1079] : memref<4x200x128xf32, #tpu.memory_space<vmem>> -> memref<1x200x128xf32, #tpu.memory_space<vmem>>
        %dma_wait3A_1081 = tpu.memref_squeeze %dma_wait3A_1080 : memref<1x200x128xf32, #tpu.memory_space<vmem>> -> memref<200x128xf32, #tpu.memory_space<vmem>>
        %dma_wait3A_1082 = arith.constant 0 : i32
        %dma_wait3A_1083 = arith.constant 0 : i32
        %dma_wait3A_1084 = tpu.memref_slice %dma_wait3A_1081[%dma_wait3A_1082, %dma_wait3A_1083] : memref<200x128xf32, #tpu.memory_space<vmem>> -> memref<50x128xf32, #tpu.memory_space<vmem>>
        %dma_wait3A_1085 = arith.constant 0 : i32
        %dma_wait3A_1086 = arith.constant 0 : i32
        %dma_wait3A_1087 = tpu.memref_slice %arg4[%mul3A_2, %dma_wait3A_1085, %dma_wait3A_1086] : memref<16384x50x128xf32, #tpu.memory_space<hbm>> -> memref<1x50x128xf32, #tpu.memory_space<hbm>>
        %dma_wait3A_1088 = tpu.memref_squeeze %dma_wait3A_1087 : memref<1x50x128xf32, #tpu.memory_space<hbm>> -> memref<50x128xf32, #tpu.memory_space<hbm>>
        %dma_wait3A_1089 = tpu.memref_slice %arg9[%rem3A_426] : memref<4x!tpu.dma_semaphore, #tpu.memory_space<semaphore_mem>> -> memref<1x!tpu.dma_semaphore, #tpu.memory_space<semaphore_mem>>
        %dma_wait3A_1090 = tpu.memref_squeeze %dma_wait3A_1089 : memref<1x!tpu.dma_semaphore, #tpu.memory_space<semaphore_mem>> -> memref<!tpu.dma_semaphore, #tpu.memory_space<semaphore_mem>>
        %dma_wait3A_1091 = arith.constant 0 : i32
        %dma_wait3A_1092 = arith.constant 0 : i32
        %dma_wait3A_1093 = tpu.memref_slice %arg4[%mul3A_2, %dma_wait3A_1091, %dma_wait3A_1092] : memref<16384x50x128xf32, #tpu.memory_space<hbm>> -> memref<1x50x128xf32, #tpu.memory_space<hbm>>
        %dma_wait3A_1094 = tpu.memref_squeeze %dma_wait3A_1093 : memref<1x50x128xf32, #tpu.memory_space<hbm>> -> memref<50x128xf32, #tpu.memory_space<hbm>>
        %dma_wait3A_1095 = arith.constant 0 : i32
        %dma_wait3A_1096 = arith.constant 0 : i32
        %dma_wait3A_1097 = tpu.memref_slice %arg7[%rem3A_426, %dma_wait3A_1095, %dma_wait3A_1096] : memref<4x200x128xf32, #tpu.memory_space<vmem>> -> memref<1x200x128xf32, #tpu.memory_space<vmem>>
        %dma_wait3A_1098 = tpu.memref_squeeze %dma_wait3A_1097 : memref<1x200x128xf32, #tpu.memory_space<vmem>> -> memref<200x128xf32, #tpu.memory_space<vmem>>
        %dma_wait3A_1099 = arith.constant 0 : i32
        %dma_wait3A_1100 = arith.constant 0 : i32
        %dma_wait3A_1101 = tpu.memref_slice %dma_wait3A_1098[%dma_wait3A_1099, %dma_wait3A_1100] : memref<200x128xf32, #tpu.memory_space<vmem>> -> memref<50x128xf32, #tpu.memory_space<vmem>>
        tpu.wait_dma2 semaphore(%dma_wait3A_1090 : memref<!tpu.dma_semaphore, #tpu.memory_space<semaphore_mem>>) src(%dma_wait3A_1101 : memref<50x128xf32, #tpu.memory_space<vmem>>) dst(%dma_wait3A_1094 : memref<50x128xf32, #tpu.memory_space<hbm>>)
        %dma_wait3A_1102 = arith.constant 0 : i32
        %dma_wait3A_1103 = arith.constant 0 : i32
        %dma_wait3A_1104 = tpu.memref_slice %arg7[%rem3A_426, %dma_wait3A_1102, %dma_wait3A_1103] : memref<4x200x128xf32, #tpu.memory_space<vmem>> -> memref<1x200x128xf32, #tpu.memory_space<vmem>>
        %dma_wait3A_1105 = tpu.memref_squeeze %dma_wait3A_1104 : memref<1x200x128xf32, #tpu.memory_space<vmem>> -> memref<200x128xf32, #tpu.memory_space<vmem>>
        %dma_wait3A_1106 = arith.constant 50 : i32
        %dma_wait3A_1107 = arith.constant 0 : i32
        %dma_wait3A_1108 = tpu.memref_slice %dma_wait3A_1105[%dma_wait3A_1106, %dma_wait3A_1107] : memref<200x128xf32, #tpu.memory_space<vmem>> -> memref<50x128xf32, #tpu.memory_space<vmem>>
        %dma_wait3A_1109 = arith.constant 0 : i32
        %dma_wait3A_1110 = arith.constant 0 : i32
        %dma_wait3A_1111 = tpu.memref_slice %arg4[%mul3A_2, %dma_wait3A_1109, %dma_wait3A_1110] : memref<16384x50x128xf32, #tpu.memory_space<hbm>> -> memref<1x50x128xf32, #tpu.memory_space<hbm>>
        %dma_wait3A_1112 = tpu.memref_squeeze %dma_wait3A_1111 : memref<1x50x128xf32, #tpu.memory_space<hbm>> -> memref<50x128xf32, #tpu.memory_space<hbm>>
        %dma_wait3A_1113 = tpu.memref_slice %arg9[%rem3A_426] : memref<4x!tpu.dma_semaphore, #tpu.memory_space<semaphore_mem>> -> memref<1x!tpu.dma_semaphore, #tpu.memory_space<semaphore_mem>>
        %dma_wait3A_1114 = tpu.memref_squeeze %dma_wait3A_1113 : memref<1x!tpu.dma_semaphore, #tpu.memory_space<semaphore_mem>> -> memref<!tpu.dma_semaphore, #tpu.memory_space<semaphore_mem>>
        %dma_wait3A_1115 = arith.constant 0 : i32
        %dma_wait3A_1116 = arith.constant 0 : i32
        %dma_wait3A_1117 = tpu.memref_slice %arg4[%mul3A_2, %dma_wait3A_1115, %dma_wait3A_1116] : memref<16384x50x128xf32, #tpu.memory_space<hbm>> -> memref<1x50x128xf32, #tpu.memory_space<hbm>>
        %dma_wait3A_1118 = tpu.memref_squeeze %dma_wait3A_1117 : memref<1x50x128xf32, #tpu.memory_space<hbm>> -> memref<50x128xf32, #tpu.memory_space<hbm>>
        %dma_wait3A_1119 = arith.constant 0 : i32
        %dma_wait3A_1120 = arith.constant 0 : i32
        %dma_wait3A_1121 = tpu.memref_slice %arg7[%rem3A_426, %dma_wait3A_1119, %dma_wait3A_1120] : memref<4x200x128xf32, #tpu.memory_space<vmem>> -> memref<1x200x128xf32, #tpu.memory_space<vmem>>
        %dma_wait3A_1122 = tpu.memref_squeeze %dma_wait3A_1121 : memref<1x200x128xf32, #tpu.memory_space<vmem>> -> memref<200x128xf32, #tpu.memory_space<vmem>>
        %dma_wait3A_1123 = arith.constant 50 : i32
        %dma_wait3A_1124 = arith.constant 0 : i32
        %dma_wait3A_1125 = tpu.memref_slice %dma_wait3A_1122[%dma_wait3A_1123, %dma_wait3A_1124] : memref<200x128xf32, #tpu.memory_space<vmem>> -> memref<50x128xf32, #tpu.memory_space<vmem>>
        tpu.wait_dma2 semaphore(%dma_wait3A_1114 : memref<!tpu.dma_semaphore, #tpu.memory_space<semaphore_mem>>) src(%dma_wait3A_1125 : memref<50x128xf32, #tpu.memory_space<vmem>>) dst(%dma_wait3A_1118 : memref<50x128xf32, #tpu.memory_space<hbm>>)
        %dma_wait3A_1126 = arith.constant 0 : i32
        %dma_wait3A_1127 = arith.constant 0 : i32
        %dma_wait3A_1128 = tpu.memref_slice %arg7[%rem3A_426, %dma_wait3A_1126, %dma_wait3A_1127] : memref<4x200x128xf32, #tpu.memory_space<vmem>> -> memref<1x200x128xf32, #tpu.memory_space<vmem>>
        %dma_wait3A_1129 = tpu.memref_squeeze %dma_wait3A_1128 : memref<1x200x128xf32, #tpu.memory_space<vmem>> -> memref<200x128xf32, #tpu.memory_space<vmem>>
        %dma_wait3A_1130 = arith.constant 100 : i32
        %dma_wait3A_1131 = arith.constant 0 : i32
        %dma_wait3A_1132 = tpu.memref_slice %dma_wait3A_1129[%dma_wait3A_1130, %dma_wait3A_1131] : memref<200x128xf32, #tpu.memory_space<vmem>> -> memref<50x128xf32, #tpu.memory_space<vmem>>
        %dma_wait3A_1133 = arith.constant 0 : i32
        %dma_wait3A_1134 = arith.constant 0 : i32
        %dma_wait3A_1135 = tpu.memref_slice %arg4[%mul3A_2, %dma_wait3A_1133, %dma_wait3A_1134] : memref<16384x50x128xf32, #tpu.memory_space<hbm>> -> memref<1x50x128xf32, #tpu.memory_space<hbm>>
        %dma_wait3A_1136 = tpu.memref_squeeze %dma_wait3A_1135 : memref<1x50x128xf32, #tpu.memory_space<hbm>> -> memref<50x128xf32, #tpu.memory_space<hbm>>
        %dma_wait3A_1137 = tpu.memref_slice %arg9[%rem3A_426] : memref<4x!tpu.dma_semaphore, #tpu.memory_space<semaphore_mem>> -> memref<1x!tpu.dma_semaphore, #tpu.memory_space<semaphore_mem>>
        %dma_wait3A_1138 = tpu.memref_squeeze %dma_wait3A_1137 : memref<1x!tpu.dma_semaphore, #tpu.memory_space<semaphore_mem>> -> memref<!tpu.dma_semaphore, #tpu.memory_space<semaphore_mem>>
        %dma_wait3A_1139 = arith.constant 0 : i32
        %dma_wait3A_1140 = arith.constant 0 : i32
        %dma_wait3A_1141 = tpu.memref_slice %arg4[%mul3A_2, %dma_wait3A_1139, %dma_wait3A_1140] : memref<16384x50x128xf32, #tpu.memory_space<hbm>> -> memref<1x50x128xf32, #tpu.memory_space<hbm>>
        %dma_wait3A_1142 = tpu.memref_squeeze %dma_wait3A_1141 : memref<1x50x128xf32, #tpu.memory_space<hbm>> -> memref<50x128xf32, #tpu.memory_space<hbm>>
        %dma_wait3A_1143 = arith.constant 0 : i32
        %dma_wait3A_1144 = arith.constant 0 : i32
        %dma_wait3A_1145 = tpu.memref_slice %arg7[%rem3A_426, %dma_wait3A_1143, %dma_wait3A_1144] : memref<4x200x128xf32, #tpu.memory_space<vmem>> -> memref<1x200x128xf32, #tpu.memory_space<vmem>>
        %dma_wait3A_1146 = tpu.memref_squeeze %dma_wait3A_1145 : memref<1x200x128xf32, #tpu.memory_space<vmem>> -> memref<200x128xf32, #tpu.memory_space<vmem>>
        %dma_wait3A_1147 = arith.constant 100 : i32
        %dma_wait3A_1148 = arith.constant 0 : i32
        %dma_wait3A_1149 = tpu.memref_slice %dma_wait3A_1146[%dma_wait3A_1147, %dma_wait3A_1148] : memref<200x128xf32, #tpu.memory_space<vmem>> -> memref<50x128xf32, #tpu.memory_space<vmem>>
        tpu.wait_dma2 semaphore(%dma_wait3A_1138 : memref<!tpu.dma_semaphore, #tpu.memory_space<semaphore_mem>>) src(%dma_wait3A_1149 : memref<50x128xf32, #tpu.memory_space<vmem>>) dst(%dma_wait3A_1142 : memref<50x128xf32, #tpu.memory_space<hbm>>)
        %dma_wait3A_1150 = arith.constant 0 : i32
        %dma_wait3A_1151 = arith.constant 0 : i32
        %dma_wait3A_1152 = tpu.memref_slice %arg7[%rem3A_426, %dma_wait3A_1150, %dma_wait3A_1151] : memref<4x200x128xf32, #tpu.memory_space<vmem>> -> memref<1x200x128xf32, #tpu.memory_space<vmem>>
        %dma_wait3A_1153 = tpu.memref_squeeze %dma_wait3A_1152 : memref<1x200x128xf32, #tpu.memory_space<vmem>> -> memref<200x128xf32, #tpu.memory_space<vmem>>
        %dma_wait3A_1154 = arith.constant 150 : i32
        %dma_wait3A_1155 = arith.constant 0 : i32
        %dma_wait3A_1156 = tpu.memref_slice %dma_wait3A_1153[%dma_wait3A_1154, %dma_wait3A_1155] : memref<200x128xf32, #tpu.memory_space<vmem>> -> memref<50x128xf32, #tpu.memory_space<vmem>>
        %dma_wait3A_1157 = arith.constant 0 : i32
        %dma_wait3A_1158 = arith.constant 0 : i32
        %dma_wait3A_1159 = tpu.memref_slice %arg4[%mul3A_2, %dma_wait3A_1157, %dma_wait3A_1158] : memref<16384x50x128xf32, #tpu.memory_space<hbm>> -> memref<1x50x128xf32, #tpu.memory_space<hbm>>
        %dma_wait3A_1160 = tpu.memref_squeeze %dma_wait3A_1159 : memref<1x50x128xf32, #tpu.memory_space<hbm>> -> memref<50x128xf32, #tpu.memory_space<hbm>>
        %dma_wait3A_1161 = tpu.memref_slice %arg9[%rem3A_426] : memref<4x!tpu.dma_semaphore, #tpu.memory_space<semaphore_mem>> -> memref<1x!tpu.dma_semaphore, #tpu.memory_space<semaphore_mem>>
        %dma_wait3A_1162 = tpu.memref_squeeze %dma_wait3A_1161 : memref<1x!tpu.dma_semaphore, #tpu.memory_space<semaphore_mem>> -> memref<!tpu.dma_semaphore, #tpu.memory_space<semaphore_mem>>
        %dma_wait3A_1163 = arith.constant 0 : i32
        %dma_wait3A_1164 = arith.constant 0 : i32
        %dma_wait3A_1165 = tpu.memref_slice %arg4[%mul3A_2, %dma_wait3A_1163, %dma_wait3A_1164] : memref<16384x50x128xf32, #tpu.memory_space<hbm>> -> memref<1x50x128xf32, #tpu.memory_space<hbm>>
        %dma_wait3A_1166 = tpu.memref_squeeze %dma_wait3A_1165 : memref<1x50x128xf32, #tpu.memory_space<hbm>> -> memref<50x128xf32, #tpu.memory_space<hbm>>
        %dma_wait3A_1167 = arith.constant 0 : i32
        %dma_wait3A_1168 = arith.constant 0 : i32
        %dma_wait3A_1169 = tpu.memref_slice %arg7[%rem3A_426, %dma_wait3A_1167, %dma_wait3A_1168] : memref<4x200x128xf32, #tpu.memory_space<vmem>> -> memref<1x200x128xf32, #tpu.memory_space<vmem>>
        %dma_wait3A_1170 = tpu.memref_squeeze %dma_wait3A_1169 : memref<1x200x128xf32, #tpu.memory_space<vmem>> -> memref<200x128xf32, #tpu.memory_space<vmem>>
        %dma_wait3A_1171 = arith.constant 150 : i32
        %dma_wait3A_1172 = arith.constant 0 : i32
        %dma_wait3A_1173 = tpu.memref_slice %dma_wait3A_1170[%dma_wait3A_1171, %dma_wait3A_1172] : memref<200x128xf32, #tpu.memory_space<vmem>> -> memref<50x128xf32, #tpu.memory_space<vmem>>
        tpu.wait_dma2 semaphore(%dma_wait3A_1162 : memref<!tpu.dma_semaphore, #tpu.memory_space<semaphore_mem>>) src(%dma_wait3A_1173 : memref<50x128xf32, #tpu.memory_space<vmem>>) dst(%dma_wait3A_1166 : memref<50x128xf32, #tpu.memory_space<hbm>>)
      } else {
      }
      %broadcast_in_dim3A = arith.constant 0 : i32
      %broadcast_in_dim3A_429 = vector.broadcast %broadcast_in_dim3A : i32 to vector<16xi32>
      %broadcast_in_dim3A_430 = arith.constant 1 : i32
      %broadcast_in_dim3A_431 = vector.broadcast %broadcast_in_dim3A_430 : i32 to vector<16xi32>
      %broadcast_in_dim3A_432 = arith.constant 2 : i32
      %broadcast_in_dim3A_433 = vector.broadcast %broadcast_in_dim3A_432 : i32 to vector<16xi32>
      %broadcast_in_dim3A_434 = arith.constant 3 : i32
      %broadcast_in_dim3A_435 = vector.broadcast %broadcast_in_dim3A_434 : i32 to vector<16xi32>
      %broadcast_in_dim3A_436 = arith.constant 4 : i32
      %broadcast_in_dim3A_437 = vector.broadcast %broadcast_in_dim3A_436 : i32 to vector<16xi32>
      %broadcast_in_dim3A_438 = arith.constant 5 : i32
      %broadcast_in_dim3A_439 = vector.broadcast %broadcast_in_dim3A_438 : i32 to vector<16xi32>
      %broadcast_in_dim3A_440 = arith.constant 6 : i32
      %broadcast_in_dim3A_441 = vector.broadcast %broadcast_in_dim3A_440 : i32 to vector<16xi32>
      %broadcast_in_dim3A_442 = arith.constant 7 : i32
      %broadcast_in_dim3A_443 = vector.broadcast %broadcast_in_dim3A_442 : i32 to vector<16xi32>
      %broadcast_in_dim3A_444 = arith.constant 8 : i32
      %broadcast_in_dim3A_445 = vector.broadcast %broadcast_in_dim3A_444 : i32 to vector<16xi32>
      %broadcast_in_dim3A_446 = arith.constant 9 : i32
      %broadcast_in_dim3A_447 = vector.broadcast %broadcast_in_dim3A_446 : i32 to vector<16xi32>
      %broadcast_in_dim3A_448 = arith.constant 10 : i32
      %broadcast_in_dim3A_449 = vector.broadcast %broadcast_in_dim3A_448 : i32 to vector<16xi32>
      %broadcast_in_dim3A_450 = arith.constant 11 : i32
      %broadcast_in_dim3A_451 = vector.broadcast %broadcast_in_dim3A_450 : i32 to vector<16xi32>
      %broadcast_in_dim3A_452 = arith.constant 12 : i32
      %broadcast_in_dim3A_453 = vector.broadcast %broadcast_in_dim3A_452 : i32 to vector<16xi32>
      %broadcast_in_dim3A_454 = arith.constant 13 : i32
      %broadcast_in_dim3A_455 = vector.broadcast %broadcast_in_dim3A_454 : i32 to vector<16xi32>
      %broadcast_in_dim3A_456 = arith.constant 14 : i32
      %broadcast_in_dim3A_457 = vector.broadcast %broadcast_in_dim3A_456 : i32 to vector<16xi32>
      %broadcast_in_dim3A_458 = arith.constant 15 : i32
      %broadcast_in_dim3A_459 = vector.broadcast %broadcast_in_dim3A_458 : i32 to vector<16xi32>
      %get3A = arith.constant 0 : i32
      %get3A_460 = arith.index_cast %get3A : i32 to index
      %get3A_461 = arith.constant 0 : index
      %get3A_462 = tpu.vector_load %arg5[%get3A_460, %get3A_461] {strides = array<i32>} : memref<2x128xf32, #tpu.memory_space<vmem>>, vector<16xf32>,
      %get3A_463 = arith.constant 0 : i32
      %get3A_464 = arith.index_cast %get3A_463 : i32 to index
      %get3A_465 = arith.constant 16 : index
      %get3A_466 = tpu.vector_load %arg5[%get3A_464, %get3A_465] {strides = array<i32>} : memref<2x128xf32, #tpu.memory_space<vmem>>, vector<16xf32>,
      %get3A_467 = arith.constant 0 : i32
      %get3A_468 = arith.index_cast %get3A_467 : i32 to index
      %get3A_469 = arith.constant 32 : index
      %get3A_470 = tpu.vector_load %arg5[%get3A_468, %get3A_469] {strides = array<i32>} : memref<2x128xf32, #tpu.memory_space<vmem>>, vector<16xf32>,
      %get3A_471 = arith.constant 0 : i32
      %get3A_472 = arith.index_cast %get3A_471 : i32 to index
      %get3A_473 = arith.constant 48 : index
      %get3A_474 = tpu.vector_load %arg5[%get3A_472, %get3A_473] {strides = array<i32>} : memref<2x128xf32, #tpu.memory_space<vmem>>, vector<16xf32>,
      %get3A_475 = arith.constant 0 : i32
      %get3A_476 = arith.index_cast %get3A_475 : i32 to index
      %get3A_477 = arith.constant 64 : index
      %get3A_478 = tpu.vector_load %arg5[%get3A_476, %get3A_477] {strides = array<i32>} : memref<2x128xf32, #tpu.memory_space<vmem>>, vector<16xf32>,
      %get3A_479 = arith.constant 0 : i32
      %get3A_480 = arith.index_cast %get3A_479 : i32 to index
      %get3A_481 = arith.constant 80 : index
      %get3A_482 = tpu.vector_load %arg5[%get3A_480, %get3A_481] {strides = array<i32>} : memref<2x128xf32, #tpu.memory_space<vmem>>, vector<16xf32>,
      %get3A_483 = arith.constant 0 : i32
      %get3A_484 = arith.index_cast %get3A_483 : i32 to index
      %get3A_485 = arith.constant 96 : index
      %get3A_486 = tpu.vector_load %arg5[%get3A_484, %get3A_485] {strides = array<i32>} : memref<2x128xf32, #tpu.memory_space<vmem>>, vector<16xf32>,
      %get3A_487 = arith.constant 0 : i32
      %get3A_488 = arith.index_cast %get3A_487 : i32 to index
      %get3A_489 = arith.constant 112 : index
      %get3A_490 = tpu.vector_load %arg5[%get3A_488, %get3A_489] {strides = array<i32>} : memref<2x128xf32, #tpu.memory_space<vmem>>, vector<16xf32>,
      %get3A_491 = arith.constant 1 : i32
      %get3A_492 = arith.index_cast %get3A_491 : i32 to index
      %get3A_493 = arith.constant 0 : index
      %get3A_494 = tpu.vector_load %arg5[%get3A_492, %get3A_493] {strides = array<i32>} : memref<2x128xf32, #tpu.memory_space<vmem>>, vector<16xf32>,
      %get3A_495 = arith.constant 1 : i32
      %get3A_496 = arith.index_cast %get3A_495 : i32 to index
      %get3A_497 = arith.constant 16 : index
      %get3A_498 = tpu.vector_load %arg5[%get3A_496, %get3A_497] {strides = array<i32>} : memref<2x128xf32, #tpu.memory_space<vmem>>, vector<16xf32>,
      %get3A_499 = arith.constant 1 : i32
      %get3A_500 = arith.index_cast %get3A_499 : i32 to index
      %get3A_501 = arith.constant 32 : index
      %get3A_502 = tpu.vector_load %arg5[%get3A_500, %get3A_501] {strides = array<i32>} : memref<2x128xf32, #tpu.memory_space<vmem>>, vector<16xf32>,
      %get3A_503 = arith.constant 1 : i32
      %get3A_504 = arith.index_cast %get3A_503 : i32 to index
      %get3A_505 = arith.constant 48 : index
      %get3A_506 = tpu.vector_load %arg5[%get3A_504, %get3A_505] {strides = array<i32>} : memref<2x128xf32, #tpu.memory_space<vmem>>, vector<16xf32>,
      %get3A_507 = arith.constant 1 : i32
      %get3A_508 = arith.index_cast %get3A_507 : i32 to index
      %get3A_509 = arith.constant 64 : index
      %get3A_510 = tpu.vector_load %arg5[%get3A_508, %get3A_509] {strides = array<i32>} : memref<2x128xf32, #tpu.memory_space<vmem>>, vector<16xf32>,
      %get3A_511 = arith.constant 1 : i32
      %get3A_512 = arith.index_cast %get3A_511 : i32 to index
      %get3A_513 = arith.constant 80 : index
      %get3A_514 = tpu.vector_load %arg5[%get3A_512, %get3A_513] {strides = array<i32>} : memref<2x128xf32, #tpu.memory_space<vmem>>, vector<16xf32>,
      %get3A_515 = arith.constant 1 : i32
      %get3A_516 = arith.index_cast %get3A_515 : i32 to index
      %get3A_517 = arith.constant 96 : index
      %get3A_518 = tpu.vector_load %arg5[%get3A_516, %get3A_517] {strides = array<i32>} : memref<2x128xf32, #tpu.memory_space<vmem>>, vector<16xf32>,
      %get3A_519 = arith.constant 1 : i32
      %get3A_520 = arith.index_cast %get3A_519 : i32 to index
      %get3A_521 = arith.constant 112 : index
      %get3A_522 = tpu.vector_load %arg5[%get3A_520, %get3A_521] {strides = array<i32>} : memref<2x128xf32, #tpu.memory_space<vmem>>, vector<16xf32>,
      %scan3A_523 = arith.constant 0 : i32
      %scan3A_524 = arith.constant 0 : i32
      %scan3A_525 = arith.constant 12 : i32
      %scan3A_526 = arith.addi %scan3A_524, %scan3A_525 : i32
      %scan3A_527 = arith.constant 1 : i32
      scf.for %scan3A_1078 = %scan3A_524 to %scan3A_526 step %scan3A_527  : i32 {
        %mul3A_1079 = arith.constant 16 : i32
        %mul3A_1080 = arith.muli %scan3A_1078, %mul3A_1079 : i32
        %mul3A_1081 = arith.constant 200 : i32
        %mul3A_1082 = arith.muli %scan3A_425, %mul3A_1081 : i32
        %add3A_1083 = arith.addi %mul3A_1082, %mul3A_1080 : i32
        %get3A_1084 = arith.index_cast %add3A_1083 : i32 to index
        %get3A_1085 = tpu.vector_load %arg6[%get3A_1084] {strides = array<i32>} : memref<25616xi32, #tpu.memory_space<vmem>>, vector<16xi32>,
        %broadcast_in_dim3A_1086 = vector.shape_cast %broadcast_in_dim3A_429 : vector<16xi32> to vector<16x1xi32>
        %gather3A_1087 = vector.shape_cast %broadcast_in_dim3A_1086 : vector<16x1xi32> to vector<16xi32>
        %gather3A_1088 = tpu.dynamic_gather %get3A_1085[%gather3A_1087] in [0] : vector<16xi32>, vector<16xi32> -> vector<16xi32>
        %ne3A_1089 = arith.constant 0 : i32
        %ne3A_1090 = vector.broadcast %ne3A_1089 : i32 to vector<16xi32>
        %ne3A_1091 = arith.cmpi ne, %gather3A_1088, %ne3A_1090 : vector<16xi32>
        %select_n3A_1092 = arith.select %ne3A_1091, %get3A_494, %get3A_462 : vector<16xi1>, vector<16xf32>
        %add3A_1093 = arith.constant 0 : i32
        %add3A_1094 = arith.addi %mul3A_1080, %add3A_1093 : i32
        %swap3A_1095 = arith.index_cast %rem3A_426 : i32 to index
        %swap3A_1096 = arith.index_cast %add3A_1094 : i32 to index
        %swap3A_1097 = arith.constant 0 : index
        %swap3A_1098 = tpu.vector_load %arg7[%swap3A_1095, %swap3A_1096, %swap3A_1097] {strides = array<i32>} : memref<4x200x128xf32, #tpu.memory_space<vmem>>, vector<16xf32>,
        tpu.vector_store %arg7[%swap3A_1095, %swap3A_1096, %swap3A_1097], %select_n3A_1092 {strides = array<i32>} : memref<4x200x128xf32, #tpu.memory_space<vmem>>, vector<16xf32>,
        %select_n3A_1099 = arith.select %ne3A_1091, %get3A_498, %get3A_466 : vector<16xi1>, vector<16xf32>
        %add3A_1100 = arith.constant 0 : i32
        %add3A_1101 = arith.addi %mul3A_1080, %add3A_1100 : i32
        %swap3A_1102 = arith.index_cast %rem3A_426 : i32 to index
        %swap3A_1103 = arith.index_cast %add3A_1101 : i32 to index
        %swap3A_1104 = arith.constant 16 : index
        %swap3A_1105 = tpu.vector_load %arg7[%swap3A_1102, %swap3A_1103, %swap3A_1104] {strides = array<i32>} : memref<4x200x128xf32, #tpu.memory_space<vmem>>, vector<16xf32>,
        tpu.vector_store %arg7[%swap3A_1102, %swap3A_1103, %swap3A_1104], %select_n3A_1099 {strides = array<i32>} : memref<4x200x128xf32, #tpu.memory_space<vmem>>, vector<16xf32>,
        %select_n3A_1106 = arith.select %ne3A_1091, %get3A_502, %get3A_470 : vector<16xi1>, vector<16xf32>
        %add3A_1107 = arith.constant 0 : i32
        %add3A_1108 = arith.addi %mul3A_1080, %add3A_1107 : i32
        %swap3A_1109 = arith.index_cast %rem3A_426 : i32 to index
        %swap3A_1110 = arith.index_cast %add3A_1108 : i32 to index
        %swap3A_1111 = arith.constant 32 : index
        %swap3A_1112 = tpu.vector_load %arg7[%swap3A_1109, %swap3A_1110, %swap3A_1111] {strides = array<i32>} : memref<4x200x128xf32, #tpu.memory_space<vmem>>, vector<16xf32>,
        tpu.vector_store %arg7[%swap3A_1109, %swap3A_1110, %swap3A_1111], %select_n3A_1106 {strides = array<i32>} : memref<4x200x128xf32, #tpu.memory_space<vmem>>, vector<16xf32>,
        %select_n3A_1113 = arith.select %ne3A_1091, %get3A_506, %get3A_474 : vector<16xi1>, vector<16xf32>
        %add3A_1114 = arith.constant 0 : i32
        %add3A_1115 = arith.addi %mul3A_1080, %add3A_1114 : i32
        %swap3A_1116 = arith.index_cast %rem3A_426 : i32 to index
        %swap3A_1117 = arith.index_cast %add3A_1115 : i32 to index
        %swap3A_1118 = arith.constant 48 : index
        %swap3A_1119 = tpu.vector_load %arg7[%swap3A_1116, %swap3A_1117, %swap3A_1118] {strides = array<i32>} : memref<4x200x128xf32, #tpu.memory_space<vmem>>, vector<16xf32>,
        tpu.vector_store %arg7[%swap3A_1116, %swap3A_1117, %swap3A_1118], %select_n3A_1113 {strides = array<i32>} : memref<4x200x128xf32, #tpu.memory_space<vmem>>, vector<16xf32>,
        %select_n3A_1120 = arith.select %ne3A_1091, %get3A_510, %get3A_478 : vector<16xi1>, vector<16xf32>
        %add3A_1121 = arith.constant 0 : i32
        %add3A_1122 = arith.addi %mul3A_1080, %add3A_1121 : i32
        %swap3A_1123 = arith.index_cast %rem3A_426 : i32 to index
        %swap3A_1124 = arith.index_cast %add3A_1122 : i32 to index
        %swap3A_1125 = arith.constant 64 : index
        %swap3A_1126 = tpu.vector_load %arg7[%swap3A_1123, %swap3A_1124, %swap3A_1125] {strides = array<i32>} : memref<4x200x128xf32, #tpu.memory_space<vmem>>, vector<16xf32>,
        tpu.vector_store %arg7[%swap3A_1123, %swap3A_1124, %swap3A_1125], %select_n3A_1120 {strides = array<i32>} : memref<4x200x128xf32, #tpu.memory_space<vmem>>, vector<16xf32>,
        %select_n3A_1127 = arith.select %ne3A_1091, %get3A_514, %get3A_482 : vector<16xi1>, vector<16xf32>
        %add3A_1128 = arith.constant 0 : i32
        %add3A_1129 = arith.addi %mul3A_1080, %add3A_1128 : i32
        %swap3A_1130 = arith.index_cast %rem3A_426 : i32 to index
        %swap3A_1131 = arith.index_cast %add3A_1129 : i32 to index
        %swap3A_1132 = arith.constant 80 : index
        %swap3A_1133 = tpu.vector_load %arg7[%swap3A_1130, %swap3A_1131, %swap3A_1132] {strides = array<i32>} : memref<4x200x128xf32, #tpu.memory_space<vmem>>, vector<16xf32>,
        tpu.vector_store %arg7[%swap3A_1130, %swap3A_1131, %swap3A_1132], %select_n3A_1127 {strides = array<i32>} : memref<4x200x128xf32, #tpu.memory_space<vmem>>, vector<16xf32>,
        %select_n3A_1134 = arith.select %ne3A_1091, %get3A_518, %get3A_486 : vector<16xi1>, vector<16xf32>
        %add3A_1135 = arith.constant 0 : i32
        %add3A_1136 = arith.addi %mul3A_1080, %add3A_1135 : i32
        %swap3A_1137 = arith.index_cast %rem3A_426 : i32 to index
        %swap3A_1138 = arith.index_cast %add3A_1136 : i32 to index
        %swap3A_1139 = arith.constant 96 : index
        %swap3A_1140 = tpu.vector_load %arg7[%swap3A_1137, %swap3A_1138, %swap3A_1139] {strides = array<i32>} : memref<4x200x128xf32, #tpu.memory_space<vmem>>, vector<16xf32>,
        tpu.vector_store %arg7[%swap3A_1137, %swap3A_1138, %swap3A_1139], %select_n3A_1134 {strides = array<i32>} : memref<4x200x128xf32, #tpu.memory_space<vmem>>, vector<16xf32>,
        %select_n3A_1141 = arith.select %ne3A_1091, %get3A_522, %get3A_490 : vector<16xi1>, vector<16xf32>
        %add3A_1142 = arith.constant 0 : i32
        %add3A_1143 = arith.addi %mul3A_1080, %add3A_1142 : i32
        %swap3A_1144 = arith.index_cast %rem3A_426 : i32 to index
        %swap3A_1145 = arith.index_cast %add3A_1143 : i32 to index
        %swap3A_1146 = arith.constant 112 : index
        %swap3A_1147 = tpu.vector_load %arg7[%swap3A_1144, %swap3A_1145, %swap3A_1146] {strides = array<i32>} : memref<4x200x128xf32, #tpu.memory_space<vmem>>, vector<16xf32>,
        tpu.vector_store %arg7[%swap3A_1144, %swap3A_1145, %swap3A_1146], %select_n3A_1141 {strides = array<i32>} : memref<4x200x128xf32, #tpu.memory_space<vmem>>, vector<16xf32>,
        %broadcast_in_dim3A_1148 = vector.shape_cast %broadcast_in_dim3A_431 : vector<16xi32> to vector<16x1xi32>
        %gather3A_1149 = vector.shape_cast %broadcast_in_dim3A_1148 : vector<16x1xi32> to vector<16xi32>
        %gather3A_1150 = tpu.dynamic_gather %get3A_1085[%gather3A_1149] in [0] : vector<16xi32>, vector<16xi32> -> vector<16xi32>
        %ne3A_1151 = arith.constant 0 : i32
        %ne3A_1152 = vector.broadcast %ne3A_1151 : i32 to vector<16xi32>
        %ne3A_1153 = arith.cmpi ne, %gather3A_1150, %ne3A_1152 : vector<16xi32>
        %select_n3A_1154 = arith.select %ne3A_1153, %get3A_494, %get3A_462 : vector<16xi1>, vector<16xf32>
        %add3A_1155 = arith.constant 1 : i32
        %add3A_1156 = arith.addi %mul3A_1080, %add3A_1155 : i32
        %swap3A_1157 = arith.index_cast %rem3A_426 : i32 to index
        %swap3A_1158 = arith.index_cast %add3A_1156 : i32 to index
        %swap3A_1159 = arith.constant 0 : index
        %swap3A_1160 = tpu.vector_load %arg7[%swap3A_1157, %swap3A_1158, %swap3A_1159] {strides = array<i32>} : memref<4x200x128xf32, #tpu.memory_space<vmem>>, vector<16xf32>,
        tpu.vector_store %arg7[%swap3A_1157, %swap3A_1158, %swap3A_1159], %select_n3A_1154 {strides = array<i32>} : memref<4x200x128xf32, #tpu.memory_space<vmem>>, vector<16xf32>,
        %select_n3A_1161 = arith.select %ne3A_1153, %get3A_498, %get3A_466 : vector<16xi1>, vector<16xf32>
        %add3A_1162 = arith.constant 1 : i32
        %add3A_1163 = arith.addi %mul3A_1080, %add3A_1162 : i32
        %swap3A_1164 = arith.index_cast %rem3A_426 : i32 to index
        %swap3A_1165 = arith.index_cast %add3A_1163 : i32 to index
        %swap3A_1166 = arith.constant 16 : index
        %swap3A_1167 = tpu.vector_load %arg7[%swap3A_1164, %swap3A_1165, %swap3A_1166] {strides = array<i32>} : memref<4x200x128xf32, #tpu.memory_space<vmem>>, vector<16xf32>,
        tpu.vector_store %arg7[%swap3A_1164, %swap3A_1165, %swap3A_1166], %select_n3A_1161 {strides = array<i32>} : memref<4x200x128xf32, #tpu.memory_space<vmem>>, vector<16xf32>,
        %select_n3A_1168 = arith.select %ne3A_1153, %get3A_502, %get3A_470 : vector<16xi1>, vector<16xf32>
        %add3A_1169 = arith.constant 1 : i32
        %add3A_1170 = arith.addi %mul3A_1080, %add3A_1169 : i32
        %swap3A_1171 = arith.index_cast %rem3A_426 : i32 to index
        %swap3A_1172 = arith.index_cast %add3A_1170 : i32 to index
        %swap3A_1173 = arith.constant 32 : index
        %swap3A_1174 = tpu.vector_load %arg7[%swap3A_1171, %swap3A_1172, %swap3A_1173] {strides = array<i32>} : memref<4x200x128xf32, #tpu.memory_space<vmem>>, vector<16xf32>,
        tpu.vector_store %arg7[%swap3A_1171, %swap3A_1172, %swap3A_1173], %select_n3A_1168 {strides = array<i32>} : memref<4x200x128xf32, #tpu.memory_space<vmem>>, vector<16xf32>,
        %select_n3A_1175 = arith.select %ne3A_1153, %get3A_506, %get3A_474 : vector<16xi1>, vector<16xf32>
        %add3A_1176 = arith.constant 1 : i32
        %add3A_1177 = arith.addi %mul3A_1080, %add3A_1176 : i32
        %swap3A_1178 = arith.index_cast %rem3A_426 : i32 to index
        %swap3A_1179 = arith.index_cast %add3A_1177 : i32 to index
        %swap3A_1180 = arith.constant 48 : index
        %swap3A_1181 = tpu.vector_load %arg7[%swap3A_1178, %swap3A_1179, %swap3A_1180] {strides = array<i32>} : memref<4x200x128xf32, #tpu.memory_space<vmem>>, vector<16xf32>,
        tpu.vector_store %arg7[%swap3A_1178, %swap3A_1179, %swap3A_1180], %select_n3A_1175 {strides = array<i32>} : memref<4x200x128xf32, #tpu.memory_space<vmem>>, vector<16xf32>,
        %select_n3A_1182 = arith.select %ne3A_1153, %get3A_510, %get3A_478 : vector<16xi1>, vector<16xf32>
        %add3A_1183 = arith.constant 1 : i32
        %add3A_1184 = arith.addi %mul3A_1080, %add3A_1183 : i32
        %swap3A_1185 = arith.index_cast %rem3A_426 : i32 to index
        %swap3A_1186 = arith.index_cast %add3A_1184 : i32 to index
        %swap3A_1187 = arith.constant 64 : index
        %swap3A_1188 = tpu.vector_load %arg7[%swap3A_1185, %swap3A_1186, %swap3A_1187] {strides = array<i32>} : memref<4x200x128xf32, #tpu.memory_space<vmem>>, vector<16xf32>,
        tpu.vector_store %arg7[%swap3A_1185, %swap3A_1186, %swap3A_1187], %select_n3A_1182 {strides = array<i32>} : memref<4x200x128xf32, #tpu.memory_space<vmem>>, vector<16xf32>,
        %select_n3A_1189 = arith.select %ne3A_1153, %get3A_514, %get3A_482 : vector<16xi1>, vector<16xf32>
        %add3A_1190 = arith.constant 1 : i32
        %add3A_1191 = arith.addi %mul3A_1080, %add3A_1190 : i32
        %swap3A_1192 = arith.index_cast %rem3A_426 : i32 to index
        %swap3A_1193 = arith.index_cast %add3A_1191 : i32 to index
        %swap3A_1194 = arith.constant 80 : index
        %swap3A_1195 = tpu.vector_load %arg7[%swap3A_1192, %swap3A_1193, %swap3A_1194] {strides = array<i32>} : memref<4x200x128xf32, #tpu.memory_space<vmem>>, vector<16xf32>,
        tpu.vector_store %arg7[%swap3A_1192, %swap3A_1193, %swap3A_1194], %select_n3A_1189 {strides = array<i32>} : memref<4x200x128xf32, #tpu.memory_space<vmem>>, vector<16xf32>,
        %select_n3A_1196 = arith.select %ne3A_1153, %get3A_518, %get3A_486 : vector<16xi1>, vector<16xf32>
        %add3A_1197 = arith.constant 1 : i32
        %add3A_1198 = arith.addi %mul3A_1080, %add3A_1197 : i32
        %swap3A_1199 = arith.index_cast %rem3A_426 : i32 to index
        %swap3A_1200 = arith.index_cast %add3A_1198 : i32 to index
        %swap3A_1201 = arith.constant 96 : index
        %swap3A_1202 = tpu.vector_load %arg7[%swap3A_1199, %swap3A_1200, %swap3A_1201] {strides = array<i32>} : memref<4x200x128xf32, #tpu.memory_space<vmem>>, vector<16xf32>,
        tpu.vector_store %arg7[%swap3A_1199, %swap3A_1200, %swap3A_1201], %select_n3A_1196 {strides = array<i32>} : memref<4x200x128xf32, #tpu.memory_space<vmem>>, vector<16xf32>,
        %select_n3A_1203 = arith.select %ne3A_1153, %get3A_522, %get3A_490 : vector<16xi1>, vector<16xf32>
        %add3A_1204 = arith.constant 1 : i32
        %add3A_1205 = arith.addi %mul3A_1080, %add3A_1204 : i32
        %swap3A_1206 = arith.index_cast %rem3A_426 : i32 to index
        %swap3A_1207 = arith.index_cast %add3A_1205 : i32 to index
        %swap3A_1208 = arith.constant 112 : index
        %swap3A_1209 = tpu.vector_load %arg7[%swap3A_1206, %swap3A_1207, %swap3A_1208] {strides = array<i32>} : memref<4x200x128xf32, #tpu.memory_space<vmem>>, vector<16xf32>,
        tpu.vector_store %arg7[%swap3A_1206, %swap3A_1207, %swap3A_1208], %select_n3A_1203 {strides = array<i32>} : memref<4x200x128xf32, #tpu.memory_space<vmem>>, vector<16xf32>,
        %broadcast_in_dim3A_1210 = vector.shape_cast %broadcast_in_dim3A_433 : vector<16xi32> to vector<16x1xi32>
        %gather3A_1211 = vector.shape_cast %broadcast_in_dim3A_1210 : vector<16x1xi32> to vector<16xi32>
        %gather3A_1212 = tpu.dynamic_gather %get3A_1085[%gather3A_1211] in [0] : vector<16xi32>, vector<16xi32> -> vector<16xi32>
        %ne3A_1213 = arith.constant 0 : i32
        %ne3A_1214 = vector.broadcast %ne3A_1213 : i32 to vector<16xi32>
        %ne3A_1215 = arith.cmpi ne, %gather3A_1212, %ne3A_1214 : vector<16xi32>
        %select_n3A_1216 = arith.select %ne3A_1215, %get3A_494, %get3A_462 : vector<16xi1>, vector<16xf32>
        %add3A_1217 = arith.constant 2 : i32
        %add3A_1218 = arith.addi %mul3A_1080, %add3A_1217 : i32
        %swap3A_1219 = arith.index_cast %rem3A_426 : i32 to index
        %swap3A_1220 = arith.index_cast %add3A_1218 : i32 to index
        %swap3A_1221 = arith.constant 0 : index
        %swap3A_1222 = tpu.vector_load %arg7[%swap3A_1219, %swap3A_1220, %swap3A_1221] {strides = array<i32>} : memref<4x200x128xf32, #tpu.memory_space<vmem>>, vector<16xf32>,
        tpu.vector_store %arg7[%swap3A_1219, %swap3A_1220, %swap3A_1221], %select_n3A_1216 {strides = array<i32>} : memref<4x200x128xf32, #tpu.memory_space<vmem>>, vector<16xf32>,
        %select_n3A_1223 = arith.select %ne3A_1215, %get3A_498, %get3A_466 : vector<16xi1>, vector<16xf32>
        %add3A_1224 = arith.constant 2 : i32
        %add3A_1225 = arith.addi %mul3A_1080, %add3A_1224 : i32
        %swap3A_1226 = arith.index_cast %rem3A_426 : i32 to index
        %swap3A_1227 = arith.index_cast %add3A_1225 : i32 to index
        %swap3A_1228 = arith.constant 16 : index
        %swap3A_1229 = tpu.vector_load %arg7[%swap3A_1226, %swap3A_1227, %swap3A_1228] {strides = array<i32>} : memref<4x200x128xf32, #tpu.memory_space<vmem>>, vector<16xf32>,
        tpu.vector_store %arg7[%swap3A_1226, %swap3A_1227, %swap3A_1228], %select_n3A_1223 {strides = array<i32>} : memref<4x200x128xf32, #tpu.memory_space<vmem>>, vector<16xf32>,
        %select_n3A_1230 = arith.select %ne3A_1215, %get3A_502, %get3A_470 : vector<16xi1>, vector<16xf32>
        %add3A_1231 = arith.constant 2 : i32
        %add3A_1232 = arith.addi %mul3A_1080, %add3A_1231 : i32
        %swap3A_1233 = arith.index_cast %rem3A_426 : i32 to index
        %swap3A_1234 = arith.index_cast %add3A_1232 : i32 to index
        %swap3A_1235 = arith.constant 32 : index
        %swap3A_1236 = tpu.vector_load %arg7[%swap3A_1233, %swap3A_1234, %swap3A_1235] {strides = array<i32>} : memref<4x200x128xf32, #tpu.memory_space<vmem>>, vector<16xf32>,
        tpu.vector_store %arg7[%swap3A_1233, %swap3A_1234, %swap3A_1235], %select_n3A_1230 {strides = array<i32>} : memref<4x200x128xf32, #tpu.memory_space<vmem>>, vector<16xf32>,
        %select_n3A_1237 = arith.select %ne3A_1215, %get3A_506, %get3A_474 : vector<16xi1>, vector<16xf32>
        %add3A_1238 = arith.constant 2 : i32
        %add3A_1239 = arith.addi %mul3A_1080, %add3A_1238 : i32
        %swap3A_1240 = arith.index_cast %rem3A_426 : i32 to index
        %swap3A_1241 = arith.index_cast %add3A_1239 : i32 to index
        %swap3A_1242 = arith.constant 48 : index
        %swap3A_1243 = tpu.vector_load %arg7[%swap3A_1240, %swap3A_1241, %swap3A_1242] {strides = array<i32>} : memref<4x200x128xf32, #tpu.memory_space<vmem>>, vector<16xf32>,
        tpu.vector_store %arg7[%swap3A_1240, %swap3A_1241, %swap3A_1242], %select_n3A_1237 {strides = array<i32>} : memref<4x200x128xf32, #tpu.memory_space<vmem>>, vector<16xf32>,
        %select_n3A_1244 = arith.select %ne3A_1215, %get3A_510, %get3A_478 : vector<16xi1>, vector<16xf32>
        %add3A_1245 = arith.constant 2 : i32
        %add3A_1246 = arith.addi %mul3A_1080, %add3A_1245 : i32
        %swap3A_1247 = arith.index_cast %rem3A_426 : i32 to index
        %swap3A_1248 = arith.index_cast %add3A_1246 : i32 to index
        %swap3A_1249 = arith.constant 64 : index
        %swap3A_1250 = tpu.vector_load %arg7[%swap3A_1247, %swap3A_1248, %swap3A_1249] {strides = array<i32>} : memref<4x200x128xf32, #tpu.memory_space<vmem>>, vector<16xf32>,
        tpu.vector_store %arg7[%swap3A_1247, %swap3A_1248, %swap3A_1249], %select_n3A_1244 {strides = array<i32>} : memref<4x200x128xf32, #tpu.memory_space<vmem>>, vector<16xf32>,
        %select_n3A_1251 = arith.select %ne3A_1215, %get3A_514, %get3A_482 : vector<16xi1>, vector<16xf32>
        %add3A_1252 = arith.constant 2 : i32
        %add3A_1253 = arith.addi %mul3A_1080, %add3A_1252 : i32
        %swap3A_1254 = arith.index_cast %rem3A_426 : i32 to index
        %swap3A_1255 = arith.index_cast %add3A_1253 : i32 to index
        %swap3A_1256 = arith.constant 80 : index
        %swap3A_1257 = tpu.vector_load %arg7[%swap3A_1254, %swap3A_1255, %swap3A_1256] {strides = array<i32>} : memref<4x200x128xf32, #tpu.memory_space<vmem>>, vector<16xf32>,
        tpu.vector_store %arg7[%swap3A_1254, %swap3A_1255, %swap3A_1256], %select_n3A_1251 {strides = array<i32>} : memref<4x200x128xf32, #tpu.memory_space<vmem>>, vector<16xf32>,
        %select_n3A_1258 = arith.select %ne3A_1215, %get3A_518, %get3A_486 : vector<16xi1>, vector<16xf32>
        %add3A_1259 = arith.constant 2 : i32
        %add3A_1260 = arith.addi %mul3A_1080, %add3A_1259 : i32
        %swap3A_1261 = arith.index_cast %rem3A_426 : i32 to index
        %swap3A_1262 = arith.index_cast %add3A_1260 : i32 to index
        %swap3A_1263 = arith.constant 96 : index
        %swap3A_1264 = tpu.vector_load %arg7[%swap3A_1261, %swap3A_1262, %swap3A_1263] {strides = array<i32>} : memref<4x200x128xf32, #tpu.memory_space<vmem>>, vector<16xf32>,
        tpu.vector_store %arg7[%swap3A_1261, %swap3A_1262, %swap3A_1263], %select_n3A_1258 {strides = array<i32>} : memref<4x200x128xf32, #tpu.memory_space<vmem>>, vector<16xf32>,
        %select_n3A_1265 = arith.select %ne3A_1215, %get3A_522, %get3A_490 : vector<16xi1>, vector<16xf32>
        %add3A_1266 = arith.constant 2 : i32
        %add3A_1267 = arith.addi %mul3A_1080, %add3A_1266 : i32
        %swap3A_1268 = arith.index_cast %rem3A_426 : i32 to index
        %swap3A_1269 = arith.index_cast %add3A_1267 : i32 to index
        %swap3A_1270 = arith.constant 112 : index
        %swap3A_1271 = tpu.vector_load %arg7[%swap3A_1268, %swap3A_1269, %swap3A_1270] {strides = array<i32>} : memref<4x200x128xf32, #tpu.memory_space<vmem>>, vector<16xf32>,
        tpu.vector_store %arg7[%swap3A_1268, %swap3A_1269, %swap3A_1270], %select_n3A_1265 {strides = array<i32>} : memref<4x200x128xf32, #tpu.memory_space<vmem>>, vector<16xf32>,
        %broadcast_in_dim3A_1272 = vector.shape_cast %broadcast_in_dim3A_435 : vector<16xi32> to vector<16x1xi32>
        %gather3A_1273 = vector.shape_cast %broadcast_in_dim3A_1272 : vector<16x1xi32> to vector<16xi32>
        %gather3A_1274 = tpu.dynamic_gather %get3A_1085[%gather3A_1273] in [0] : vector<16xi32>, vector<16xi32> -> vector<16xi32>
        %ne3A_1275 = arith.constant 0 : i32
        %ne3A_1276 = vector.broadcast %ne3A_1275 : i32 to vector<16xi32>
        %ne3A_1277 = arith.cmpi ne, %gather3A_1274, %ne3A_1276 : vector<16xi32>
        %select_n3A_1278 = arith.select %ne3A_1277, %get3A_494, %get3A_462 : vector<16xi1>, vector<16xf32>
        %add3A_1279 = arith.constant 3 : i32
        %add3A_1280 = arith.addi %mul3A_1080, %add3A_1279 : i32
        %swap3A_1281 = arith.index_cast %rem3A_426 : i32 to index
        %swap3A_1282 = arith.index_cast %add3A_1280 : i32 to index
        %swap3A_1283 = arith.constant 0 : index
        %swap3A_1284 = tpu.vector_load %arg7[%swap3A_1281, %swap3A_1282, %swap3A_1283] {strides = array<i32>} : memref<4x200x128xf32, #tpu.memory_space<vmem>>, vector<16xf32>,
        tpu.vector_store %arg7[%swap3A_1281, %swap3A_1282, %swap3A_1283], %select_n3A_1278 {strides = array<i32>} : memref<4x200x128xf32, #tpu.memory_space<vmem>>, vector<16xf32>,
        %select_n3A_1285 = arith.select %ne3A_1277, %get3A_498, %get3A_466 : vector<16xi1>, vector<16xf32>
        %add3A_1286 = arith.constant 3 : i32
        %add3A_1287 = arith.addi %mul3A_1080, %add3A_1286 : i32
        %swap3A_1288 = arith.index_cast %rem3A_426 : i32 to index
        %swap3A_1289 = arith.index_cast %add3A_1287 : i32 to index
        %swap3A_1290 = arith.constant 16 : index
        %swap3A_1291 = tpu.vector_load %arg7[%swap3A_1288, %swap3A_1289, %swap3A_1290] {strides = array<i32>} : memref<4x200x128xf32, #tpu.memory_space<vmem>>, vector<16xf32>,
        tpu.vector_store %arg7[%swap3A_1288, %swap3A_1289, %swap3A_1290], %select_n3A_1285 {strides = array<i32>} : memref<4x200x128xf32, #tpu.memory_space<vmem>>, vector<16xf32>,
        %select_n3A_1292 = arith.select %ne3A_1277, %get3A_502, %get3A_470 : vector<16xi1>, vector<16xf32>
        %add3A_1293 = arith.constant 3 : i32
        %add3A_1294 = arith.addi %mul3A_1080, %add3A_1293 : i32
        %swap3A_1295 = arith.index_cast %rem3A_426 : i32 to index
        %swap3A_1296 = arith.index_cast %add3A_1294 : i32 to index
        %swap3A_1297 = arith.constant 32 : index
        %swap3A_1298 = tpu.vector_load %arg7[%swap3A_1295, %swap3A_1296, %swap3A_1297] {strides = array<i32>} : memref<4x200x128xf32, #tpu.memory_space<vmem>>, vector<16xf32>,
        tpu.vector_store %arg7[%swap3A_1295, %swap3A_1296, %swap3A_1297], %select_n3A_1292 {strides = array<i32>} : memref<4x200x128xf32, #tpu.memory_space<vmem>>, vector<16xf32>,
        %select_n3A_1299 = arith.select %ne3A_1277, %get3A_506, %get3A_474 : vector<16xi1>, vector<16xf32>
        %add3A_1300 = arith.constant 3 : i32
        %add3A_1301 = arith.addi %mul3A_1080, %add3A_1300 : i32
        %swap3A_1302 = arith.index_cast %rem3A_426 : i32 to index
        %swap3A_1303 = arith.index_cast %add3A_1301 : i32 to index
        %swap3A_1304 = arith.constant 48 : index
        %swap3A_1305 = tpu.vector_load %arg7[%swap3A_1302, %swap3A_1303, %swap3A_1304] {strides = array<i32>} : memref<4x200x128xf32, #tpu.memory_space<vmem>>, vector<16xf32>,
        tpu.vector_store %arg7[%swap3A_1302, %swap3A_1303, %swap3A_1304], %select_n3A_1299 {strides = array<i32>} : memref<4x200x128xf32, #tpu.memory_space<vmem>>, vector<16xf32>,
        %select_n3A_1306 = arith.select %ne3A_1277, %get3A_510, %get3A_478 : vector<16xi1>, vector<16xf32>
        %add3A_1307 = arith.constant 3 : i32
        %add3A_1308 = arith.addi %mul3A_1080, %add3A_1307 : i32
        %swap3A_1309 = arith.index_cast %rem3A_426 : i32 to index
        %swap3A_1310 = arith.index_cast %add3A_1308 : i32 to index
        %swap3A_1311 = arith.constant 64 : index
        %swap3A_1312 = tpu.vector_load %arg7[%swap3A_1309, %swap3A_1310, %swap3A_1311] {strides = array<i32>} : memref<4x200x128xf32, #tpu.memory_space<vmem>>, vector<16xf32>,
        tpu.vector_store %arg7[%swap3A_1309, %swap3A_1310, %swap3A_1311], %select_n3A_1306 {strides = array<i32>} : memref<4x200x128xf32, #tpu.memory_space<vmem>>, vector<16xf32>,
        %select_n3A_1313 = arith.select %ne3A_1277, %get3A_514, %get3A_482 : vector<16xi1>, vector<16xf32>
        %add3A_1314 = arith.constant 3 : i32
        %add3A_1315 = arith.addi %mul3A_1080, %add3A_1314 : i32
        %swap3A_1316 = arith.index_cast %rem3A_426 : i32 to index
        %swap3A_1317 = arith.index_cast %add3A_1315 : i32 to index
        %swap3A_1318 = arith.constant 80 : index
        %swap3A_1319 = tpu.vector_load %arg7[%swap3A_1316, %swap3A_1317, %swap3A_1318] {strides = array<i32>} : memref<4x200x128xf32, #tpu.memory_space<vmem>>, vector<16xf32>,
        tpu.vector_store %arg7[%swap3A_1316, %swap3A_1317, %swap3A_1318], %select_n3A_1313 {strides = array<i32>} : memref<4x200x128xf32, #tpu.memory_space<vmem>>, vector<16xf32>,
        %select_n3A_1320 = arith.select %ne3A_1277, %get3A_518, %get3A_486 : vector<16xi1>, vector<16xf32>
        %add3A_1321 = arith.constant 3 : i32
        %add3A_1322 = arith.addi %mul3A_1080, %add3A_1321 : i32
        %swap3A_1323 = arith.index_cast %rem3A_426 : i32 to index
        %swap3A_1324 = arith.index_cast %add3A_1322 : i32 to index
        %swap3A_1325 = arith.constant 96 : index
        %swap3A_1326 = tpu.vector_load %arg7[%swap3A_1323, %swap3A_1324, %swap3A_1325] {strides = array<i32>} : memref<4x200x128xf32, #tpu.memory_space<vmem>>, vector<16xf32>,
        tpu.vector_store %arg7[%swap3A_1323, %swap3A_1324, %swap3A_1325], %select_n3A_1320 {strides = array<i32>} : memref<4x200x128xf32, #tpu.memory_space<vmem>>, vector<16xf32>,
        %select_n3A_1327 = arith.select %ne3A_1277, %get3A_522, %get3A_490 : vector<16xi1>, vector<16xf32>
        %add3A_1328 = arith.constant 3 : i32
        %add3A_1329 = arith.addi %mul3A_1080, %add3A_1328 : i32
        %swap3A_1330 = arith.index_cast %rem3A_426 : i32 to index
        %swap3A_1331 = arith.index_cast %add3A_1329 : i32 to index
        %swap3A_1332 = arith.constant 112 : index
        %swap3A_1333 = tpu.vector_load %arg7[%swap3A_1330, %swap3A_1331, %swap3A_1332] {strides = array<i32>} : memref<4x200x128xf32, #tpu.memory_space<vmem>>, vector<16xf32>,
        tpu.vector_store %arg7[%swap3A_1330, %swap3A_1331, %swap3A_1332], %select_n3A_1327 {strides = array<i32>} : memref<4x200x128xf32, #tpu.memory_space<vmem>>, vector<16xf32>,
        %broadcast_in_dim3A_1334 = vector.shape_cast %broadcast_in_dim3A_437 : vector<16xi32> to vector<16x1xi32>
        %gather3A_1335 = vector.shape_cast %broadcast_in_dim3A_1334 : vector<16x1xi32> to vector<16xi32>
        %gather3A_1336 = tpu.dynamic_gather %get3A_1085[%gather3A_1335] in [0] : vector<16xi32>, vector<16xi32> -> vector<16xi32>
        %ne3A_1337 = arith.constant 0 : i32
        %ne3A_1338 = vector.broadcast %ne3A_1337 : i32 to vector<16xi32>
        %ne3A_1339 = arith.cmpi ne, %gather3A_1336, %ne3A_1338 : vector<16xi32>
        %select_n3A_1340 = arith.select %ne3A_1339, %get3A_494, %get3A_462 : vector<16xi1>, vector<16xf32>
        %add3A_1341 = arith.constant 4 : i32
        %add3A_1342 = arith.addi %mul3A_1080, %add3A_1341 : i32
        %swap3A_1343 = arith.index_cast %rem3A_426 : i32 to index
        %swap3A_1344 = arith.index_cast %add3A_1342 : i32 to index
        %swap3A_1345 = arith.constant 0 : index
        %swap3A_1346 = tpu.vector_load %arg7[%swap3A_1343, %swap3A_1344, %swap3A_1345] {strides = array<i32>} : memref<4x200x128xf32, #tpu.memory_space<vmem>>, vector<16xf32>,
        tpu.vector_store %arg7[%swap3A_1343, %swap3A_1344, %swap3A_1345], %select_n3A_1340 {strides = array<i32>} : memref<4x200x128xf32, #tpu.memory_space<vmem>>, vector<16xf32>,
        %select_n3A_1347 = arith.select %ne3A_1339, %get3A_498, %get3A_466 : vector<16xi1>, vector<16xf32>
        %add3A_1348 = arith.constant 4 : i32
        %add3A_1349 = arith.addi %mul3A_1080, %add3A_1348 : i32
        %swap3A_1350 = arith.index_cast %rem3A_426 : i32 to index
        %swap3A_1351 = arith.index_cast %add3A_1349 : i32 to index
        %swap3A_1352 = arith.constant 16 : index
        %swap3A_1353 = tpu.vector_load %arg7[%swap3A_1350, %swap3A_1351, %swap3A_1352] {strides = array<i32>} : memref<4x200x128xf32, #tpu.memory_space<vmem>>, vector<16xf32>,
        tpu.vector_store %arg7[%swap3A_1350, %swap3A_1351, %swap3A_1352], %select_n3A_1347 {strides = array<i32>} : memref<4x200x128xf32, #tpu.memory_space<vmem>>, vector<16xf32>,
        %select_n3A_1354 = arith.select %ne3A_1339, %get3A_502, %get3A_470 : vector<16xi1>, vector<16xf32>
        %add3A_1355 = arith.constant 4 : i32
        %add3A_1356 = arith.addi %mul3A_1080, %add3A_1355 : i32
        %swap3A_1357 = arith.index_cast %rem3A_426 : i32 to index
        %swap3A_1358 = arith.index_cast %add3A_1356 : i32 to index
        %swap3A_1359 = arith.constant 32 : index
        %swap3A_1360 = tpu.vector_load %arg7[%swap3A_1357, %swap3A_1358, %swap3A_1359] {strides = array<i32>} : memref<4x200x128xf32, #tpu.memory_space<vmem>>, vector<16xf32>,
        tpu.vector_store %arg7[%swap3A_1357, %swap3A_1358, %swap3A_1359], %select_n3A_1354 {strides = array<i32>} : memref<4x200x128xf32, #tpu.memory_space<vmem>>, vector<16xf32>,
        %select_n3A_1361 = arith.select %ne3A_1339, %get3A_506, %get3A_474 : vector<16xi1>, vector<16xf32>
        %add3A_1362 = arith.constant 4 : i32
        %add3A_1363 = arith.addi %mul3A_1080, %add3A_1362 : i32
        %swap3A_1364 = arith.index_cast %rem3A_426 : i32 to index
        %swap3A_1365 = arith.index_cast %add3A_1363 : i32 to index
        %swap3A_1366 = arith.constant 48 : index
        %swap3A_1367 = tpu.vector_load %arg7[%swap3A_1364, %swap3A_1365, %swap3A_1366] {strides = array<i32>} : memref<4x200x128xf32, #tpu.memory_space<vmem>>, vector<16xf32>,
        tpu.vector_store %arg7[%swap3A_1364, %swap3A_1365, %swap3A_1366], %select_n3A_1361 {strides = array<i32>} : memref<4x200x128xf32, #tpu.memory_space<vmem>>, vector<16xf32>,
        %select_n3A_1368 = arith.select %ne3A_1339, %get3A_510, %get3A_478 : vector<16xi1>, vector<16xf32>
        %add3A_1369 = arith.constant 4 : i32
        %add3A_1370 = arith.addi %mul3A_1080, %add3A_1369 : i32
        %swap3A_1371 = arith.index_cast %rem3A_426 : i32 to index
        %swap3A_1372 = arith.index_cast %add3A_1370 : i32 to index
        %swap3A_1373 = arith.constant 64 : index
        %swap3A_1374 = tpu.vector_load %arg7[%swap3A_1371, %swap3A_1372, %swap3A_1373] {strides = array<i32>} : memref<4x200x128xf32, #tpu.memory_space<vmem>>, vector<16xf32>,
        tpu.vector_store %arg7[%swap3A_1371, %swap3A_1372, %swap3A_1373], %select_n3A_1368 {strides = array<i32>} : memref<4x200x128xf32, #tpu.memory_space<vmem>>, vector<16xf32>,
        %select_n3A_1375 = arith.select %ne3A_1339, %get3A_514, %get3A_482 : vector<16xi1>, vector<16xf32>
        %add3A_1376 = arith.constant 4 : i32
        %add3A_1377 = arith.addi %mul3A_1080, %add3A_1376 : i32
        %swap3A_1378 = arith.index_cast %rem3A_426 : i32 to index
        %swap3A_1379 = arith.index_cast %add3A_1377 : i32 to index
        %swap3A_1380 = arith.constant 80 : index
        %swap3A_1381 = tpu.vector_load %arg7[%swap3A_1378, %swap3A_1379, %swap3A_1380] {strides = array<i32>} : memref<4x200x128xf32, #tpu.memory_space<vmem>>, vector<16xf32>,
        tpu.vector_store %arg7[%swap3A_1378, %swap3A_1379, %swap3A_1380], %select_n3A_1375 {strides = array<i32>} : memref<4x200x128xf32, #tpu.memory_space<vmem>>, vector<16xf32>,
        %select_n3A_1382 = arith.select %ne3A_1339, %get3A_518, %get3A_486 : vector<16xi1>, vector<16xf32>
        %add3A_1383 = arith.constant 4 : i32
        %add3A_1384 = arith.addi %mul3A_1080, %add3A_1383 : i32
        %swap3A_1385 = arith.index_cast %rem3A_426 : i32 to index
        %swap3A_1386 = arith.index_cast %add3A_1384 : i32 to index
        %swap3A_1387 = arith.constant 96 : index
        %swap3A_1388 = tpu.vector_load %arg7[%swap3A_1385, %swap3A_1386, %swap3A_1387] {strides = array<i32>} : memref<4x200x128xf32, #tpu.memory_space<vmem>>, vector<16xf32>,
        tpu.vector_store %arg7[%swap3A_1385, %swap3A_1386, %swap3A_1387], %select_n3A_1382 {strides = array<i32>} : memref<4x200x128xf32, #tpu.memory_space<vmem>>, vector<16xf32>,
        %select_n3A_1389 = arith.select %ne3A_1339, %get3A_522, %get3A_490 : vector<16xi1>, vector<16xf32>
        %add3A_1390 = arith.constant 4 : i32
        %add3A_1391 = arith.addi %mul3A_1080, %add3A_1390 : i32
        %swap3A_1392 = arith.index_cast %rem3A_426 : i32 to index
        %swap3A_1393 = arith.index_cast %add3A_1391 : i32 to index
        %swap3A_1394 = arith.constant 112 : index
        %swap3A_1395 = tpu.vector_load %arg7[%swap3A_1392, %swap3A_1393, %swap3A_1394] {strides = array<i32>} : memref<4x200x128xf32, #tpu.memory_space<vmem>>, vector<16xf32>,
        tpu.vector_store %arg7[%swap3A_1392, %swap3A_1393, %swap3A_1394], %select_n3A_1389 {strides = array<i32>} : memref<4x200x128xf32, #tpu.memory_space<vmem>>, vector<16xf32>,
        %broadcast_in_dim3A_1396 = vector.shape_cast %broadcast_in_dim3A_439 : vector<16xi32> to vector<16x1xi32>
        %gather3A_1397 = vector.shape_cast %broadcast_in_dim3A_1396 : vector<16x1xi32> to vector<16xi32>
        %gather3A_1398 = tpu.dynamic_gather %get3A_1085[%gather3A_1397] in [0] : vector<16xi32>, vector<16xi32> -> vector<16xi32>
        %ne3A_1399 = arith.constant 0 : i32
        %ne3A_1400 = vector.broadcast %ne3A_1399 : i32 to vector<16xi32>
        %ne3A_1401 = arith.cmpi ne, %gather3A_1398, %ne3A_1400 : vector<16xi32>
        %select_n3A_1402 = arith.select %ne3A_1401, %get3A_494, %get3A_462 : vector<16xi1>, vector<16xf32>
        %add3A_1403 = arith.constant 5 : i32
        %add3A_1404 = arith.addi %mul3A_1080, %add3A_1403 : i32
        %swap3A_1405 = arith.index_cast %rem3A_426 : i32 to index
        %swap3A_1406 = arith.index_cast %add3A_1404 : i32 to index
        %swap3A_1407 = arith.constant 0 : index
        %swap3A_1408 = tpu.vector_load %arg7[%swap3A_1405, %swap3A_1406, %swap3A_1407] {strides = array<i32>} : memref<4x200x128xf32, #tpu.memory_space<vmem>>, vector<16xf32>,
        tpu.vector_store %arg7[%swap3A_1405, %swap3A_1406, %swap3A_1407], %select_n3A_1402 {strides = array<i32>} : memref<4x200x128xf32, #tpu.memory_space<vmem>>, vector<16xf32>,
        %select_n3A_1409 = arith.select %ne3A_1401, %get3A_498, %get3A_466 : vector<16xi1>, vector<16xf32>
        %add3A_1410 = arith.constant 5 : i32
        %add3A_1411 = arith.addi %mul3A_1080, %add3A_1410 : i32
        %swap3A_1412 = arith.index_cast %rem3A_426 : i32 to index
        %swap3A_1413 = arith.index_cast %add3A_1411 : i32 to index
        %swap3A_1414 = arith.constant 16 : index
        %swap3A_1415 = tpu.vector_load %arg7[%swap3A_1412, %swap3A_1413, %swap3A_1414] {strides = array<i32>} : memref<4x200x128xf32, #tpu.memory_space<vmem>>, vector<16xf32>,
        tpu.vector_store %arg7[%swap3A_1412, %swap3A_1413, %swap3A_1414], %select_n3A_1409 {strides = array<i32>} : memref<4x200x128xf32, #tpu.memory_space<vmem>>, vector<16xf32>,
        %select_n3A_1416 = arith.select %ne3A_1401, %get3A_502, %get3A_470 : vector<16xi1>, vector<16xf32>
        %add3A_1417 = arith.constant 5 : i32
        %add3A_1418 = arith.addi %mul3A_1080, %add3A_1417 : i32
        %swap3A_1419 = arith.index_cast %rem3A_426 : i32 to index
        %swap3A_1420 = arith.index_cast %add3A_1418 : i32 to index
        %swap3A_1421 = arith.constant 32 : index
        %swap3A_1422 = tpu.vector_load %arg7[%swap3A_1419, %swap3A_1420, %swap3A_1421] {strides = array<i32>} : memref<4x200x128xf32, #tpu.memory_space<vmem>>, vector<16xf32>,
        tpu.vector_store %arg7[%swap3A_1419, %swap3A_1420, %swap3A_1421], %select_n3A_1416 {strides = array<i32>} : memref<4x200x128xf32, #tpu.memory_space<vmem>>, vector<16xf32>,
        %select_n3A_1423 = arith.select %ne3A_1401, %get3A_506, %get3A_474 : vector<16xi1>, vector<16xf32>
        %add3A_1424 = arith.constant 5 : i32
        %add3A_1425 = arith.addi %mul3A_1080, %add3A_1424 : i32
        %swap3A_1426 = arith.index_cast %rem3A_426 : i32 to index
        %swap3A_1427 = arith.index_cast %add3A_1425 : i32 to index
        %swap3A_1428 = arith.constant 48 : index
        %swap3A_1429 = tpu.vector_load %arg7[%swap3A_1426, %swap3A_1427, %swap3A_1428] {strides = array<i32>} : memref<4x200x128xf32, #tpu.memory_space<vmem>>, vector<16xf32>,
        tpu.vector_store %arg7[%swap3A_1426, %swap3A_1427, %swap3A_1428], %select_n3A_1423 {strides = array<i32>} : memref<4x200x128xf32, #tpu.memory_space<vmem>>, vector<16xf32>,
        %select_n3A_1430 = arith.select %ne3A_1401, %get3A_510, %get3A_478 : vector<16xi1>, vector<16xf32>
        %add3A_1431 = arith.constant 5 : i32
        %add3A_1432 = arith.addi %mul3A_1080, %add3A_1431 : i32
        %swap3A_1433 = arith.index_cast %rem3A_426 : i32 to index
        %swap3A_1434 = arith.index_cast %add3A_1432 : i32 to index
        %swap3A_1435 = arith.constant 64 : index
        %swap3A_1436 = tpu.vector_load %arg7[%swap3A_1433, %swap3A_1434, %swap3A_1435] {strides = array<i32>} : memref<4x200x128xf32, #tpu.memory_space<vmem>>, vector<16xf32>,
        tpu.vector_store %arg7[%swap3A_1433, %swap3A_1434, %swap3A_1435], %select_n3A_1430 {strides = array<i32>} : memref<4x200x128xf32, #tpu.memory_space<vmem>>, vector<16xf32>,
        %select_n3A_1437 = arith.select %ne3A_1401, %get3A_514, %get3A_482 : vector<16xi1>, vector<16xf32>
        %add3A_1438 = arith.constant 5 : i32
        %add3A_1439 = arith.addi %mul3A_1080, %add3A_1438 : i32
        %swap3A_1440 = arith.index_cast %rem3A_426 : i32 to index
        %swap3A_1441 = arith.index_cast %add3A_1439 : i32 to index
        %swap3A_1442 = arith.constant 80 : index
        %swap3A_1443 = tpu.vector_load %arg7[%swap3A_1440, %swap3A_1441, %swap3A_1442] {strides = array<i32>} : memref<4x200x128xf32, #tpu.memory_space<vmem>>, vector<16xf32>,
        tpu.vector_store %arg7[%swap3A_1440, %swap3A_1441, %swap3A_1442], %select_n3A_1437 {strides = array<i32>} : memref<4x200x128xf32, #tpu.memory_space<vmem>>, vector<16xf32>,
        %select_n3A_1444 = arith.select %ne3A_1401, %get3A_518, %get3A_486 : vector<16xi1>, vector<16xf32>
        %add3A_1445 = arith.constant 5 : i32
        %add3A_1446 = arith.addi %mul3A_1080, %add3A_1445 : i32
        %swap3A_1447 = arith.index_cast %rem3A_426 : i32 to index
        %swap3A_1448 = arith.index_cast %add3A_1446 : i32 to index
        %swap3A_1449 = arith.constant 96 : index
        %swap3A_1450 = tpu.vector_load %arg7[%swap3A_1447, %swap3A_1448, %swap3A_1449] {strides = array<i32>} : memref<4x200x128xf32, #tpu.memory_space<vmem>>, vector<16xf32>,
        tpu.vector_store %arg7[%swap3A_1447, %swap3A_1448, %swap3A_1449], %select_n3A_1444 {strides = array<i32>} : memref<4x200x128xf32, #tpu.memory_space<vmem>>, vector<16xf32>,
        %select_n3A_1451 = arith.select %ne3A_1401, %get3A_522, %get3A_490 : vector<16xi1>, vector<16xf32>
        %add3A_1452 = arith.constant 5 : i32
        %add3A_1453 = arith.addi %mul3A_1080, %add3A_1452 : i32
        %swap3A_1454 = arith.index_cast %rem3A_426 : i32 to index
        %swap3A_1455 = arith.index_cast %add3A_1453 : i32 to index
        %swap3A_1456 = arith.constant 112 : index
        %swap3A_1457 = tpu.vector_load %arg7[%swap3A_1454, %swap3A_1455, %swap3A_1456] {strides = array<i32>} : memref<4x200x128xf32, #tpu.memory_space<vmem>>, vector<16xf32>,
        tpu.vector_store %arg7[%swap3A_1454, %swap3A_1455, %swap3A_1456], %select_n3A_1451 {strides = array<i32>} : memref<4x200x128xf32, #tpu.memory_space<vmem>>, vector<16xf32>,
        %broadcast_in_dim3A_1458 = vector.shape_cast %broadcast_in_dim3A_441 : vector<16xi32> to vector<16x1xi32>
        %gather3A_1459 = vector.shape_cast %broadcast_in_dim3A_1458 : vector<16x1xi32> to vector<16xi32>
        %gather3A_1460 = tpu.dynamic_gather %get3A_1085[%gather3A_1459] in [0] : vector<16xi32>, vector<16xi32> -> vector<16xi32>
        %ne3A_1461 = arith.constant 0 : i32
        %ne3A_1462 = vector.broadcast %ne3A_1461 : i32 to vector<16xi32>
        %ne3A_1463 = arith.cmpi ne, %gather3A_1460, %ne3A_1462 : vector<16xi32>
        %select_n3A_1464 = arith.select %ne3A_1463, %get3A_494, %get3A_462 : vector<16xi1>, vector<16xf32>
        %add3A_1465 = arith.constant 6 : i32
        %add3A_1466 = arith.addi %mul3A_1080, %add3A_1465 : i32
        %swap3A_1467 = arith.index_cast %rem3A_426 : i32 to index
        %swap3A_1468 = arith.index_cast %add3A_1466 : i32 to index
        %swap3A_1469 = arith.constant 0 : index
        %swap3A_1470 = tpu.vector_load %arg7[%swap3A_1467, %swap3A_1468, %swap3A_1469] {strides = array<i32>} : memref<4x200x128xf32, #tpu.memory_space<vmem>>, vector<16xf32>,
        tpu.vector_store %arg7[%swap3A_1467, %swap3A_1468, %swap3A_1469], %select_n3A_1464 {strides = array<i32>} : memref<4x200x128xf32, #tpu.memory_space<vmem>>, vector<16xf32>,
        %select_n3A_1471 = arith.select %ne3A_1463, %get3A_498, %get3A_466 : vector<16xi1>, vector<16xf32>
        %add3A_1472 = arith.constant 6 : i32
        %add3A_1473 = arith.addi %mul3A_1080, %add3A_1472 : i32
        %swap3A_1474 = arith.index_cast %rem3A_426 : i32 to index
        %swap3A_1475 = arith.index_cast %add3A_1473 : i32 to index
        %swap3A_1476 = arith.constant 16 : index
        %swap3A_1477 = tpu.vector_load %arg7[%swap3A_1474, %swap3A_1475, %swap3A_1476] {strides = array<i32>} : memref<4x200x128xf32, #tpu.memory_space<vmem>>, vector<16xf32>,
        tpu.vector_store %arg7[%swap3A_1474, %swap3A_1475, %swap3A_1476], %select_n3A_1471 {strides = array<i32>} : memref<4x200x128xf32, #tpu.memory_space<vmem>>, vector<16xf32>,
        %select_n3A_1478 = arith.select %ne3A_1463, %get3A_502, %get3A_470 : vector<16xi1>, vector<16xf32>
        %add3A_1479 = arith.constant 6 : i32
        %add3A_1480 = arith.addi %mul3A_1080, %add3A_1479 : i32
        %swap3A_1481 = arith.index_cast %rem3A_426 : i32 to index
        %swap3A_1482 = arith.index_cast %add3A_1480 : i32 to index
        %swap3A_1483 = arith.constant 32 : index
        %swap3A_1484 = tpu.vector_load %arg7[%swap3A_1481, %swap3A_1482, %swap3A_1483] {strides = array<i32>} : memref<4x200x128xf32, #tpu.memory_space<vmem>>, vector<16xf32>,
        tpu.vector_store %arg7[%swap3A_1481, %swap3A_1482, %swap3A_1483], %select_n3A_1478 {strides = array<i32>} : memref<4x200x128xf32, #tpu.memory_space<vmem>>, vector<16xf32>,
        %select_n3A_1485 = arith.select %ne3A_1463, %get3A_506, %get3A_474 : vector<16xi1>, vector<16xf32>
        %add3A_1486 = arith.constant 6 : i32
        %add3A_1487 = arith.addi %mul3A_1080, %add3A_1486 : i32
        %swap3A_1488 = arith.index_cast %rem3A_426 : i32 to index
        %swap3A_1489 = arith.index_cast %add3A_1487 : i32 to index
        %swap3A_1490 = arith.constant 48 : index
        %swap3A_1491 = tpu.vector_load %arg7[%swap3A_1488, %swap3A_1489, %swap3A_1490] {strides = array<i32>} : memref<4x200x128xf32, #tpu.memory_space<vmem>>, vector<16xf32>,
        tpu.vector_store %arg7[%swap3A_1488, %swap3A_1489, %swap3A_1490], %select_n3A_1485 {strides = array<i32>} : memref<4x200x128xf32, #tpu.memory_space<vmem>>, vector<16xf32>,
        %select_n3A_1492 = arith.select %ne3A_1463, %get3A_510, %get3A_478 : vector<16xi1>, vector<16xf32>
        %add3A_1493 = arith.constant 6 : i32
        %add3A_1494 = arith.addi %mul3A_1080, %add3A_1493 : i32
        %swap3A_1495 = arith.index_cast %rem3A_426 : i32 to index
        %swap3A_1496 = arith.index_cast %add3A_1494 : i32 to index
        %swap3A_1497 = arith.constant 64 : index
        %swap3A_1498 = tpu.vector_load %arg7[%swap3A_1495, %swap3A_1496, %swap3A_1497] {strides = array<i32>} : memref<4x200x128xf32, #tpu.memory_space<vmem>>, vector<16xf32>,
        tpu.vector_store %arg7[%swap3A_1495, %swap3A_1496, %swap3A_1497], %select_n3A_1492 {strides = array<i32>} : memref<4x200x128xf32, #tpu.memory_space<vmem>>, vector<16xf32>,
        %select_n3A_1499 = arith.select %ne3A_1463, %get3A_514, %get3A_482 : vector<16xi1>, vector<16xf32>
        %add3A_1500 = arith.constant 6 : i32
        %add3A_1501 = arith.addi %mul3A_1080, %add3A_1500 : i32
        %swap3A_1502 = arith.index_cast %rem3A_426 : i32 to index
        %swap3A_1503 = arith.index_cast %add3A_1501 : i32 to index
        %swap3A_1504 = arith.constant 80 : index
        %swap3A_1505 = tpu.vector_load %arg7[%swap3A_1502, %swap3A_1503, %swap3A_1504] {strides = array<i32>} : memref<4x200x128xf32, #tpu.memory_space<vmem>>, vector<16xf32>,
        tpu.vector_store %arg7[%swap3A_1502, %swap3A_1503, %swap3A_1504], %select_n3A_1499 {strides = array<i32>} : memref<4x200x128xf32, #tpu.memory_space<vmem>>, vector<16xf32>,
        %select_n3A_1506 = arith.select %ne3A_1463, %get3A_518, %get3A_486 : vector<16xi1>, vector<16xf32>
        %add3A_1507 = arith.constant 6 : i32
        %add3A_1508 = arith.addi %mul3A_1080, %add3A_1507 : i32
        %swap3A_1509 = arith.index_cast %rem3A_426 : i32 to index
        %swap3A_1510 = arith.index_cast %add3A_1508 : i32 to index
        %swap3A_1511 = arith.constant 96 : index
        %swap3A_1512 = tpu.vector_load %arg7[%swap3A_1509, %swap3A_1510, %swap3A_1511] {strides = array<i32>} : memref<4x200x128xf32, #tpu.memory_space<vmem>>, vector<16xf32>,
        tpu.vector_store %arg7[%swap3A_1509, %swap3A_1510, %swap3A_1511], %select_n3A_1506 {strides = array<i32>} : memref<4x200x128xf32, #tpu.memory_space<vmem>>, vector<16xf32>,
        %select_n3A_1513 = arith.select %ne3A_1463, %get3A_522, %get3A_490 : vector<16xi1>, vector<16xf32>
        %add3A_1514 = arith.constant 6 : i32
        %add3A_1515 = arith.addi %mul3A_1080, %add3A_1514 : i32
        %swap3A_1516 = arith.index_cast %rem3A_426 : i32 to index
        %swap3A_1517 = arith.index_cast %add3A_1515 : i32 to index
        %swap3A_1518 = arith.constant 112 : index
        %swap3A_1519 = tpu.vector_load %arg7[%swap3A_1516, %swap3A_1517, %swap3A_1518] {strides = array<i32>} : memref<4x200x128xf32, #tpu.memory_space<vmem>>, vector<16xf32>,
        tpu.vector_store %arg7[%swap3A_1516, %swap3A_1517, %swap3A_1518], %select_n3A_1513 {strides = array<i32>} : memref<4x200x128xf32, #tpu.memory_space<vmem>>, vector<16xf32>,
        %broadcast_in_dim3A_1520 = vector.shape_cast %broadcast_in_dim3A_443 : vector<16xi32> to vector<16x1xi32>
        %gather3A_1521 = vector.shape_cast %broadcast_in_dim3A_1520 : vector<16x1xi32> to vector<16xi32>
        %gather3A_1522 = tpu.dynamic_gather %get3A_1085[%gather3A_1521] in [0] : vector<16xi32>, vector<16xi32> -> vector<16xi32>
        %ne3A_1523 = arith.constant 0 : i32
        %ne3A_1524 = vector.broadcast %ne3A_1523 : i32 to vector<16xi32>
        %ne3A_1525 = arith.cmpi ne, %gather3A_1522, %ne3A_1524 : vector<16xi32>
        %select_n3A_1526 = arith.select %ne3A_1525, %get3A_494, %get3A_462 : vector<16xi1>, vector<16xf32>
        %add3A_1527 = arith.constant 7 : i32
        %add3A_1528 = arith.addi %mul3A_1080, %add3A_1527 : i32
        %swap3A_1529 = arith.index_cast %rem3A_426 : i32 to index
        %swap3A_1530 = arith.index_cast %add3A_1528 : i32 to index
        %swap3A_1531 = arith.constant 0 : index
        %swap3A_1532 = tpu.vector_load %arg7[%swap3A_1529, %swap3A_1530, %swap3A_1531] {strides = array<i32>} : memref<4x200x128xf32, #tpu.memory_space<vmem>>, vector<16xf32>,
        tpu.vector_store %arg7[%swap3A_1529, %swap3A_1530, %swap3A_1531], %select_n3A_1526 {strides = array<i32>} : memref<4x200x128xf32, #tpu.memory_space<vmem>>, vector<16xf32>,
        %select_n3A_1533 = arith.select %ne3A_1525, %get3A_498, %get3A_466 : vector<16xi1>, vector<16xf32>
        %add3A_1534 = arith.constant 7 : i32
        %add3A_1535 = arith.addi %mul3A_1080, %add3A_1534 : i32
        %swap3A_1536 = arith.index_cast %rem3A_426 : i32 to index
        %swap3A_1537 = arith.index_cast %add3A_1535 : i32 to index
        %swap3A_1538 = arith.constant 16 : index
        %swap3A_1539 = tpu.vector_load %arg7[%swap3A_1536, %swap3A_1537, %swap3A_1538] {strides = array<i32>} : memref<4x200x128xf32, #tpu.memory_space<vmem>>, vector<16xf32>,
        tpu.vector_store %arg7[%swap3A_1536, %swap3A_1537, %swap3A_1538], %select_n3A_1533 {strides = array<i32>} : memref<4x200x128xf32, #tpu.memory_space<vmem>>, vector<16xf32>,
        %select_n3A_1540 = arith.select %ne3A_1525, %get3A_502, %get3A_470 : vector<16xi1>, vector<16xf32>
        %add3A_1541 = arith.constant 7 : i32
        %add3A_1542 = arith.addi %mul3A_1080, %add3A_1541 : i32
        %swap3A_1543 = arith.index_cast %rem3A_426 : i32 to index
        %swap3A_1544 = arith.index_cast %add3A_1542 : i32 to index
        %swap3A_1545 = arith.constant 32 : index
        %swap3A_1546 = tpu.vector_load %arg7[%swap3A_1543, %swap3A_1544, %swap3A_1545] {strides = array<i32>} : memref<4x200x128xf32, #tpu.memory_space<vmem>>, vector<16xf32>,
        tpu.vector_store %arg7[%swap3A_1543, %swap3A_1544, %swap3A_1545], %select_n3A_1540 {strides = array<i32>} : memref<4x200x128xf32, #tpu.memory_space<vmem>>, vector<16xf32>,
        %select_n3A_1547 = arith.select %ne3A_1525, %get3A_506, %get3A_474 : vector<16xi1>, vector<16xf32>
        %add3A_1548 = arith.constant 7 : i32
        %add3A_1549 = arith.addi %mul3A_1080, %add3A_1548 : i32
        %swap3A_1550 = arith.index_cast %rem3A_426 : i32 to index
        %swap3A_1551 = arith.index_cast %add3A_1549 : i32 to index
        %swap3A_1552 = arith.constant 48 : index
        %swap3A_1553 = tpu.vector_load %arg7[%swap3A_1550, %swap3A_1551, %swap3A_1552] {strides = array<i32>} : memref<4x200x128xf32, #tpu.memory_space<vmem>>, vector<16xf32>,
        tpu.vector_store %arg7[%swap3A_1550, %swap3A_1551, %swap3A_1552], %select_n3A_1547 {strides = array<i32>} : memref<4x200x128xf32, #tpu.memory_space<vmem>>, vector<16xf32>,
        %select_n3A_1554 = arith.select %ne3A_1525, %get3A_510, %get3A_478 : vector<16xi1>, vector<16xf32>
        %add3A_1555 = arith.constant 7 : i32
        %add3A_1556 = arith.addi %mul3A_1080, %add3A_1555 : i32
        %swap3A_1557 = arith.index_cast %rem3A_426 : i32 to index
        %swap3A_1558 = arith.index_cast %add3A_1556 : i32 to index
        %swap3A_1559 = arith.constant 64 : index
        %swap3A_1560 = tpu.vector_load %arg7[%swap3A_1557, %swap3A_1558, %swap3A_1559] {strides = array<i32>} : memref<4x200x128xf32, #tpu.memory_space<vmem>>, vector<16xf32>,
        tpu.vector_store %arg7[%swap3A_1557, %swap3A_1558, %swap3A_1559], %select_n3A_1554 {strides = array<i32>} : memref<4x200x128xf32, #tpu.memory_space<vmem>>, vector<16xf32>,
        %select_n3A_1561 = arith.select %ne3A_1525, %get3A_514, %get3A_482 : vector<16xi1>, vector<16xf32>
        %add3A_1562 = arith.constant 7 : i32
        %add3A_1563 = arith.addi %mul3A_1080, %add3A_1562 : i32
        %swap3A_1564 = arith.index_cast %rem3A_426 : i32 to index
        %swap3A_1565 = arith.index_cast %add3A_1563 : i32 to index
        %swap3A_1566 = arith.constant 80 : index
        %swap3A_1567 = tpu.vector_load %arg7[%swap3A_1564, %swap3A_1565, %swap3A_1566] {strides = array<i32>} : memref<4x200x128xf32, #tpu.memory_space<vmem>>, vector<16xf32>,
        tpu.vector_store %arg7[%swap3A_1564, %swap3A_1565, %swap3A_1566], %select_n3A_1561 {strides = array<i32>} : memref<4x200x128xf32, #tpu.memory_space<vmem>>, vector<16xf32>,
        %select_n3A_1568 = arith.select %ne3A_1525, %get3A_518, %get3A_486 : vector<16xi1>, vector<16xf32>
        %add3A_1569 = arith.constant 7 : i32
        %add3A_1570 = arith.addi %mul3A_1080, %add3A_1569 : i32
        %swap3A_1571 = arith.index_cast %rem3A_426 : i32 to index
        %swap3A_1572 = arith.index_cast %add3A_1570 : i32 to index
        %swap3A_1573 = arith.constant 96 : index
        %swap3A_1574 = tpu.vector_load %arg7[%swap3A_1571, %swap3A_1572, %swap3A_1573] {strides = array<i32>} : memref<4x200x128xf32, #tpu.memory_space<vmem>>, vector<16xf32>,
        tpu.vector_store %arg7[%swap3A_1571, %swap3A_1572, %swap3A_1573], %select_n3A_1568 {strides = array<i32>} : memref<4x200x128xf32, #tpu.memory_space<vmem>>, vector<16xf32>,
        %select_n3A_1575 = arith.select %ne3A_1525, %get3A_522, %get3A_490 : vector<16xi1>, vector<16xf32>
        %add3A_1576 = arith.constant 7 : i32
        %add3A_1577 = arith.addi %mul3A_1080, %add3A_1576 : i32
        %swap3A_1578 = arith.index_cast %rem3A_426 : i32 to index
        %swap3A_1579 = arith.index_cast %add3A_1577 : i32 to index
        %swap3A_1580 = arith.constant 112 : index
        %swap3A_1581 = tpu.vector_load %arg7[%swap3A_1578, %swap3A_1579, %swap3A_1580] {strides = array<i32>} : memref<4x200x128xf32, #tpu.memory_space<vmem>>, vector<16xf32>,
        tpu.vector_store %arg7[%swap3A_1578, %swap3A_1579, %swap3A_1580], %select_n3A_1575 {strides = array<i32>} : memref<4x200x128xf32, #tpu.memory_space<vmem>>, vector<16xf32>,
        %broadcast_in_dim3A_1582 = vector.shape_cast %broadcast_in_dim3A_445 : vector<16xi32> to vector<16x1xi32>
        %gather3A_1583 = vector.shape_cast %broadcast_in_dim3A_1582 : vector<16x1xi32> to vector<16xi32>
        %gather3A_1584 = tpu.dynamic_gather %get3A_1085[%gather3A_1583] in [0] : vector<16xi32>, vector<16xi32> -> vector<16xi32>
        %ne3A_1585 = arith.constant 0 : i32
        %ne3A_1586 = vector.broadcast %ne3A_1585 : i32 to vector<16xi32>
        %ne3A_1587 = arith.cmpi ne, %gather3A_1584, %ne3A_1586 : vector<16xi32>
        %select_n3A_1588 = arith.select %ne3A_1587, %get3A_494, %get3A_462 : vector<16xi1>, vector<16xf32>
        %add3A_1589 = arith.constant 8 : i32
        %add3A_1590 = arith.addi %mul3A_1080, %add3A_1589 : i32
        %swap3A_1591 = arith.index_cast %rem3A_426 : i32 to index
        %swap3A_1592 = arith.index_cast %add3A_1590 : i32 to index
        %swap3A_1593 = arith.constant 0 : index
        %swap3A_1594 = tpu.vector_load %arg7[%swap3A_1591, %swap3A_1592, %swap3A_1593] {strides = array<i32>} : memref<4x200x128xf32, #tpu.memory_space<vmem>>, vector<16xf32>,
        tpu.vector_store %arg7[%swap3A_1591, %swap3A_1592, %swap3A_1593], %select_n3A_1588 {strides = array<i32>} : memref<4x200x128xf32, #tpu.memory_space<vmem>>, vector<16xf32>,
        %select_n3A_1595 = arith.select %ne3A_1587, %get3A_498, %get3A_466 : vector<16xi1>, vector<16xf32>
        %add3A_1596 = arith.constant 8 : i32
        %add3A_1597 = arith.addi %mul3A_1080, %add3A_1596 : i32
        %swap3A_1598 = arith.index_cast %rem3A_426 : i32 to index
        %swap3A_1599 = arith.index_cast %add3A_1597 : i32 to index
        %swap3A_1600 = arith.constant 16 : index
        %swap3A_1601 = tpu.vector_load %arg7[%swap3A_1598, %swap3A_1599, %swap3A_1600] {strides = array<i32>} : memref<4x200x128xf32, #tpu.memory_space<vmem>>, vector<16xf32>,
        tpu.vector_store %arg7[%swap3A_1598, %swap3A_1599, %swap3A_1600], %select_n3A_1595 {strides = array<i32>} : memref<4x200x128xf32, #tpu.memory_space<vmem>>, vector<16xf32>,
        %select_n3A_1602 = arith.select %ne3A_1587, %get3A_502, %get3A_470 : vector<16xi1>, vector<16xf32>
        %add3A_1603 = arith.constant 8 : i32
        %add3A_1604 = arith.addi %mul3A_1080, %add3A_1603 : i32
        %swap3A_1605 = arith.index_cast %rem3A_426 : i32 to index
        %swap3A_1606 = arith.index_cast %add3A_1604 : i32 to index
        %swap3A_1607 = arith.constant 32 : index
        %swap3A_1608 = tpu.vector_load %arg7[%swap3A_1605, %swap3A_1606, %swap3A_1607] {strides = array<i32>} : memref<4x200x128xf32, #tpu.memory_space<vmem>>, vector<16xf32>,
        tpu.vector_store %arg7[%swap3A_1605, %swap3A_1606, %swap3A_1607], %select_n3A_1602 {strides = array<i32>} : memref<4x200x128xf32, #tpu.memory_space<vmem>>, vector<16xf32>,
        %select_n3A_1609 = arith.select %ne3A_1587, %get3A_506, %get3A_474 : vector<16xi1>, vector<16xf32>
        %add3A_1610 = arith.constant 8 : i32
        %add3A_1611 = arith.addi %mul3A_1080, %add3A_1610 : i32
        %swap3A_1612 = arith.index_cast %rem3A_426 : i32 to index
        %swap3A_1613 = arith.index_cast %add3A_1611 : i32 to index
        %swap3A_1614 = arith.constant 48 : index
        %swap3A_1615 = tpu.vector_load %arg7[%swap3A_1612, %swap3A_1613, %swap3A_1614] {strides = array<i32>} : memref<4x200x128xf32, #tpu.memory_space<vmem>>, vector<16xf32>,
        tpu.vector_store %arg7[%swap3A_1612, %swap3A_1613, %swap3A_1614], %select_n3A_1609 {strides = array<i32>} : memref<4x200x128xf32, #tpu.memory_space<vmem>>, vector<16xf32>,
        %select_n3A_1616 = arith.select %ne3A_1587, %get3A_510, %get3A_478 : vector<16xi1>, vector<16xf32>
        %add3A_1617 = arith.constant 8 : i32
        %add3A_1618 = arith.addi %mul3A_1080, %add3A_1617 : i32
        %swap3A_1619 = arith.index_cast %rem3A_426 : i32 to index
        %swap3A_1620 = arith.index_cast %add3A_1618 : i32 to index
        %swap3A_1621 = arith.constant 64 : index
        %swap3A_1622 = tpu.vector_load %arg7[%swap3A_1619, %swap3A_1620, %swap3A_1621] {strides = array<i32>} : memref<4x200x128xf32, #tpu.memory_space<vmem>>, vector<16xf32>,
        tpu.vector_store %arg7[%swap3A_1619, %swap3A_1620, %swap3A_1621], %select_n3A_1616 {strides = array<i32>} : memref<4x200x128xf32, #tpu.memory_space<vmem>>, vector<16xf32>,
        %select_n3A_1623 = arith.select %ne3A_1587, %get3A_514, %get3A_482 : vector<16xi1>, vector<16xf32>
        %add3A_1624 = arith.constant 8 : i32
        %add3A_1625 = arith.addi %mul3A_1080, %add3A_1624 : i32
        %swap3A_1626 = arith.index_cast %rem3A_426 : i32 to index
        %swap3A_1627 = arith.index_cast %add3A_1625 : i32 to index
        %swap3A_1628 = arith.constant 80 : index
        %swap3A_1629 = tpu.vector_load %arg7[%swap3A_1626, %swap3A_1627, %swap3A_1628] {strides = array<i32>} : memref<4x200x128xf32, #tpu.memory_space<vmem>>, vector<16xf32>,
        tpu.vector_store %arg7[%swap3A_1626, %swap3A_1627, %swap3A_1628], %select_n3A_1623 {strides = array<i32>} : memref<4x200x128xf32, #tpu.memory_space<vmem>>, vector<16xf32>,
        %select_n3A_1630 = arith.select %ne3A_1587, %get3A_518, %get3A_486 : vector<16xi1>, vector<16xf32>
        %add3A_1631 = arith.constant 8 : i32
        %add3A_1632 = arith.addi %mul3A_1080, %add3A_1631 : i32
        %swap3A_1633 = arith.index_cast %rem3A_426 : i32 to index
        %swap3A_1634 = arith.index_cast %add3A_1632 : i32 to index
        %swap3A_1635 = arith.constant 96 : index
        %swap3A_1636 = tpu.vector_load %arg7[%swap3A_1633, %swap3A_1634, %swap3A_1635] {strides = array<i32>} : memref<4x200x128xf32, #tpu.memory_space<vmem>>, vector<16xf32>,
        tpu.vector_store %arg7[%swap3A_1633, %swap3A_1634, %swap3A_1635], %select_n3A_1630 {strides = array<i32>} : memref<4x200x128xf32, #tpu.memory_space<vmem>>, vector<16xf32>,
        %select_n3A_1637 = arith.select %ne3A_1587, %get3A_522, %get3A_490 : vector<16xi1>, vector<16xf32>
        %add3A_1638 = arith.constant 8 : i32
        %add3A_1639 = arith.addi %mul3A_1080, %add3A_1638 : i32
        %swap3A_1640 = arith.index_cast %rem3A_426 : i32 to index
        %swap3A_1641 = arith.index_cast %add3A_1639 : i32 to index
        %swap3A_1642 = arith.constant 112 : index
        %swap3A_1643 = tpu.vector_load %arg7[%swap3A_1640, %swap3A_1641, %swap3A_1642] {strides = array<i32>} : memref<4x200x128xf32, #tpu.memory_space<vmem>>, vector<16xf32>,
        tpu.vector_store %arg7[%swap3A_1640, %swap3A_1641, %swap3A_1642], %select_n3A_1637 {strides = array<i32>} : memref<4x200x128xf32, #tpu.memory_space<vmem>>, vector<16xf32>,
        %broadcast_in_dim3A_1644 = vector.shape_cast %broadcast_in_dim3A_447 : vector<16xi32> to vector<16x1xi32>
        %gather3A_1645 = vector.shape_cast %broadcast_in_dim3A_1644 : vector<16x1xi32> to vector<16xi32>
        %gather3A_1646 = tpu.dynamic_gather %get3A_1085[%gather3A_1645] in [0] : vector<16xi32>, vector<16xi32> -> vector<16xi32>
        %ne3A_1647 = arith.constant 0 : i32
        %ne3A_1648 = vector.broadcast %ne3A_1647 : i32 to vector<16xi32>
        %ne3A_1649 = arith.cmpi ne, %gather3A_1646, %ne3A_1648 : vector<16xi32>
        %select_n3A_1650 = arith.select %ne3A_1649, %get3A_494, %get3A_462 : vector<16xi1>, vector<16xf32>
        %add3A_1651 = arith.constant 9 : i32
        %add3A_1652 = arith.addi %mul3A_1080, %add3A_1651 : i32
        %swap3A_1653 = arith.index_cast %rem3A_426 : i32 to index
        %swap3A_1654 = arith.index_cast %add3A_1652 : i32 to index
        %swap3A_1655 = arith.constant 0 : index
        %swap3A_1656 = tpu.vector_load %arg7[%swap3A_1653, %swap3A_1654, %swap3A_1655] {strides = array<i32>} : memref<4x200x128xf32, #tpu.memory_space<vmem>>, vector<16xf32>,
        tpu.vector_store %arg7[%swap3A_1653, %swap3A_1654, %swap3A_1655], %select_n3A_1650 {strides = array<i32>} : memref<4x200x128xf32, #tpu.memory_space<vmem>>, vector<16xf32>,
        %select_n3A_1657 = arith.select %ne3A_1649, %get3A_498, %get3A_466 : vector<16xi1>, vector<16xf32>
        %add3A_1658 = arith.constant 9 : i32
        %add3A_1659 = arith.addi %mul3A_1080, %add3A_1658 : i32
        %swap3A_1660 = arith.index_cast %rem3A_426 : i32 to index
        %swap3A_1661 = arith.index_cast %add3A_1659 : i32 to index
        %swap3A_1662 = arith.constant 16 : index
        %swap3A_1663 = tpu.vector_load %arg7[%swap3A_1660, %swap3A_1661, %swap3A_1662] {strides = array<i32>} : memref<4x200x128xf32, #tpu.memory_space<vmem>>, vector<16xf32>,
        tpu.vector_store %arg7[%swap3A_1660, %swap3A_1661, %swap3A_1662], %select_n3A_1657 {strides = array<i32>} : memref<4x200x128xf32, #tpu.memory_space<vmem>>, vector<16xf32>,
        %select_n3A_1664 = arith.select %ne3A_1649, %get3A_502, %get3A_470 : vector<16xi1>, vector<16xf32>
        %add3A_1665 = arith.constant 9 : i32
        %add3A_1666 = arith.addi %mul3A_1080, %add3A_1665 : i32
        %swap3A_1667 = arith.index_cast %rem3A_426 : i32 to index
        %swap3A_1668 = arith.index_cast %add3A_1666 : i32 to index
        %swap3A_1669 = arith.constant 32 : index
        %swap3A_1670 = tpu.vector_load %arg7[%swap3A_1667, %swap3A_1668, %swap3A_1669] {strides = array<i32>} : memref<4x200x128xf32, #tpu.memory_space<vmem>>, vector<16xf32>,
        tpu.vector_store %arg7[%swap3A_1667, %swap3A_1668, %swap3A_1669], %select_n3A_1664 {strides = array<i32>} : memref<4x200x128xf32, #tpu.memory_space<vmem>>, vector<16xf32>,
        %select_n3A_1671 = arith.select %ne3A_1649, %get3A_506, %get3A_474 : vector<16xi1>, vector<16xf32>
        %add3A_1672 = arith.constant 9 : i32
        %add3A_1673 = arith.addi %mul3A_1080, %add3A_1672 : i32
        %swap3A_1674 = arith.index_cast %rem3A_426 : i32 to index
        %swap3A_1675 = arith.index_cast %add3A_1673 : i32 to index
        %swap3A_1676 = arith.constant 48 : index
        %swap3A_1677 = tpu.vector_load %arg7[%swap3A_1674, %swap3A_1675, %swap3A_1676] {strides = array<i32>} : memref<4x200x128xf32, #tpu.memory_space<vmem>>, vector<16xf32>,
        tpu.vector_store %arg7[%swap3A_1674, %swap3A_1675, %swap3A_1676], %select_n3A_1671 {strides = array<i32>} : memref<4x200x128xf32, #tpu.memory_space<vmem>>, vector<16xf32>,
        %select_n3A_1678 = arith.select %ne3A_1649, %get3A_510, %get3A_478 : vector<16xi1>, vector<16xf32>
        %add3A_1679 = arith.constant 9 : i32
        %add3A_1680 = arith.addi %mul3A_1080, %add3A_1679 : i32
        %swap3A_1681 = arith.index_cast %rem3A_426 : i32 to index
        %swap3A_1682 = arith.index_cast %add3A_1680 : i32 to index
        %swap3A_1683 = arith.constant 64 : index
        %swap3A_1684 = tpu.vector_load %arg7[%swap3A_1681, %swap3A_1682, %swap3A_1683] {strides = array<i32>} : memref<4x200x128xf32, #tpu.memory_space<vmem>>, vector<16xf32>,
        tpu.vector_store %arg7[%swap3A_1681, %swap3A_1682, %swap3A_1683], %select_n3A_1678 {strides = array<i32>} : memref<4x200x128xf32, #tpu.memory_space<vmem>>, vector<16xf32>,
        %select_n3A_1685 = arith.select %ne3A_1649, %get3A_514, %get3A_482 : vector<16xi1>, vector<16xf32>
        %add3A_1686 = arith.constant 9 : i32
        %add3A_1687 = arith.addi %mul3A_1080, %add3A_1686 : i32
        %swap3A_1688 = arith.index_cast %rem3A_426 : i32 to index
        %swap3A_1689 = arith.index_cast %add3A_1687 : i32 to index
        %swap3A_1690 = arith.constant 80 : index
        %swap3A_1691 = tpu.vector_load %arg7[%swap3A_1688, %swap3A_1689, %swap3A_1690] {strides = array<i32>} : memref<4x200x128xf32, #tpu.memory_space<vmem>>, vector<16xf32>,
        tpu.vector_store %arg7[%swap3A_1688, %swap3A_1689, %swap3A_1690], %select_n3A_1685 {strides = array<i32>} : memref<4x200x128xf32, #tpu.memory_space<vmem>>, vector<16xf32>,
        %select_n3A_1692 = arith.select %ne3A_1649, %get3A_518, %get3A_486 : vector<16xi1>, vector<16xf32>
        %add3A_1693 = arith.constant 9 : i32
        %add3A_1694 = arith.addi %mul3A_1080, %add3A_1693 : i32
        %swap3A_1695 = arith.index_cast %rem3A_426 : i32 to index
        %swap3A_1696 = arith.index_cast %add3A_1694 : i32 to index
        %swap3A_1697 = arith.constant 96 : index
        %swap3A_1698 = tpu.vector_load %arg7[%swap3A_1695, %swap3A_1696, %swap3A_1697] {strides = array<i32>} : memref<4x200x128xf32, #tpu.memory_space<vmem>>, vector<16xf32>,
        tpu.vector_store %arg7[%swap3A_1695, %swap3A_1696, %swap3A_1697], %select_n3A_1692 {strides = array<i32>} : memref<4x200x128xf32, #tpu.memory_space<vmem>>, vector<16xf32>,
        %select_n3A_1699 = arith.select %ne3A_1649, %get3A_522, %get3A_490 : vector<16xi1>, vector<16xf32>
        %add3A_1700 = arith.constant 9 : i32
        %add3A_1701 = arith.addi %mul3A_1080, %add3A_1700 : i32
        %swap3A_1702 = arith.index_cast %rem3A_426 : i32 to index
        %swap3A_1703 = arith.index_cast %add3A_1701 : i32 to index
        %swap3A_1704 = arith.constant 112 : index
        %swap3A_1705 = tpu.vector_load %arg7[%swap3A_1702, %swap3A_1703, %swap3A_1704] {strides = array<i32>} : memref<4x200x128xf32, #tpu.memory_space<vmem>>, vector<16xf32>,
        tpu.vector_store %arg7[%swap3A_1702, %swap3A_1703, %swap3A_1704], %select_n3A_1699 {strides = array<i32>} : memref<4x200x128xf32, #tpu.memory_space<vmem>>, vector<16xf32>,
        %broadcast_in_dim3A_1706 = vector.shape_cast %broadcast_in_dim3A_449 : vector<16xi32> to vector<16x1xi32>
        %gather3A_1707 = vector.shape_cast %broadcast_in_dim3A_1706 : vector<16x1xi32> to vector<16xi32>
        %gather3A_1708 = tpu.dynamic_gather %get3A_1085[%gather3A_1707] in [0] : vector<16xi32>, vector<16xi32> -> vector<16xi32>
        %ne3A_1709 = arith.constant 0 : i32
        %ne3A_1710 = vector.broadcast %ne3A_1709 : i32 to vector<16xi32>
        %ne3A_1711 = arith.cmpi ne, %gather3A_1708, %ne3A_1710 : vector<16xi32>
        %select_n3A_1712 = arith.select %ne3A_1711, %get3A_494, %get3A_462 : vector<16xi1>, vector<16xf32>
        %add3A_1713 = arith.constant 10 : i32
        %add3A_1714 = arith.addi %mul3A_1080, %add3A_1713 : i32
        %swap3A_1715 = arith.index_cast %rem3A_426 : i32 to index
        %swap3A_1716 = arith.index_cast %add3A_1714 : i32 to index
        %swap3A_1717 = arith.constant 0 : index
        %swap3A_1718 = tpu.vector_load %arg7[%swap3A_1715, %swap3A_1716, %swap3A_1717] {strides = array<i32>} : memref<4x200x128xf32, #tpu.memory_space<vmem>>, vector<16xf32>,
        tpu.vector_store %arg7[%swap3A_1715, %swap3A_1716, %swap3A_1717], %select_n3A_1712 {strides = array<i32>} : memref<4x200x128xf32, #tpu.memory_space<vmem>>, vector<16xf32>,
        %select_n3A_1719 = arith.select %ne3A_1711, %get3A_498, %get3A_466 : vector<16xi1>, vector<16xf32>
        %add3A_1720 = arith.constant 10 : i32
        %add3A_1721 = arith.addi %mul3A_1080, %add3A_1720 : i32
        %swap3A_1722 = arith.index_cast %rem3A_426 : i32 to index
        %swap3A_1723 = arith.index_cast %add3A_1721 : i32 to index
        %swap3A_1724 = arith.constant 16 : index
        %swap3A_1725 = tpu.vector_load %arg7[%swap3A_1722, %swap3A_1723, %swap3A_1724] {strides = array<i32>} : memref<4x200x128xf32, #tpu.memory_space<vmem>>, vector<16xf32>,
        tpu.vector_store %arg7[%swap3A_1722, %swap3A_1723, %swap3A_1724], %select_n3A_1719 {strides = array<i32>} : memref<4x200x128xf32, #tpu.memory_space<vmem>>, vector<16xf32>,
        %select_n3A_1726 = arith.select %ne3A_1711, %get3A_502, %get3A_470 : vector<16xi1>, vector<16xf32>
        %add3A_1727 = arith.constant 10 : i32
        %add3A_1728 = arith.addi %mul3A_1080, %add3A_1727 : i32
        %swap3A_1729 = arith.index_cast %rem3A_426 : i32 to index
        %swap3A_1730 = arith.index_cast %add3A_1728 : i32 to index
        %swap3A_1731 = arith.constant 32 : index
        %swap3A_1732 = tpu.vector_load %arg7[%swap3A_1729, %swap3A_1730, %swap3A_1731] {strides = array<i32>} : memref<4x200x128xf32, #tpu.memory_space<vmem>>, vector<16xf32>,
        tpu.vector_store %arg7[%swap3A_1729, %swap3A_1730, %swap3A_1731], %select_n3A_1726 {strides = array<i32>} : memref<4x200x128xf32, #tpu.memory_space<vmem>>, vector<16xf32>,
        %select_n3A_1733 = arith.select %ne3A_1711, %get3A_506, %get3A_474 : vector<16xi1>, vector<16xf32>
        %add3A_1734 = arith.constant 10 : i32
        %add3A_1735 = arith.addi %mul3A_1080, %add3A_1734 : i32
        %swap3A_1736 = arith.index_cast %rem3A_426 : i32 to index
        %swap3A_1737 = arith.index_cast %add3A_1735 : i32 to index
        %swap3A_1738 = arith.constant 48 : index
        %swap3A_1739 = tpu.vector_load %arg7[%swap3A_1736, %swap3A_1737, %swap3A_1738] {strides = array<i32>} : memref<4x200x128xf32, #tpu.memory_space<vmem>>, vector<16xf32>,
        tpu.vector_store %arg7[%swap3A_1736, %swap3A_1737, %swap3A_1738], %select_n3A_1733 {strides = array<i32>} : memref<4x200x128xf32, #tpu.memory_space<vmem>>, vector<16xf32>,
        %select_n3A_1740 = arith.select %ne3A_1711, %get3A_510, %get3A_478 : vector<16xi1>, vector<16xf32>
        %add3A_1741 = arith.constant 10 : i32
        %add3A_1742 = arith.addi %mul3A_1080, %add3A_1741 : i32
        %swap3A_1743 = arith.index_cast %rem3A_426 : i32 to index
        %swap3A_1744 = arith.index_cast %add3A_1742 : i32 to index
        %swap3A_1745 = arith.constant 64 : index
        %swap3A_1746 = tpu.vector_load %arg7[%swap3A_1743, %swap3A_1744, %swap3A_1745] {strides = array<i32>} : memref<4x200x128xf32, #tpu.memory_space<vmem>>, vector<16xf32>,
        tpu.vector_store %arg7[%swap3A_1743, %swap3A_1744, %swap3A_1745], %select_n3A_1740 {strides = array<i32>} : memref<4x200x128xf32, #tpu.memory_space<vmem>>, vector<16xf32>,
        %select_n3A_1747 = arith.select %ne3A_1711, %get3A_514, %get3A_482 : vector<16xi1>, vector<16xf32>
        %add3A_1748 = arith.constant 10 : i32
        %add3A_1749 = arith.addi %mul3A_1080, %add3A_1748 : i32
        %swap3A_1750 = arith.index_cast %rem3A_426 : i32 to index
        %swap3A_1751 = arith.index_cast %add3A_1749 : i32 to index
        %swap3A_1752 = arith.constant 80 : index
        %swap3A_1753 = tpu.vector_load %arg7[%swap3A_1750, %swap3A_1751, %swap3A_1752] {strides = array<i32>} : memref<4x200x128xf32, #tpu.memory_space<vmem>>, vector<16xf32>,
        tpu.vector_store %arg7[%swap3A_1750, %swap3A_1751, %swap3A_1752], %select_n3A_1747 {strides = array<i32>} : memref<4x200x128xf32, #tpu.memory_space<vmem>>, vector<16xf32>,
        %select_n3A_1754 = arith.select %ne3A_1711, %get3A_518, %get3A_486 : vector<16xi1>, vector<16xf32>
        %add3A_1755 = arith.constant 10 : i32
        %add3A_1756 = arith.addi %mul3A_1080, %add3A_1755 : i32
        %swap3A_1757 = arith.index_cast %rem3A_426 : i32 to index
        %swap3A_1758 = arith.index_cast %add3A_1756 : i32 to index
        %swap3A_1759 = arith.constant 96 : index
        %swap3A_1760 = tpu.vector_load %arg7[%swap3A_1757, %swap3A_1758, %swap3A_1759] {strides = array<i32>} : memref<4x200x128xf32, #tpu.memory_space<vmem>>, vector<16xf32>,
        tpu.vector_store %arg7[%swap3A_1757, %swap3A_1758, %swap3A_1759], %select_n3A_1754 {strides = array<i32>} : memref<4x200x128xf32, #tpu.memory_space<vmem>>, vector<16xf32>,
        %select_n3A_1761 = arith.select %ne3A_1711, %get3A_522, %get3A_490 : vector<16xi1>, vector<16xf32>
        %add3A_1762 = arith.constant 10 : i32
        %add3A_1763 = arith.addi %mul3A_1080, %add3A_1762 : i32
        %swap3A_1764 = arith.index_cast %rem3A_426 : i32 to index
        %swap3A_1765 = arith.index_cast %add3A_1763 : i32 to index
        %swap3A_1766 = arith.constant 112 : index
        %swap3A_1767 = tpu.vector_load %arg7[%swap3A_1764, %swap3A_1765, %swap3A_1766] {strides = array<i32>} : memref<4x200x128xf32, #tpu.memory_space<vmem>>, vector<16xf32>,
        tpu.vector_store %arg7[%swap3A_1764, %swap3A_1765, %swap3A_1766], %select_n3A_1761 {strides = array<i32>} : memref<4x200x128xf32, #tpu.memory_space<vmem>>, vector<16xf32>,
        %broadcast_in_dim3A_1768 = vector.shape_cast %broadcast_in_dim3A_451 : vector<16xi32> to vector<16x1xi32>
        %gather3A_1769 = vector.shape_cast %broadcast_in_dim3A_1768 : vector<16x1xi32> to vector<16xi32>
        %gather3A_1770 = tpu.dynamic_gather %get3A_1085[%gather3A_1769] in [0] : vector<16xi32>, vector<16xi32> -> vector<16xi32>
        %ne3A_1771 = arith.constant 0 : i32
        %ne3A_1772 = vector.broadcast %ne3A_1771 : i32 to vector<16xi32>
        %ne3A_1773 = arith.cmpi ne, %gather3A_1770, %ne3A_1772 : vector<16xi32>
        %select_n3A_1774 = arith.select %ne3A_1773, %get3A_494, %get3A_462 : vector<16xi1>, vector<16xf32>
        %add3A_1775 = arith.constant 11 : i32
        %add3A_1776 = arith.addi %mul3A_1080, %add3A_1775 : i32
        %swap3A_1777 = arith.index_cast %rem3A_426 : i32 to index
        %swap3A_1778 = arith.index_cast %add3A_1776 : i32 to index
        %swap3A_1779 = arith.constant 0 : index
        %swap3A_1780 = tpu.vector_load %arg7[%swap3A_1777, %swap3A_1778, %swap3A_1779] {strides = array<i32>} : memref<4x200x128xf32, #tpu.memory_space<vmem>>, vector<16xf32>,
        tpu.vector_store %arg7[%swap3A_1777, %swap3A_1778, %swap3A_1779], %select_n3A_1774 {strides = array<i32>} : memref<4x200x128xf32, #tpu.memory_space<vmem>>, vector<16xf32>,
        %select_n3A_1781 = arith.select %ne3A_1773, %get3A_498, %get3A_466 : vector<16xi1>, vector<16xf32>
        %add3A_1782 = arith.constant 11 : i32
        %add3A_1783 = arith.addi %mul3A_1080, %add3A_1782 : i32
        %swap3A_1784 = arith.index_cast %rem3A_426 : i32 to index
        %swap3A_1785 = arith.index_cast %add3A_1783 : i32 to index
        %swap3A_1786 = arith.constant 16 : index
        %swap3A_1787 = tpu.vector_load %arg7[%swap3A_1784, %swap3A_1785, %swap3A_1786] {strides = array<i32>} : memref<4x200x128xf32, #tpu.memory_space<vmem>>, vector<16xf32>,
        tpu.vector_store %arg7[%swap3A_1784, %swap3A_1785, %swap3A_1786], %select_n3A_1781 {strides = array<i32>} : memref<4x200x128xf32, #tpu.memory_space<vmem>>, vector<16xf32>,
        %select_n3A_1788 = arith.select %ne3A_1773, %get3A_502, %get3A_470 : vector<16xi1>, vector<16xf32>
        %add3A_1789 = arith.constant 11 : i32
        %add3A_1790 = arith.addi %mul3A_1080, %add3A_1789 : i32
        %swap3A_1791 = arith.index_cast %rem3A_426 : i32 to index
        %swap3A_1792 = arith.index_cast %add3A_1790 : i32 to index
        %swap3A_1793 = arith.constant 32 : index
        %swap3A_1794 = tpu.vector_load %arg7[%swap3A_1791, %swap3A_1792, %swap3A_1793] {strides = array<i32>} : memref<4x200x128xf32, #tpu.memory_space<vmem>>, vector<16xf32>,
        tpu.vector_store %arg7[%swap3A_1791, %swap3A_1792, %swap3A_1793], %select_n3A_1788 {strides = array<i32>} : memref<4x200x128xf32, #tpu.memory_space<vmem>>, vector<16xf32>,
        %select_n3A_1795 = arith.select %ne3A_1773, %get3A_506, %get3A_474 : vector<16xi1>, vector<16xf32>
        %add3A_1796 = arith.constant 11 : i32
        %add3A_1797 = arith.addi %mul3A_1080, %add3A_1796 : i32
        %swap3A_1798 = arith.index_cast %rem3A_426 : i32 to index
        %swap3A_1799 = arith.index_cast %add3A_1797 : i32 to index
        %swap3A_1800 = arith.constant 48 : index
        %swap3A_1801 = tpu.vector_load %arg7[%swap3A_1798, %swap3A_1799, %swap3A_1800] {strides = array<i32>} : memref<4x200x128xf32, #tpu.memory_space<vmem>>, vector<16xf32>,
        tpu.vector_store %arg7[%swap3A_1798, %swap3A_1799, %swap3A_1800], %select_n3A_1795 {strides = array<i32>} : memref<4x200x128xf32, #tpu.memory_space<vmem>>, vector<16xf32>,
        %select_n3A_1802 = arith.select %ne3A_1773, %get3A_510, %get3A_478 : vector<16xi1>, vector<16xf32>
        %add3A_1803 = arith.constant 11 : i32
        %add3A_1804 = arith.addi %mul3A_1080, %add3A_1803 : i32
        %swap3A_1805 = arith.index_cast %rem3A_426 : i32 to index
        %swap3A_1806 = arith.index_cast %add3A_1804 : i32 to index
        %swap3A_1807 = arith.constant 64 : index
        %swap3A_1808 = tpu.vector_load %arg7[%swap3A_1805, %swap3A_1806, %swap3A_1807] {strides = array<i32>} : memref<4x200x128xf32, #tpu.memory_space<vmem>>, vector<16xf32>,
        tpu.vector_store %arg7[%swap3A_1805, %swap3A_1806, %swap3A_1807], %select_n3A_1802 {strides = array<i32>} : memref<4x200x128xf32, #tpu.memory_space<vmem>>, vector<16xf32>,
        %select_n3A_1809 = arith.select %ne3A_1773, %get3A_514, %get3A_482 : vector<16xi1>, vector<16xf32>
        %add3A_1810 = arith.constant 11 : i32
        %add3A_1811 = arith.addi %mul3A_1080, %add3A_1810 : i32
        %swap3A_1812 = arith.index_cast %rem3A_426 : i32 to index
        %swap3A_1813 = arith.index_cast %add3A_1811 : i32 to index
        %swap3A_1814 = arith.constant 80 : index
        %swap3A_1815 = tpu.vector_load %arg7[%swap3A_1812, %swap3A_1813, %swap3A_1814] {strides = array<i32>} : memref<4x200x128xf32, #tpu.memory_space<vmem>>, vector<16xf32>,
        tpu.vector_store %arg7[%swap3A_1812, %swap3A_1813, %swap3A_1814], %select_n3A_1809 {strides = array<i32>} : memref<4x200x128xf32, #tpu.memory_space<vmem>>, vector<16xf32>,
        %select_n3A_1816 = arith.select %ne3A_1773, %get3A_518, %get3A_486 : vector<16xi1>, vector<16xf32>
        %add3A_1817 = arith.constant 11 : i32
        %add3A_1818 = arith.addi %mul3A_1080, %add3A_1817 : i32
        %swap3A_1819 = arith.index_cast %rem3A_426 : i32 to index
        %swap3A_1820 = arith.index_cast %add3A_1818 : i32 to index
        %swap3A_1821 = arith.constant 96 : index
        %swap3A_1822 = tpu.vector_load %arg7[%swap3A_1819, %swap3A_1820, %swap3A_1821] {strides = array<i32>} : memref<4x200x128xf32, #tpu.memory_space<vmem>>, vector<16xf32>,
        tpu.vector_store %arg7[%swap3A_1819, %swap3A_1820, %swap3A_1821], %select_n3A_1816 {strides = array<i32>} : memref<4x200x128xf32, #tpu.memory_space<vmem>>, vector<16xf32>,
        %select_n3A_1823 = arith.select %ne3A_1773, %get3A_522, %get3A_490 : vector<16xi1>, vector<16xf32>
        %add3A_1824 = arith.constant 11 : i32
        %add3A_1825 = arith.addi %mul3A_1080, %add3A_1824 : i32
        %swap3A_1826 = arith.index_cast %rem3A_426 : i32 to index
        %swap3A_1827 = arith.index_cast %add3A_1825 : i32 to index
        %swap3A_1828 = arith.constant 112 : index
        %swap3A_1829 = tpu.vector_load %arg7[%swap3A_1826, %swap3A_1827, %swap3A_1828] {strides = array<i32>} : memref<4x200x128xf32, #tpu.memory_space<vmem>>, vector<16xf32>,
        tpu.vector_store %arg7[%swap3A_1826, %swap3A_1827, %swap3A_1828], %select_n3A_1823 {strides = array<i32>} : memref<4x200x128xf32, #tpu.memory_space<vmem>>, vector<16xf32>,
        %broadcast_in_dim3A_1830 = vector.shape_cast %broadcast_in_dim3A_453 : vector<16xi32> to vector<16x1xi32>
        %gather3A_1831 = vector.shape_cast %broadcast_in_dim3A_1830 : vector<16x1xi32> to vector<16xi32>
        %gather3A_1832 = tpu.dynamic_gather %get3A_1085[%gather3A_1831] in [0] : vector<16xi32>, vector<16xi32> -> vector<16xi32>
        %ne3A_1833 = arith.constant 0 : i32
        %ne3A_1834 = vector.broadcast %ne3A_1833 : i32 to vector<16xi32>
        %ne3A_1835 = arith.cmpi ne, %gather3A_1832, %ne3A_1834 : vector<16xi32>
        %select_n3A_1836 = arith.select %ne3A_1835, %get3A_494, %get3A_462 : vector<16xi1>, vector<16xf32>
        %add3A_1837 = arith.constant 12 : i32
        %add3A_1838 = arith.addi %mul3A_1080, %add3A_1837 : i32
        %swap3A_1839 = arith.index_cast %rem3A_426 : i32 to index
        %swap3A_1840 = arith.index_cast %add3A_1838 : i32 to index
        %swap3A_1841 = arith.constant 0 : index
        %swap3A_1842 = tpu.vector_load %arg7[%swap3A_1839, %swap3A_1840, %swap3A_1841] {strides = array<i32>} : memref<4x200x128xf32, #tpu.memory_space<vmem>>, vector<16xf32>,
        tpu.vector_store %arg7[%swap3A_1839, %swap3A_1840, %swap3A_1841], %select_n3A_1836 {strides = array<i32>} : memref<4x200x128xf32, #tpu.memory_space<vmem>>, vector<16xf32>,
        %select_n3A_1843 = arith.select %ne3A_1835, %get3A_498, %get3A_466 : vector<16xi1>, vector<16xf32>
        %add3A_1844 = arith.constant 12 : i32
        %add3A_1845 = arith.addi %mul3A_1080, %add3A_1844 : i32
        %swap3A_1846 = arith.index_cast %rem3A_426 : i32 to index
        %swap3A_1847 = arith.index_cast %add3A_1845 : i32 to index
        %swap3A_1848 = arith.constant 16 : index
        %swap3A_1849 = tpu.vector_load %arg7[%swap3A_1846, %swap3A_1847, %swap3A_1848] {strides = array<i32>} : memref<4x200x128xf32, #tpu.memory_space<vmem>>, vector<16xf32>,
        tpu.vector_store %arg7[%swap3A_1846, %swap3A_1847, %swap3A_1848], %select_n3A_1843 {strides = array<i32>} : memref<4x200x128xf32, #tpu.memory_space<vmem>>, vector<16xf32>,
        %select_n3A_1850 = arith.select %ne3A_1835, %get3A_502, %get3A_470 : vector<16xi1>, vector<16xf32>
        %add3A_1851 = arith.constant 12 : i32
        %add3A_1852 = arith.addi %mul3A_1080, %add3A_1851 : i32
        %swap3A_1853 = arith.index_cast %rem3A_426 : i32 to index
        %swap3A_1854 = arith.index_cast %add3A_1852 : i32 to index
        %swap3A_1855 = arith.constant 32 : index
        %swap3A_1856 = tpu.vector_load %arg7[%swap3A_1853, %swap3A_1854, %swap3A_1855] {strides = array<i32>} : memref<4x200x128xf32, #tpu.memory_space<vmem>>, vector<16xf32>,
        tpu.vector_store %arg7[%swap3A_1853, %swap3A_1854, %swap3A_1855], %select_n3A_1850 {strides = array<i32>} : memref<4x200x128xf32, #tpu.memory_space<vmem>>, vector<16xf32>,
        %select_n3A_1857 = arith.select %ne3A_1835, %get3A_506, %get3A_474 : vector<16xi1>, vector<16xf32>
        %add3A_1858 = arith.constant 12 : i32
        %add3A_1859 = arith.addi %mul3A_1080, %add3A_1858 : i32
        %swap3A_1860 = arith.index_cast %rem3A_426 : i32 to index
        %swap3A_1861 = arith.index_cast %add3A_1859 : i32 to index
        %swap3A_1862 = arith.constant 48 : index
        %swap3A_1863 = tpu.vector_load %arg7[%swap3A_1860, %swap3A_1861, %swap3A_1862] {strides = array<i32>} : memref<4x200x128xf32, #tpu.memory_space<vmem>>, vector<16xf32>,
        tpu.vector_store %arg7[%swap3A_1860, %swap3A_1861, %swap3A_1862], %select_n3A_1857 {strides = array<i32>} : memref<4x200x128xf32, #tpu.memory_space<vmem>>, vector<16xf32>,
        %select_n3A_1864 = arith.select %ne3A_1835, %get3A_510, %get3A_478 : vector<16xi1>, vector<16xf32>
        %add3A_1865 = arith.constant 12 : i32
        %add3A_1866 = arith.addi %mul3A_1080, %add3A_1865 : i32
        %swap3A_1867 = arith.index_cast %rem3A_426 : i32 to index
        %swap3A_1868 = arith.index_cast %add3A_1866 : i32 to index
        %swap3A_1869 = arith.constant 64 : index
        %swap3A_1870 = tpu.vector_load %arg7[%swap3A_1867, %swap3A_1868, %swap3A_1869] {strides = array<i32>} : memref<4x200x128xf32, #tpu.memory_space<vmem>>, vector<16xf32>,
        tpu.vector_store %arg7[%swap3A_1867, %swap3A_1868, %swap3A_1869], %select_n3A_1864 {strides = array<i32>} : memref<4x200x128xf32, #tpu.memory_space<vmem>>, vector<16xf32>,
        %select_n3A_1871 = arith.select %ne3A_1835, %get3A_514, %get3A_482 : vector<16xi1>, vector<16xf32>
        %add3A_1872 = arith.constant 12 : i32
        %add3A_1873 = arith.addi %mul3A_1080, %add3A_1872 : i32
        %swap3A_1874 = arith.index_cast %rem3A_426 : i32 to index
        %swap3A_1875 = arith.index_cast %add3A_1873 : i32 to index
        %swap3A_1876 = arith.constant 80 : index
        %swap3A_1877 = tpu.vector_load %arg7[%swap3A_1874, %swap3A_1875, %swap3A_1876] {strides = array<i32>} : memref<4x200x128xf32, #tpu.memory_space<vmem>>, vector<16xf32>,
        tpu.vector_store %arg7[%swap3A_1874, %swap3A_1875, %swap3A_1876], %select_n3A_1871 {strides = array<i32>} : memref<4x200x128xf32, #tpu.memory_space<vmem>>, vector<16xf32>,
        %select_n3A_1878 = arith.select %ne3A_1835, %get3A_518, %get3A_486 : vector<16xi1>, vector<16xf32>
        %add3A_1879 = arith.constant 12 : i32
        %add3A_1880 = arith.addi %mul3A_1080, %add3A_1879 : i32
        %swap3A_1881 = arith.index_cast %rem3A_426 : i32 to index
        %swap3A_1882 = arith.index_cast %add3A_1880 : i32 to index
        %swap3A_1883 = arith.constant 96 : index
        %swap3A_1884 = tpu.vector_load %arg7[%swap3A_1881, %swap3A_1882, %swap3A_1883] {strides = array<i32>} : memref<4x200x128xf32, #tpu.memory_space<vmem>>, vector<16xf32>,
        tpu.vector_store %arg7[%swap3A_1881, %swap3A_1882, %swap3A_1883], %select_n3A_1878 {strides = array<i32>} : memref<4x200x128xf32, #tpu.memory_space<vmem>>, vector<16xf32>,
        %select_n3A_1885 = arith.select %ne3A_1835, %get3A_522, %get3A_490 : vector<16xi1>, vector<16xf32>
        %add3A_1886 = arith.constant 12 : i32
        %add3A_1887 = arith.addi %mul3A_1080, %add3A_1886 : i32
        %swap3A_1888 = arith.index_cast %rem3A_426 : i32 to index
        %swap3A_1889 = arith.index_cast %add3A_1887 : i32 to index
        %swap3A_1890 = arith.constant 112 : index
        %swap3A_1891 = tpu.vector_load %arg7[%swap3A_1888, %swap3A_1889, %swap3A_1890] {strides = array<i32>} : memref<4x200x128xf32, #tpu.memory_space<vmem>>, vector<16xf32>,
        tpu.vector_store %arg7[%swap3A_1888, %swap3A_1889, %swap3A_1890], %select_n3A_1885 {strides = array<i32>} : memref<4x200x128xf32, #tpu.memory_space<vmem>>, vector<16xf32>,
        %broadcast_in_dim3A_1892 = vector.shape_cast %broadcast_in_dim3A_455 : vector<16xi32> to vector<16x1xi32>
        %gather3A_1893 = vector.shape_cast %broadcast_in_dim3A_1892 : vector<16x1xi32> to vector<16xi32>
        %gather3A_1894 = tpu.dynamic_gather %get3A_1085[%gather3A_1893] in [0] : vector<16xi32>, vector<16xi32> -> vector<16xi32>
        %ne3A_1895 = arith.constant 0 : i32
        %ne3A_1896 = vector.broadcast %ne3A_1895 : i32 to vector<16xi32>
        %ne3A_1897 = arith.cmpi ne, %gather3A_1894, %ne3A_1896 : vector<16xi32>
        %select_n3A_1898 = arith.select %ne3A_1897, %get3A_494, %get3A_462 : vector<16xi1>, vector<16xf32>
        %add3A_1899 = arith.constant 13 : i32
        %add3A_1900 = arith.addi %mul3A_1080, %add3A_1899 : i32
        %swap3A_1901 = arith.index_cast %rem3A_426 : i32 to index
        %swap3A_1902 = arith.index_cast %add3A_1900 : i32 to index
        %swap3A_1903 = arith.constant 0 : index
        %swap3A_1904 = tpu.vector_load %arg7[%swap3A_1901, %swap3A_1902, %swap3A_1903] {strides = array<i32>} : memref<4x200x128xf32, #tpu.memory_space<vmem>>, vector<16xf32>,
        tpu.vector_store %arg7[%swap3A_1901, %swap3A_1902, %swap3A_1903], %select_n3A_1898 {strides = array<i32>} : memref<4x200x128xf32, #tpu.memory_space<vmem>>, vector<16xf32>,
        %select_n3A_1905 = arith.select %ne3A_1897, %get3A_498, %get3A_466 : vector<16xi1>, vector<16xf32>
        %add3A_1906 = arith.constant 13 : i32
        %add3A_1907 = arith.addi %mul3A_1080, %add3A_1906 : i32
        %swap3A_1908 = arith.index_cast %rem3A_426 : i32 to index
        %swap3A_1909 = arith.index_cast %add3A_1907 : i32 to index
        %swap3A_1910 = arith.constant 16 : index
        %swap3A_1911 = tpu.vector_load %arg7[%swap3A_1908, %swap3A_1909, %swap3A_1910] {strides = array<i32>} : memref<4x200x128xf32, #tpu.memory_space<vmem>>, vector<16xf32>,
        tpu.vector_store %arg7[%swap3A_1908, %swap3A_1909, %swap3A_1910], %select_n3A_1905 {strides = array<i32>} : memref<4x200x128xf32, #tpu.memory_space<vmem>>, vector<16xf32>,
        %select_n3A_1912 = arith.select %ne3A_1897, %get3A_502, %get3A_470 : vector<16xi1>, vector<16xf32>
        %add3A_1913 = arith.constant 13 : i32
        %add3A_1914 = arith.addi %mul3A_1080, %add3A_1913 : i32
        %swap3A_1915 = arith.index_cast %rem3A_426 : i32 to index
        %swap3A_1916 = arith.index_cast %add3A_1914 : i32 to index
        %swap3A_1917 = arith.constant 32 : index
        %swap3A_1918 = tpu.vector_load %arg7[%swap3A_1915, %swap3A_1916, %swap3A_1917] {strides = array<i32>} : memref<4x200x128xf32, #tpu.memory_space<vmem>>, vector<16xf32>,
        tpu.vector_store %arg7[%swap3A_1915, %swap3A_1916, %swap3A_1917], %select_n3A_1912 {strides = array<i32>} : memref<4x200x128xf32, #tpu.memory_space<vmem>>, vector<16xf32>,
        %select_n3A_1919 = arith.select %ne3A_1897, %get3A_506, %get3A_474 : vector<16xi1>, vector<16xf32>
        %add3A_1920 = arith.constant 13 : i32
        %add3A_1921 = arith.addi %mul3A_1080, %add3A_1920 : i32
        %swap3A_1922 = arith.index_cast %rem3A_426 : i32 to index
        %swap3A_1923 = arith.index_cast %add3A_1921 : i32 to index
        %swap3A_1924 = arith.constant 48 : index
        %swap3A_1925 = tpu.vector_load %arg7[%swap3A_1922, %swap3A_1923, %swap3A_1924] {strides = array<i32>} : memref<4x200x128xf32, #tpu.memory_space<vmem>>, vector<16xf32>,
        tpu.vector_store %arg7[%swap3A_1922, %swap3A_1923, %swap3A_1924], %select_n3A_1919 {strides = array<i32>} : memref<4x200x128xf32, #tpu.memory_space<vmem>>, vector<16xf32>,
        %select_n3A_1926 = arith.select %ne3A_1897, %get3A_510, %get3A_478 : vector<16xi1>, vector<16xf32>
        %add3A_1927 = arith.constant 13 : i32
        %add3A_1928 = arith.addi %mul3A_1080, %add3A_1927 : i32
        %swap3A_1929 = arith.index_cast %rem3A_426 : i32 to index
        %swap3A_1930 = arith.index_cast %add3A_1928 : i32 to index
        %swap3A_1931 = arith.constant 64 : index
        %swap3A_1932 = tpu.vector_load %arg7[%swap3A_1929, %swap3A_1930, %swap3A_1931] {strides = array<i32>} : memref<4x200x128xf32, #tpu.memory_space<vmem>>, vector<16xf32>,
        tpu.vector_store %arg7[%swap3A_1929, %swap3A_1930, %swap3A_1931], %select_n3A_1926 {strides = array<i32>} : memref<4x200x128xf32, #tpu.memory_space<vmem>>, vector<16xf32>,
        %select_n3A_1933 = arith.select %ne3A_1897, %get3A_514, %get3A_482 : vector<16xi1>, vector<16xf32>
        %add3A_1934 = arith.constant 13 : i32
        %add3A_1935 = arith.addi %mul3A_1080, %add3A_1934 : i32
        %swap3A_1936 = arith.index_cast %rem3A_426 : i32 to index
        %swap3A_1937 = arith.index_cast %add3A_1935 : i32 to index
        %swap3A_1938 = arith.constant 80 : index
        %swap3A_1939 = tpu.vector_load %arg7[%swap3A_1936, %swap3A_1937, %swap3A_1938] {strides = array<i32>} : memref<4x200x128xf32, #tpu.memory_space<vmem>>, vector<16xf32>,
        tpu.vector_store %arg7[%swap3A_1936, %swap3A_1937, %swap3A_1938], %select_n3A_1933 {strides = array<i32>} : memref<4x200x128xf32, #tpu.memory_space<vmem>>, vector<16xf32>,
        %select_n3A_1940 = arith.select %ne3A_1897, %get3A_518, %get3A_486 : vector<16xi1>, vector<16xf32>
        %add3A_1941 = arith.constant 13 : i32
        %add3A_1942 = arith.addi %mul3A_1080, %add3A_1941 : i32
        %swap3A_1943 = arith.index_cast %rem3A_426 : i32 to index
        %swap3A_1944 = arith.index_cast %add3A_1942 : i32 to index
        %swap3A_1945 = arith.constant 96 : index
        %swap3A_1946 = tpu.vector_load %arg7[%swap3A_1943, %swap3A_1944, %swap3A_1945] {strides = array<i32>} : memref<4x200x128xf32, #tpu.memory_space<vmem>>, vector<16xf32>,
        tpu.vector_store %arg7[%swap3A_1943, %swap3A_1944, %swap3A_1945], %select_n3A_1940 {strides = array<i32>} : memref<4x200x128xf32, #tpu.memory_space<vmem>>, vector<16xf32>,
        %select_n3A_1947 = arith.select %ne3A_1897, %get3A_522, %get3A_490 : vector<16xi1>, vector<16xf32>
        %add3A_1948 = arith.constant 13 : i32
        %add3A_1949 = arith.addi %mul3A_1080, %add3A_1948 : i32
        %swap3A_1950 = arith.index_cast %rem3A_426 : i32 to index
        %swap3A_1951 = arith.index_cast %add3A_1949 : i32 to index
        %swap3A_1952 = arith.constant 112 : index
        %swap3A_1953 = tpu.vector_load %arg7[%swap3A_1950, %swap3A_1951, %swap3A_1952] {strides = array<i32>} : memref<4x200x128xf32, #tpu.memory_space<vmem>>, vector<16xf32>,
        tpu.vector_store %arg7[%swap3A_1950, %swap3A_1951, %swap3A_1952], %select_n3A_1947 {strides = array<i32>} : memref<4x200x128xf32, #tpu.memory_space<vmem>>, vector<16xf32>,
        %broadcast_in_dim3A_1954 = vector.shape_cast %broadcast_in_dim3A_457 : vector<16xi32> to vector<16x1xi32>
        %gather3A_1955 = vector.shape_cast %broadcast_in_dim3A_1954 : vector<16x1xi32> to vector<16xi32>
        %gather3A_1956 = tpu.dynamic_gather %get3A_1085[%gather3A_1955] in [0] : vector<16xi32>, vector<16xi32> -> vector<16xi32>
        %ne3A_1957 = arith.constant 0 : i32
        %ne3A_1958 = vector.broadcast %ne3A_1957 : i32 to vector<16xi32>
        %ne3A_1959 = arith.cmpi ne, %gather3A_1956, %ne3A_1958 : vector<16xi32>
        %select_n3A_1960 = arith.select %ne3A_1959, %get3A_494, %get3A_462 : vector<16xi1>, vector<16xf32>
        %add3A_1961 = arith.constant 14 : i32
        %add3A_1962 = arith.addi %mul3A_1080, %add3A_1961 : i32
        %swap3A_1963 = arith.index_cast %rem3A_426 : i32 to index
        %swap3A_1964 = arith.index_cast %add3A_1962 : i32 to index
        %swap3A_1965 = arith.constant 0 : index
        %swap3A_1966 = tpu.vector_load %arg7[%swap3A_1963, %swap3A_1964, %swap3A_1965] {strides = array<i32>} : memref<4x200x128xf32, #tpu.memory_space<vmem>>, vector<16xf32>,
        tpu.vector_store %arg7[%swap3A_1963, %swap3A_1964, %swap3A_1965], %select_n3A_1960 {strides = array<i32>} : memref<4x200x128xf32, #tpu.memory_space<vmem>>, vector<16xf32>,
        %select_n3A_1967 = arith.select %ne3A_1959, %get3A_498, %get3A_466 : vector<16xi1>, vector<16xf32>
        %add3A_1968 = arith.constant 14 : i32
        %add3A_1969 = arith.addi %mul3A_1080, %add3A_1968 : i32
        %swap3A_1970 = arith.index_cast %rem3A_426 : i32 to index
        %swap3A_1971 = arith.index_cast %add3A_1969 : i32 to index
        %swap3A_1972 = arith.constant 16 : index
        %swap3A_1973 = tpu.vector_load %arg7[%swap3A_1970, %swap3A_1971, %swap3A_1972] {strides = array<i32>} : memref<4x200x128xf32, #tpu.memory_space<vmem>>, vector<16xf32>,
        tpu.vector_store %arg7[%swap3A_1970, %swap3A_1971, %swap3A_1972], %select_n3A_1967 {strides = array<i32>} : memref<4x200x128xf32, #tpu.memory_space<vmem>>, vector<16xf32>,
        %select_n3A_1974 = arith.select %ne3A_1959, %get3A_502, %get3A_470 : vector<16xi1>, vector<16xf32>
        %add3A_1975 = arith.constant 14 : i32
        %add3A_1976 = arith.addi %mul3A_1080, %add3A_1975 : i32
        %swap3A_1977 = arith.index_cast %rem3A_426 : i32 to index
        %swap3A_1978 = arith.index_cast %add3A_1976 : i32 to index
        %swap3A_1979 = arith.constant 32 : index
        %swap3A_1980 = tpu.vector_load %arg7[%swap3A_1977, %swap3A_1978, %swap3A_1979] {strides = array<i32>} : memref<4x200x128xf32, #tpu.memory_space<vmem>>, vector<16xf32>,
        tpu.vector_store %arg7[%swap3A_1977, %swap3A_1978, %swap3A_1979], %select_n3A_1974 {strides = array<i32>} : memref<4x200x128xf32, #tpu.memory_space<vmem>>, vector<16xf32>,
        %select_n3A_1981 = arith.select %ne3A_1959, %get3A_506, %get3A_474 : vector<16xi1>, vector<16xf32>
        %add3A_1982 = arith.constant 14 : i32
        %add3A_1983 = arith.addi %mul3A_1080, %add3A_1982 : i32
        %swap3A_1984 = arith.index_cast %rem3A_426 : i32 to index
        %swap3A_1985 = arith.index_cast %add3A_1983 : i32 to index
        %swap3A_1986 = arith.constant 48 : index
        %swap3A_1987 = tpu.vector_load %arg7[%swap3A_1984, %swap3A_1985, %swap3A_1986] {strides = array<i32>} : memref<4x200x128xf32, #tpu.memory_space<vmem>>, vector<16xf32>,
        tpu.vector_store %arg7[%swap3A_1984, %swap3A_1985, %swap3A_1986], %select_n3A_1981 {strides = array<i32>} : memref<4x200x128xf32, #tpu.memory_space<vmem>>, vector<16xf32>,
        %select_n3A_1988 = arith.select %ne3A_1959, %get3A_510, %get3A_478 : vector<16xi1>, vector<16xf32>
        %add3A_1989 = arith.constant 14 : i32
        %add3A_1990 = arith.addi %mul3A_1080, %add3A_1989 : i32
        %swap3A_1991 = arith.index_cast %rem3A_426 : i32 to index
        %swap3A_1992 = arith.index_cast %add3A_1990 : i32 to index
        %swap3A_1993 = arith.constant 64 : index
        %swap3A_1994 = tpu.vector_load %arg7[%swap3A_1991, %swap3A_1992, %swap3A_1993] {strides = array<i32>} : memref<4x200x128xf32, #tpu.memory_space<vmem>>, vector<16xf32>,
        tpu.vector_store %arg7[%swap3A_1991, %swap3A_1992, %swap3A_1993], %select_n3A_1988 {strides = array<i32>} : memref<4x200x128xf32, #tpu.memory_space<vmem>>, vector<16xf32>,
        %select_n3A_1995 = arith.select %ne3A_1959, %get3A_514, %get3A_482 : vector<16xi1>, vector<16xf32>
        %add3A_1996 = arith.constant 14 : i32
        %add3A_1997 = arith.addi %mul3A_1080, %add3A_1996 : i32
        %swap3A_1998 = arith.index_cast %rem3A_426 : i32 to index
        %swap3A_1999 = arith.index_cast %add3A_1997 : i32 to index
        %swap3A_2000 = arith.constant 80 : index
        %swap3A_2001 = tpu.vector_load %arg7[%swap3A_1998, %swap3A_1999, %swap3A_2000] {strides = array<i32>} : memref<4x200x128xf32, #tpu.memory_space<vmem>>, vector<16xf32>,
        tpu.vector_store %arg7[%swap3A_1998, %swap3A_1999, %swap3A_2000], %select_n3A_1995 {strides = array<i32>} : memref<4x200x128xf32, #tpu.memory_space<vmem>>, vector<16xf32>,
        %select_n3A_2002 = arith.select %ne3A_1959, %get3A_518, %get3A_486 : vector<16xi1>, vector<16xf32>
        %add3A_2003 = arith.constant 14 : i32
        %add3A_2004 = arith.addi %mul3A_1080, %add3A_2003 : i32
        %swap3A_2005 = arith.index_cast %rem3A_426 : i32 to index
        %swap3A_2006 = arith.index_cast %add3A_2004 : i32 to index
        %swap3A_2007 = arith.constant 96 : index
        %swap3A_2008 = tpu.vector_load %arg7[%swap3A_2005, %swap3A_2006, %swap3A_2007] {strides = array<i32>} : memref<4x200x128xf32, #tpu.memory_space<vmem>>, vector<16xf32>,
        tpu.vector_store %arg7[%swap3A_2005, %swap3A_2006, %swap3A_2007], %select_n3A_2002 {strides = array<i32>} : memref<4x200x128xf32, #tpu.memory_space<vmem>>, vector<16xf32>,
        %select_n3A_2009 = arith.select %ne3A_1959, %get3A_522, %get3A_490 : vector<16xi1>, vector<16xf32>
        %add3A_2010 = arith.constant 14 : i32
        %add3A_2011 = arith.addi %mul3A_1080, %add3A_2010 : i32
        %swap3A_2012 = arith.index_cast %rem3A_426 : i32 to index
        %swap3A_2013 = arith.index_cast %add3A_2011 : i32 to index
        %swap3A_2014 = arith.constant 112 : index
        %swap3A_2015 = tpu.vector_load %arg7[%swap3A_2012, %swap3A_2013, %swap3A_2014] {strides = array<i32>} : memref<4x200x128xf32, #tpu.memory_space<vmem>>, vector<16xf32>,
        tpu.vector_store %arg7[%swap3A_2012, %swap3A_2013, %swap3A_2014], %select_n3A_2009 {strides = array<i32>} : memref<4x200x128xf32, #tpu.memory_space<vmem>>, vector<16xf32>,
        %broadcast_in_dim3A_2016 = vector.shape_cast %broadcast_in_dim3A_459 : vector<16xi32> to vector<16x1xi32>
        %gather3A_2017 = vector.shape_cast %broadcast_in_dim3A_2016 : vector<16x1xi32> to vector<16xi32>
        %gather3A_2018 = tpu.dynamic_gather %get3A_1085[%gather3A_2017] in [0] : vector<16xi32>, vector<16xi32> -> vector<16xi32>
        %ne3A_2019 = arith.constant 0 : i32
        %ne3A_2020 = vector.broadcast %ne3A_2019 : i32 to vector<16xi32>
        %ne3A_2021 = arith.cmpi ne, %gather3A_2018, %ne3A_2020 : vector<16xi32>
        %select_n3A_2022 = arith.select %ne3A_2021, %get3A_494, %get3A_462 : vector<16xi1>, vector<16xf32>
        %add3A_2023 = arith.constant 15 : i32
        %add3A_2024 = arith.addi %mul3A_1080, %add3A_2023 : i32
        %swap3A_2025 = arith.index_cast %rem3A_426 : i32 to index
        %swap3A_2026 = arith.index_cast %add3A_2024 : i32 to index
        %swap3A_2027 = arith.constant 0 : index
        %swap3A_2028 = tpu.vector_load %arg7[%swap3A_2025, %swap3A_2026, %swap3A_2027] {strides = array<i32>} : memref<4x200x128xf32, #tpu.memory_space<vmem>>, vector<16xf32>,
        tpu.vector_store %arg7[%swap3A_2025, %swap3A_2026, %swap3A_2027], %select_n3A_2022 {strides = array<i32>} : memref<4x200x128xf32, #tpu.memory_space<vmem>>, vector<16xf32>,
        %select_n3A_2029 = arith.select %ne3A_2021, %get3A_498, %get3A_466 : vector<16xi1>, vector<16xf32>
        %add3A_2030 = arith.constant 15 : i32
        %add3A_2031 = arith.addi %mul3A_1080, %add3A_2030 : i32
        %swap3A_2032 = arith.index_cast %rem3A_426 : i32 to index
        %swap3A_2033 = arith.index_cast %add3A_2031 : i32 to index
        %swap3A_2034 = arith.constant 16 : index
        %swap3A_2035 = tpu.vector_load %arg7[%swap3A_2032, %swap3A_2033, %swap3A_2034] {strides = array<i32>} : memref<4x200x128xf32, #tpu.memory_space<vmem>>, vector<16xf32>,
        tpu.vector_store %arg7[%swap3A_2032, %swap3A_2033, %swap3A_2034], %select_n3A_2029 {strides = array<i32>} : memref<4x200x128xf32, #tpu.memory_space<vmem>>, vector<16xf32>,
        %select_n3A_2036 = arith.select %ne3A_2021, %get3A_502, %get3A_470 : vector<16xi1>, vector<16xf32>
        %add3A_2037 = arith.constant 15 : i32
        %add3A_2038 = arith.addi %mul3A_1080, %add3A_2037 : i32
        %swap3A_2039 = arith.index_cast %rem3A_426 : i32 to index
        %swap3A_2040 = arith.index_cast %add3A_2038 : i32 to index
        %swap3A_2041 = arith.constant 32 : index
        %swap3A_2042 = tpu.vector_load %arg7[%swap3A_2039, %swap3A_2040, %swap3A_2041] {strides = array<i32>} : memref<4x200x128xf32, #tpu.memory_space<vmem>>, vector<16xf32>,
        tpu.vector_store %arg7[%swap3A_2039, %swap3A_2040, %swap3A_2041], %select_n3A_2036 {strides = array<i32>} : memref<4x200x128xf32, #tpu.memory_space<vmem>>, vector<16xf32>,
        %select_n3A_2043 = arith.select %ne3A_2021, %get3A_506, %get3A_474 : vector<16xi1>, vector<16xf32>
        %add3A_2044 = arith.constant 15 : i32
        %add3A_2045 = arith.addi %mul3A_1080, %add3A_2044 : i32
        %swap3A_2046 = arith.index_cast %rem3A_426 : i32 to index
        %swap3A_2047 = arith.index_cast %add3A_2045 : i32 to index
        %swap3A_2048 = arith.constant 48 : index
        %swap3A_2049 = tpu.vector_load %arg7[%swap3A_2046, %swap3A_2047, %swap3A_2048] {strides = array<i32>} : memref<4x200x128xf32, #tpu.memory_space<vmem>>, vector<16xf32>,
        tpu.vector_store %arg7[%swap3A_2046, %swap3A_2047, %swap3A_2048], %select_n3A_2043 {strides = array<i32>} : memref<4x200x128xf32, #tpu.memory_space<vmem>>, vector<16xf32>,
        %select_n3A_2050 = arith.select %ne3A_2021, %get3A_510, %get3A_478 : vector<16xi1>, vector<16xf32>
        %add3A_2051 = arith.constant 15 : i32
        %add3A_2052 = arith.addi %mul3A_1080, %add3A_2051 : i32
        %swap3A_2053 = arith.index_cast %rem3A_426 : i32 to index
        %swap3A_2054 = arith.index_cast %add3A_2052 : i32 to index
        %swap3A_2055 = arith.constant 64 : index
        %swap3A_2056 = tpu.vector_load %arg7[%swap3A_2053, %swap3A_2054, %swap3A_2055] {strides = array<i32>} : memref<4x200x128xf32, #tpu.memory_space<vmem>>, vector<16xf32>,
        tpu.vector_store %arg7[%swap3A_2053, %swap3A_2054, %swap3A_2055], %select_n3A_2050 {strides = array<i32>} : memref<4x200x128xf32, #tpu.memory_space<vmem>>, vector<16xf32>,
        %select_n3A_2057 = arith.select %ne3A_2021, %get3A_514, %get3A_482 : vector<16xi1>, vector<16xf32>
        %add3A_2058 = arith.constant 15 : i32
        %add3A_2059 = arith.addi %mul3A_1080, %add3A_2058 : i32
        %swap3A_2060 = arith.index_cast %rem3A_426 : i32 to index
        %swap3A_2061 = arith.index_cast %add3A_2059 : i32 to index
        %swap3A_2062 = arith.constant 80 : index
        %swap3A_2063 = tpu.vector_load %arg7[%swap3A_2060, %swap3A_2061, %swap3A_2062] {strides = array<i32>} : memref<4x200x128xf32, #tpu.memory_space<vmem>>, vector<16xf32>,
        tpu.vector_store %arg7[%swap3A_2060, %swap3A_2061, %swap3A_2062], %select_n3A_2057 {strides = array<i32>} : memref<4x200x128xf32, #tpu.memory_space<vmem>>, vector<16xf32>,
        %select_n3A_2064 = arith.select %ne3A_2021, %get3A_518, %get3A_486 : vector<16xi1>, vector<16xf32>
        %add3A_2065 = arith.constant 15 : i32
        %add3A_2066 = arith.addi %mul3A_1080, %add3A_2065 : i32
        %swap3A_2067 = arith.index_cast %rem3A_426 : i32 to index
        %swap3A_2068 = arith.index_cast %add3A_2066 : i32 to index
        %swap3A_2069 = arith.constant 96 : index
        %swap3A_2070 = tpu.vector_load %arg7[%swap3A_2067, %swap3A_2068, %swap3A_2069] {strides = array<i32>} : memref<4x200x128xf32, #tpu.memory_space<vmem>>, vector<16xf32>,
        tpu.vector_store %arg7[%swap3A_2067, %swap3A_2068, %swap3A_2069], %select_n3A_2064 {strides = array<i32>} : memref<4x200x128xf32, #tpu.memory_space<vmem>>, vector<16xf32>,
        %select_n3A_2071 = arith.select %ne3A_2021, %get3A_522, %get3A_490 : vector<16xi1>, vector<16xf32>
        %add3A_2072 = arith.constant 15 : i32
        %add3A_2073 = arith.addi %mul3A_1080, %add3A_2072 : i32
        %swap3A_2074 = arith.index_cast %rem3A_426 : i32 to index
        %swap3A_2075 = arith.index_cast %add3A_2073 : i32 to index
        %swap3A_2076 = arith.constant 112 : index
        %swap3A_2077 = tpu.vector_load %arg7[%swap3A_2074, %swap3A_2075, %swap3A_2076] {strides = array<i32>} : memref<4x200x128xf32, #tpu.memory_space<vmem>>, vector<16xf32>,
        tpu.vector_store %arg7[%swap3A_2074, %swap3A_2075, %swap3A_2076], %select_n3A_2071 {strides = array<i32>} : memref<4x200x128xf32, #tpu.memory_space<vmem>>, vector<16xf32>,
      }
      %scan3A_528 = arith.constant 12 : i32
      %mul3A_529 = arith.constant 200 : i32
      %mul3A_530 = arith.muli %scan3A_425, %mul3A_529 : i32
      %add3A_531 = arith.constant 192 : i32
      %add3A_532 = arith.addi %mul3A_530, %add3A_531 : i32
      %get3A_533 = arith.index_cast %add3A_532 : i32 to index
      %get3A_534 = tpu.vector_load %arg6[%get3A_533] {strides = array<i32>} : memref<25616xi32, #tpu.memory_space<vmem>>, vector<16xi32>,
      %broadcast_in_dim3A_535 = vector.shape_cast %broadcast_in_dim3A_429 : vector<16xi32> to vector<16x1xi32>
      %gather3A = vector.shape_cast %broadcast_in_dim3A_535 : vector<16x1xi32> to vector<16xi32>
      %gather3A_536 = tpu.dynamic_gather %get3A_534[%gather3A] in [0] : vector<16xi32>, vector<16xi32> -> vector<16xi32>
      %ne3A = arith.constant 0 : i32
      %ne3A_537 = vector.broadcast %ne3A : i32 to vector<16xi32>
      %ne3A_538 = arith.cmpi ne, %gather3A_536, %ne3A_537 : vector<16xi32>
      %select_n3A = arith.select %ne3A_538, %get3A_494, %get3A_462 : vector<16xi1>, vector<16xf32>
      %swap3A = arith.constant 192 : i32
      %swap3A_539 = arith.index_cast %rem3A_426 : i32 to index
      %swap3A_540 = arith.index_cast %swap3A : i32 to index
      %swap3A_541 = arith.constant 0 : index
      %swap3A_542 = tpu.vector_load %arg7[%swap3A_539, %swap3A_540, %swap3A_541] {strides = array<i32>} : memref<4x200x128xf32, #tpu.memory_space<vmem>>, vector<16xf32>,
      tpu.vector_store %arg7[%swap3A_539, %swap3A_540, %swap3A_541], %select_n3A {strides = array<i32>} : memref<4x200x128xf32, #tpu.memory_space<vmem>>, vector<16xf32>,
      %select_n3A_543 = arith.select %ne3A_538, %get3A_498, %get3A_466 : vector<16xi1>, vector<16xf32>
      %swap3A_544 = arith.constant 192 : i32
      %swap3A_545 = arith.index_cast %rem3A_426 : i32 to index
      %swap3A_546 = arith.index_cast %swap3A_544 : i32 to index
      %swap3A_547 = arith.constant 16 : index
      %swap3A_548 = tpu.vector_load %arg7[%swap3A_545, %swap3A_546, %swap3A_547] {strides = array<i32>} : memref<4x200x128xf32, #tpu.memory_space<vmem>>, vector<16xf32>,
      tpu.vector_store %arg7[%swap3A_545, %swap3A_546, %swap3A_547], %select_n3A_543 {strides = array<i32>} : memref<4x200x128xf32, #tpu.memory_space<vmem>>, vector<16xf32>,
      %select_n3A_549 = arith.select %ne3A_538, %get3A_502, %get3A_470 : vector<16xi1>, vector<16xf32>
      %swap3A_550 = arith.constant 192 : i32
      %swap3A_551 = arith.index_cast %rem3A_426 : i32 to index
      %swap3A_552 = arith.index_cast %swap3A_550 : i32 to index
      %swap3A_553 = arith.constant 32 : index
      %swap3A_554 = tpu.vector_load %arg7[%swap3A_551, %swap3A_552, %swap3A_553] {strides = array<i32>} : memref<4x200x128xf32, #tpu.memory_space<vmem>>, vector<16xf32>,
      tpu.vector_store %arg7[%swap3A_551, %swap3A_552, %swap3A_553], %select_n3A_549 {strides = array<i32>} : memref<4x200x128xf32, #tpu.memory_space<vmem>>, vector<16xf32>,
      %select_n3A_555 = arith.select %ne3A_538, %get3A_506, %get3A_474 : vector<16xi1>, vector<16xf32>
      %swap3A_556 = arith.constant 192 : i32
      %swap3A_557 = arith.index_cast %rem3A_426 : i32 to index
      %swap3A_558 = arith.index_cast %swap3A_556 : i32 to index
      %swap3A_559 = arith.constant 48 : index
      %swap3A_560 = tpu.vector_load %arg7[%swap3A_557, %swap3A_558, %swap3A_559] {strides = array<i32>} : memref<4x200x128xf32, #tpu.memory_space<vmem>>, vector<16xf32>,
      tpu.vector_store %arg7[%swap3A_557, %swap3A_558, %swap3A_559], %select_n3A_555 {strides = array<i32>} : memref<4x200x128xf32, #tpu.memory_space<vmem>>, vector<16xf32>,
      %select_n3A_561 = arith.select %ne3A_538, %get3A_510, %get3A_478 : vector<16xi1>, vector<16xf32>
      %swap3A_562 = arith.constant 192 : i32
      %swap3A_563 = arith.index_cast %rem3A_426 : i32 to index
      %swap3A_564 = arith.index_cast %swap3A_562 : i32 to index
      %swap3A_565 = arith.constant 64 : index
      %swap3A_566 = tpu.vector_load %arg7[%swap3A_563, %swap3A_564, %swap3A_565] {strides = array<i32>} : memref<4x200x128xf32, #tpu.memory_space<vmem>>, vector<16xf32>,
      tpu.vector_store %arg7[%swap3A_563, %swap3A_564, %swap3A_565], %select_n3A_561 {strides = array<i32>} : memref<4x200x128xf32, #tpu.memory_space<vmem>>, vector<16xf32>,
      %select_n3A_567 = arith.select %ne3A_538, %get3A_514, %get3A_482 : vector<16xi1>, vector<16xf32>
      %swap3A_568 = arith.constant 192 : i32
      %swap3A_569 = arith.index_cast %rem3A_426 : i32 to index
      %swap3A_570 = arith.index_cast %swap3A_568 : i32 to index
      %swap3A_571 = arith.constant 80 : index
      %swap3A_572 = tpu.vector_load %arg7[%swap3A_569, %swap3A_570, %swap3A_571] {strides = array<i32>} : memref<4x200x128xf32, #tpu.memory_space<vmem>>, vector<16xf32>,
      tpu.vector_store %arg7[%swap3A_569, %swap3A_570, %swap3A_571], %select_n3A_567 {strides = array<i32>} : memref<4x200x128xf32, #tpu.memory_space<vmem>>, vector<16xf32>,
      %select_n3A_573 = arith.select %ne3A_538, %get3A_518, %get3A_486 : vector<16xi1>, vector<16xf32>
      %swap3A_574 = arith.constant 192 : i32
      %swap3A_575 = arith.index_cast %rem3A_426 : i32 to index
      %swap3A_576 = arith.index_cast %swap3A_574 : i32 to index
      %swap3A_577 = arith.constant 96 : index
      %swap3A_578 = tpu.vector_load %arg7[%swap3A_575, %swap3A_576, %swap3A_577] {strides = array<i32>} : memref<4x200x128xf32, #tpu.memory_space<vmem>>, vector<16xf32>,
      tpu.vector_store %arg7[%swap3A_575, %swap3A_576, %swap3A_577], %select_n3A_573 {strides = array<i32>} : memref<4x200x128xf32, #tpu.memory_space<vmem>>, vector<16xf32>,
      %select_n3A_579 = arith.select %ne3A_538, %get3A_522, %get3A_490 : vector<16xi1>, vector<16xf32>
      %swap3A_580 = arith.constant 192 : i32
      %swap3A_581 = arith.index_cast %rem3A_426 : i32 to index
      %swap3A_582 = arith.index_cast %swap3A_580 : i32 to index
      %swap3A_583 = arith.constant 112 : index
      %swap3A_584 = tpu.vector_load %arg7[%swap3A_581, %swap3A_582, %swap3A_583] {strides = array<i32>} : memref<4x200x128xf32, #tpu.memory_space<vmem>>, vector<16xf32>,
      tpu.vector_store %arg7[%swap3A_581, %swap3A_582, %swap3A_583], %select_n3A_579 {strides = array<i32>} : memref<4x200x128xf32, #tpu.memory_space<vmem>>, vector<16xf32>,
      %broadcast_in_dim3A_585 = vector.shape_cast %broadcast_in_dim3A_431 : vector<16xi32> to vector<16x1xi32>
      %gather3A_586 = vector.shape_cast %broadcast_in_dim3A_585 : vector<16x1xi32> to vector<16xi32>
      %gather3A_587 = tpu.dynamic_gather %get3A_534[%gather3A_586] in [0] : vector<16xi32>, vector<16xi32> -> vector<16xi32>
      %ne3A_588 = arith.constant 0 : i32
      %ne3A_589 = vector.broadcast %ne3A_588 : i32 to vector<16xi32>
      %ne3A_590 = arith.cmpi ne, %gather3A_587, %ne3A_589 : vector<16xi32>
      %select_n3A_591 = arith.select %ne3A_590, %get3A_494, %get3A_462 : vector<16xi1>, vector<16xf32>
      %swap3A_592 = arith.constant 193 : i32
      %swap3A_593 = arith.index_cast %rem3A_426 : i32 to index
      %swap3A_594 = arith.index_cast %swap3A_592 : i32 to index
      %swap3A_595 = arith.constant 0 : index
      %swap3A_596 = tpu.vector_load %arg7[%swap3A_593, %swap3A_594, %swap3A_595] {strides = array<i32>} : memref<4x200x128xf32, #tpu.memory_space<vmem>>, vector<16xf32>,
      tpu.vector_store %arg7[%swap3A_593, %swap3A_594, %swap3A_595], %select_n3A_591 {strides = array<i32>} : memref<4x200x128xf32, #tpu.memory_space<vmem>>, vector<16xf32>,
      %select_n3A_597 = arith.select %ne3A_590, %get3A_498, %get3A_466 : vector<16xi1>, vector<16xf32>
      %swap3A_598 = arith.constant 193 : i32
      %swap3A_599 = arith.index_cast %rem3A_426 : i32 to index
      %swap3A_600 = arith.index_cast %swap3A_598 : i32 to index
      %swap3A_601 = arith.constant 16 : index
      %swap3A_602 = tpu.vector_load %arg7[%swap3A_599, %swap3A_600, %swap3A_601] {strides = array<i32>} : memref<4x200x128xf32, #tpu.memory_space<vmem>>, vector<16xf32>,
      tpu.vector_store %arg7[%swap3A_599, %swap3A_600, %swap3A_601], %select_n3A_597 {strides = array<i32>} : memref<4x200x128xf32, #tpu.memory_space<vmem>>, vector<16xf32>,
      %select_n3A_603 = arith.select %ne3A_590, %get3A_502, %get3A_470 : vector<16xi1>, vector<16xf32>
      %swap3A_604 = arith.constant 193 : i32
      %swap3A_605 = arith.index_cast %rem3A_426 : i32 to index
      %swap3A_606 = arith.index_cast %swap3A_604 : i32 to index
      %swap3A_607 = arith.constant 32 : index
      %swap3A_608 = tpu.vector_load %arg7[%swap3A_605, %swap3A_606, %swap3A_607] {strides = array<i32>} : memref<4x200x128xf32, #tpu.memory_space<vmem>>, vector<16xf32>,
      tpu.vector_store %arg7[%swap3A_605, %swap3A_606, %swap3A_607], %select_n3A_603 {strides = array<i32>} : memref<4x200x128xf32, #tpu.memory_space<vmem>>, vector<16xf32>,
      %select_n3A_609 = arith.select %ne3A_590, %get3A_506, %get3A_474 : vector<16xi1>, vector<16xf32>
      %swap3A_610 = arith.constant 193 : i32
      %swap3A_611 = arith.index_cast %rem3A_426 : i32 to index
      %swap3A_612 = arith.index_cast %swap3A_610 : i32 to index
      %swap3A_613 = arith.constant 48 : index
      %swap3A_614 = tpu.vector_load %arg7[%swap3A_611, %swap3A_612, %swap3A_613] {strides = array<i32>} : memref<4x200x128xf32, #tpu.memory_space<vmem>>, vector<16xf32>,
      tpu.vector_store %arg7[%swap3A_611, %swap3A_612, %swap3A_613], %select_n3A_609 {strides = array<i32>} : memref<4x200x128xf32, #tpu.memory_space<vmem>>, vector<16xf32>,
      %select_n3A_615 = arith.select %ne3A_590, %get3A_510, %get3A_478 : vector<16xi1>, vector<16xf32>
      %swap3A_616 = arith.constant 193 : i32
      %swap3A_617 = arith.index_cast %rem3A_426 : i32 to index
      %swap3A_618 = arith.index_cast %swap3A_616 : i32 to index
      %swap3A_619 = arith.constant 64 : index
      %swap3A_620 = tpu.vector_load %arg7[%swap3A_617, %swap3A_618, %swap3A_619] {strides = array<i32>} : memref<4x200x128xf32, #tpu.memory_space<vmem>>, vector<16xf32>,
      tpu.vector_store %arg7[%swap3A_617, %swap3A_618, %swap3A_619], %select_n3A_615 {strides = array<i32>} : memref<4x200x128xf32, #tpu.memory_space<vmem>>, vector<16xf32>,
      %select_n3A_621 = arith.select %ne3A_590, %get3A_514, %get3A_482 : vector<16xi1>, vector<16xf32>
      %swap3A_622 = arith.constant 193 : i32
      %swap3A_623 = arith.index_cast %rem3A_426 : i32 to index
      %swap3A_624 = arith.index_cast %swap3A_622 : i32 to index
      %swap3A_625 = arith.constant 80 : index
      %swap3A_626 = tpu.vector_load %arg7[%swap3A_623, %swap3A_624, %swap3A_625] {strides = array<i32>} : memref<4x200x128xf32, #tpu.memory_space<vmem>>, vector<16xf32>,
      tpu.vector_store %arg7[%swap3A_623, %swap3A_624, %swap3A_625], %select_n3A_621 {strides = array<i32>} : memref<4x200x128xf32, #tpu.memory_space<vmem>>, vector<16xf32>,
      %select_n3A_627 = arith.select %ne3A_590, %get3A_518, %get3A_486 : vector<16xi1>, vector<16xf32>
      %swap3A_628 = arith.constant 193 : i32
      %swap3A_629 = arith.index_cast %rem3A_426 : i32 to index
      %swap3A_630 = arith.index_cast %swap3A_628 : i32 to index
      %swap3A_631 = arith.constant 96 : index
      %swap3A_632 = tpu.vector_load %arg7[%swap3A_629, %swap3A_630, %swap3A_631] {strides = array<i32>} : memref<4x200x128xf32, #tpu.memory_space<vmem>>, vector<16xf32>,
      tpu.vector_store %arg7[%swap3A_629, %swap3A_630, %swap3A_631], %select_n3A_627 {strides = array<i32>} : memref<4x200x128xf32, #tpu.memory_space<vmem>>, vector<16xf32>,
      %select_n3A_633 = arith.select %ne3A_590, %get3A_522, %get3A_490 : vector<16xi1>, vector<16xf32>
      %swap3A_634 = arith.constant 193 : i32
      %swap3A_635 = arith.index_cast %rem3A_426 : i32 to index
      %swap3A_636 = arith.index_cast %swap3A_634 : i32 to index
      %swap3A_637 = arith.constant 112 : index
      %swap3A_638 = tpu.vector_load %arg7[%swap3A_635, %swap3A_636, %swap3A_637] {strides = array<i32>} : memref<4x200x128xf32, #tpu.memory_space<vmem>>, vector<16xf32>,
      tpu.vector_store %arg7[%swap3A_635, %swap3A_636, %swap3A_637], %select_n3A_633 {strides = array<i32>} : memref<4x200x128xf32, #tpu.memory_space<vmem>>, vector<16xf32>,
      %broadcast_in_dim3A_639 = vector.shape_cast %broadcast_in_dim3A_433 : vector<16xi32> to vector<16x1xi32>
      %gather3A_640 = vector.shape_cast %broadcast_in_dim3A_639 : vector<16x1xi32> to vector<16xi32>
      %gather3A_641 = tpu.dynamic_gather %get3A_534[%gather3A_640] in [0] : vector<16xi32>, vector<16xi32> -> vector<16xi32>
      %ne3A_642 = arith.constant 0 : i32
      %ne3A_643 = vector.broadcast %ne3A_642 : i32 to vector<16xi32>
      %ne3A_644 = arith.cmpi ne, %gather3A_641, %ne3A_643 : vector<16xi32>
      %select_n3A_645 = arith.select %ne3A_644, %get3A_494, %get3A_462 : vector<16xi1>, vector<16xf32>
      %swap3A_646 = arith.constant 194 : i32
      %swap3A_647 = arith.index_cast %rem3A_426 : i32 to index
      %swap3A_648 = arith.index_cast %swap3A_646 : i32 to index
      %swap3A_649 = arith.constant 0 : index
      %swap3A_650 = tpu.vector_load %arg7[%swap3A_647, %swap3A_648, %swap3A_649] {strides = array<i32>} : memref<4x200x128xf32, #tpu.memory_space<vmem>>, vector<16xf32>,
      tpu.vector_store %arg7[%swap3A_647, %swap3A_648, %swap3A_649], %select_n3A_645 {strides = array<i32>} : memref<4x200x128xf32, #tpu.memory_space<vmem>>, vector<16xf32>,
      %select_n3A_651 = arith.select %ne3A_644, %get3A_498, %get3A_466 : vector<16xi1>, vector<16xf32>
      %swap3A_652 = arith.constant 194 : i32
      %swap3A_653 = arith.index_cast %rem3A_426 : i32 to index
      %swap3A_654 = arith.index_cast %swap3A_652 : i32 to index
      %swap3A_655 = arith.constant 16 : index
      %swap3A_656 = tpu.vector_load %arg7[%swap3A_653, %swap3A_654, %swap3A_655] {strides = array<i32>} : memref<4x200x128xf32, #tpu.memory_space<vmem>>, vector<16xf32>,
      tpu.vector_store %arg7[%swap3A_653, %swap3A_654, %swap3A_655], %select_n3A_651 {strides = array<i32>} : memref<4x200x128xf32, #tpu.memory_space<vmem>>, vector<16xf32>,
      %select_n3A_657 = arith.select %ne3A_644, %get3A_502, %get3A_470 : vector<16xi1>, vector<16xf32>
      %swap3A_658 = arith.constant 194 : i32
      %swap3A_659 = arith.index_cast %rem3A_426 : i32 to index
      %swap3A_660 = arith.index_cast %swap3A_658 : i32 to index
      %swap3A_661 = arith.constant 32 : index
      %swap3A_662 = tpu.vector_load %arg7[%swap3A_659, %swap3A_660, %swap3A_661] {strides = array<i32>} : memref<4x200x128xf32, #tpu.memory_space<vmem>>, vector<16xf32>,
      tpu.vector_store %arg7[%swap3A_659, %swap3A_660, %swap3A_661], %select_n3A_657 {strides = array<i32>} : memref<4x200x128xf32, #tpu.memory_space<vmem>>, vector<16xf32>,
      %select_n3A_663 = arith.select %ne3A_644, %get3A_506, %get3A_474 : vector<16xi1>, vector<16xf32>
      %swap3A_664 = arith.constant 194 : i32
      %swap3A_665 = arith.index_cast %rem3A_426 : i32 to index
      %swap3A_666 = arith.index_cast %swap3A_664 : i32 to index
      %swap3A_667 = arith.constant 48 : index
      %swap3A_668 = tpu.vector_load %arg7[%swap3A_665, %swap3A_666, %swap3A_667] {strides = array<i32>} : memref<4x200x128xf32, #tpu.memory_space<vmem>>, vector<16xf32>,
      tpu.vector_store %arg7[%swap3A_665, %swap3A_666, %swap3A_667], %select_n3A_663 {strides = array<i32>} : memref<4x200x128xf32, #tpu.memory_space<vmem>>, vector<16xf32>,
      %select_n3A_669 = arith.select %ne3A_644, %get3A_510, %get3A_478 : vector<16xi1>, vector<16xf32>
      %swap3A_670 = arith.constant 194 : i32
      %swap3A_671 = arith.index_cast %rem3A_426 : i32 to index
      %swap3A_672 = arith.index_cast %swap3A_670 : i32 to index
      %swap3A_673 = arith.constant 64 : index
      %swap3A_674 = tpu.vector_load %arg7[%swap3A_671, %swap3A_672, %swap3A_673] {strides = array<i32>} : memref<4x200x128xf32, #tpu.memory_space<vmem>>, vector<16xf32>,
      tpu.vector_store %arg7[%swap3A_671, %swap3A_672, %swap3A_673], %select_n3A_669 {strides = array<i32>} : memref<4x200x128xf32, #tpu.memory_space<vmem>>, vector<16xf32>,
      %select_n3A_675 = arith.select %ne3A_644, %get3A_514, %get3A_482 : vector<16xi1>, vector<16xf32>
      %swap3A_676 = arith.constant 194 : i32
      %swap3A_677 = arith.index_cast %rem3A_426 : i32 to index
      %swap3A_678 = arith.index_cast %swap3A_676 : i32 to index
      %swap3A_679 = arith.constant 80 : index
      %swap3A_680 = tpu.vector_load %arg7[%swap3A_677, %swap3A_678, %swap3A_679] {strides = array<i32>} : memref<4x200x128xf32, #tpu.memory_space<vmem>>, vector<16xf32>,
      tpu.vector_store %arg7[%swap3A_677, %swap3A_678, %swap3A_679], %select_n3A_675 {strides = array<i32>} : memref<4x200x128xf32, #tpu.memory_space<vmem>>, vector<16xf32>,
      %select_n3A_681 = arith.select %ne3A_644, %get3A_518, %get3A_486 : vector<16xi1>, vector<16xf32>
      %swap3A_682 = arith.constant 194 : i32
      %swap3A_683 = arith.index_cast %rem3A_426 : i32 to index
      %swap3A_684 = arith.index_cast %swap3A_682 : i32 to index
      %swap3A_685 = arith.constant 96 : index
      %swap3A_686 = tpu.vector_load %arg7[%swap3A_683, %swap3A_684, %swap3A_685] {strides = array<i32>} : memref<4x200x128xf32, #tpu.memory_space<vmem>>, vector<16xf32>,
      tpu.vector_store %arg7[%swap3A_683, %swap3A_684, %swap3A_685], %select_n3A_681 {strides = array<i32>} : memref<4x200x128xf32, #tpu.memory_space<vmem>>, vector<16xf32>,
      %select_n3A_687 = arith.select %ne3A_644, %get3A_522, %get3A_490 : vector<16xi1>, vector<16xf32>
      %swap3A_688 = arith.constant 194 : i32
      %swap3A_689 = arith.index_cast %rem3A_426 : i32 to index
      %swap3A_690 = arith.index_cast %swap3A_688 : i32 to index
      %swap3A_691 = arith.constant 112 : index
      %swap3A_692 = tpu.vector_load %arg7[%swap3A_689, %swap3A_690, %swap3A_691] {strides = array<i32>} : memref<4x200x128xf32, #tpu.memory_space<vmem>>, vector<16xf32>,
      tpu.vector_store %arg7[%swap3A_689, %swap3A_690, %swap3A_691], %select_n3A_687 {strides = array<i32>} : memref<4x200x128xf32, #tpu.memory_space<vmem>>, vector<16xf32>,
      %broadcast_in_dim3A_693 = vector.shape_cast %broadcast_in_dim3A_435 : vector<16xi32> to vector<16x1xi32>
      %gather3A_694 = vector.shape_cast %broadcast_in_dim3A_693 : vector<16x1xi32> to vector<16xi32>
      %gather3A_695 = tpu.dynamic_gather %get3A_534[%gather3A_694] in [0] : vector<16xi32>, vector<16xi32> -> vector<16xi32>
      %ne3A_696 = arith.constant 0 : i32
      %ne3A_697 = vector.broadcast %ne3A_696 : i32 to vector<16xi32>
      %ne3A_698 = arith.cmpi ne, %gather3A_695, %ne3A_697 : vector<16xi32>
      %select_n3A_699 = arith.select %ne3A_698, %get3A_494, %get3A_462 : vector<16xi1>, vector<16xf32>
      %swap3A_700 = arith.constant 195 : i32
      %swap3A_701 = arith.index_cast %rem3A_426 : i32 to index
      %swap3A_702 = arith.index_cast %swap3A_700 : i32 to index
      %swap3A_703 = arith.constant 0 : index
      %swap3A_704 = tpu.vector_load %arg7[%swap3A_701, %swap3A_702, %swap3A_703] {strides = array<i32>} : memref<4x200x128xf32, #tpu.memory_space<vmem>>, vector<16xf32>,
      tpu.vector_store %arg7[%swap3A_701, %swap3A_702, %swap3A_703], %select_n3A_699 {strides = array<i32>} : memref<4x200x128xf32, #tpu.memory_space<vmem>>, vector<16xf32>,
      %select_n3A_705 = arith.select %ne3A_698, %get3A_498, %get3A_466 : vector<16xi1>, vector<16xf32>
      %swap3A_706 = arith.constant 195 : i32
      %swap3A_707 = arith.index_cast %rem3A_426 : i32 to index
      %swap3A_708 = arith.index_cast %swap3A_706 : i32 to index
      %swap3A_709 = arith.constant 16 : index
      %swap3A_710 = tpu.vector_load %arg7[%swap3A_707, %swap3A_708, %swap3A_709] {strides = array<i32>} : memref<4x200x128xf32, #tpu.memory_space<vmem>>, vector<16xf32>,
      tpu.vector_store %arg7[%swap3A_707, %swap3A_708, %swap3A_709], %select_n3A_705 {strides = array<i32>} : memref<4x200x128xf32, #tpu.memory_space<vmem>>, vector<16xf32>,
      %select_n3A_711 = arith.select %ne3A_698, %get3A_502, %get3A_470 : vector<16xi1>, vector<16xf32>
      %swap3A_712 = arith.constant 195 : i32
      %swap3A_713 = arith.index_cast %rem3A_426 : i32 to index
      %swap3A_714 = arith.index_cast %swap3A_712 : i32 to index
      %swap3A_715 = arith.constant 32 : index
      %swap3A_716 = tpu.vector_load %arg7[%swap3A_713, %swap3A_714, %swap3A_715] {strides = array<i32>} : memref<4x200x128xf32, #tpu.memory_space<vmem>>, vector<16xf32>,
      tpu.vector_store %arg7[%swap3A_713, %swap3A_714, %swap3A_715], %select_n3A_711 {strides = array<i32>} : memref<4x200x128xf32, #tpu.memory_space<vmem>>, vector<16xf32>,
      %select_n3A_717 = arith.select %ne3A_698, %get3A_506, %get3A_474 : vector<16xi1>, vector<16xf32>
      %swap3A_718 = arith.constant 195 : i32
      %swap3A_719 = arith.index_cast %rem3A_426 : i32 to index
      %swap3A_720 = arith.index_cast %swap3A_718 : i32 to index
      %swap3A_721 = arith.constant 48 : index
      %swap3A_722 = tpu.vector_load %arg7[%swap3A_719, %swap3A_720, %swap3A_721] {strides = array<i32>} : memref<4x200x128xf32, #tpu.memory_space<vmem>>, vector<16xf32>,
      tpu.vector_store %arg7[%swap3A_719, %swap3A_720, %swap3A_721], %select_n3A_717 {strides = array<i32>} : memref<4x200x128xf32, #tpu.memory_space<vmem>>, vector<16xf32>,
      %select_n3A_723 = arith.select %ne3A_698, %get3A_510, %get3A_478 : vector<16xi1>, vector<16xf32>
      %swap3A_724 = arith.constant 195 : i32
      %swap3A_725 = arith.index_cast %rem3A_426 : i32 to index
      %swap3A_726 = arith.index_cast %swap3A_724 : i32 to index
      %swap3A_727 = arith.constant 64 : index
      %swap3A_728 = tpu.vector_load %arg7[%swap3A_725, %swap3A_726, %swap3A_727] {strides = array<i32>} : memref<4x200x128xf32, #tpu.memory_space<vmem>>, vector<16xf32>,
      tpu.vector_store %arg7[%swap3A_725, %swap3A_726, %swap3A_727], %select_n3A_723 {strides = array<i32>} : memref<4x200x128xf32, #tpu.memory_space<vmem>>, vector<16xf32>,
      %select_n3A_729 = arith.select %ne3A_698, %get3A_514, %get3A_482 : vector<16xi1>, vector<16xf32>
      %swap3A_730 = arith.constant 195 : i32
      %swap3A_731 = arith.index_cast %rem3A_426 : i32 to index
      %swap3A_732 = arith.index_cast %swap3A_730 : i32 to index
      %swap3A_733 = arith.constant 80 : index
      %swap3A_734 = tpu.vector_load %arg7[%swap3A_731, %swap3A_732, %swap3A_733] {strides = array<i32>} : memref<4x200x128xf32, #tpu.memory_space<vmem>>, vector<16xf32>,
      tpu.vector_store %arg7[%swap3A_731, %swap3A_732, %swap3A_733], %select_n3A_729 {strides = array<i32>} : memref<4x200x128xf32, #tpu.memory_space<vmem>>, vector<16xf32>,
      %select_n3A_735 = arith.select %ne3A_698, %get3A_518, %get3A_486 : vector<16xi1>, vector<16xf32>
      %swap3A_736 = arith.constant 195 : i32
      %swap3A_737 = arith.index_cast %rem3A_426 : i32 to index
      %swap3A_738 = arith.index_cast %swap3A_736 : i32 to index
      %swap3A_739 = arith.constant 96 : index
      %swap3A_740 = tpu.vector_load %arg7[%swap3A_737, %swap3A_738, %swap3A_739] {strides = array<i32>} : memref<4x200x128xf32, #tpu.memory_space<vmem>>, vector<16xf32>,
      tpu.vector_store %arg7[%swap3A_737, %swap3A_738, %swap3A_739], %select_n3A_735 {strides = array<i32>} : memref<4x200x128xf32, #tpu.memory_space<vmem>>, vector<16xf32>,
      %select_n3A_741 = arith.select %ne3A_698, %get3A_522, %get3A_490 : vector<16xi1>, vector<16xf32>
      %swap3A_742 = arith.constant 195 : i32
      %swap3A_743 = arith.index_cast %rem3A_426 : i32 to index
      %swap3A_744 = arith.index_cast %swap3A_742 : i32 to index
      %swap3A_745 = arith.constant 112 : index
      %swap3A_746 = tpu.vector_load %arg7[%swap3A_743, %swap3A_744, %swap3A_745] {strides = array<i32>} : memref<4x200x128xf32, #tpu.memory_space<vmem>>, vector<16xf32>,
      tpu.vector_store %arg7[%swap3A_743, %swap3A_744, %swap3A_745], %select_n3A_741 {strides = array<i32>} : memref<4x200x128xf32, #tpu.memory_space<vmem>>, vector<16xf32>,
      %broadcast_in_dim3A_747 = vector.shape_cast %broadcast_in_dim3A_437 : vector<16xi32> to vector<16x1xi32>
      %gather3A_748 = vector.shape_cast %broadcast_in_dim3A_747 : vector<16x1xi32> to vector<16xi32>
      %gather3A_749 = tpu.dynamic_gather %get3A_534[%gather3A_748] in [0] : vector<16xi32>, vector<16xi32> -> vector<16xi32>
      %ne3A_750 = arith.constant 0 : i32
      %ne3A_751 = vector.broadcast %ne3A_750 : i32 to vector<16xi32>
      %ne3A_752 = arith.cmpi ne, %gather3A_749, %ne3A_751 : vector<16xi32>
      %select_n3A_753 = arith.select %ne3A_752, %get3A_494, %get3A_462 : vector<16xi1>, vector<16xf32>
      %swap3A_754 = arith.constant 196 : i32
      %swap3A_755 = arith.index_cast %rem3A_426 : i32 to index
      %swap3A_756 = arith.index_cast %swap3A_754 : i32 to index
      %swap3A_757 = arith.constant 0 : index
      %swap3A_758 = tpu.vector_load %arg7[%swap3A_755, %swap3A_756, %swap3A_757] {strides = array<i32>} : memref<4x200x128xf32, #tpu.memory_space<vmem>>, vector<16xf32>,
      tpu.vector_store %arg7[%swap3A_755, %swap3A_756, %swap3A_757], %select_n3A_753 {strides = array<i32>} : memref<4x200x128xf32, #tpu.memory_space<vmem>>, vector<16xf32>,
      %select_n3A_759 = arith.select %ne3A_752, %get3A_498, %get3A_466 : vector<16xi1>, vector<16xf32>
      %swap3A_760 = arith.constant 196 : i32
      %swap3A_761 = arith.index_cast %rem3A_426 : i32 to index
      %swap3A_762 = arith.index_cast %swap3A_760 : i32 to index
      %swap3A_763 = arith.constant 16 : index
      %swap3A_764 = tpu.vector_load %arg7[%swap3A_761, %swap3A_762, %swap3A_763] {strides = array<i32>} : memref<4x200x128xf32, #tpu.memory_space<vmem>>, vector<16xf32>,
      tpu.vector_store %arg7[%swap3A_761, %swap3A_762, %swap3A_763], %select_n3A_759 {strides = array<i32>} : memref<4x200x128xf32, #tpu.memory_space<vmem>>, vector<16xf32>,
      %select_n3A_765 = arith.select %ne3A_752, %get3A_502, %get3A_470 : vector<16xi1>, vector<16xf32>
      %swap3A_766 = arith.constant 196 : i32
      %swap3A_767 = arith.index_cast %rem3A_426 : i32 to index
      %swap3A_768 = arith.index_cast %swap3A_766 : i32 to index
      %swap3A_769 = arith.constant 32 : index
      %swap3A_770 = tpu.vector_load %arg7[%swap3A_767, %swap3A_768, %swap3A_769] {strides = array<i32>} : memref<4x200x128xf32, #tpu.memory_space<vmem>>, vector<16xf32>,
      tpu.vector_store %arg7[%swap3A_767, %swap3A_768, %swap3A_769], %select_n3A_765 {strides = array<i32>} : memref<4x200x128xf32, #tpu.memory_space<vmem>>, vector<16xf32>,
      %select_n3A_771 = arith.select %ne3A_752, %get3A_506, %get3A_474 : vector<16xi1>, vector<16xf32>
      %swap3A_772 = arith.constant 196 : i32
      %swap3A_773 = arith.index_cast %rem3A_426 : i32 to index
      %swap3A_774 = arith.index_cast %swap3A_772 : i32 to index
      %swap3A_775 = arith.constant 48 : index
      %swap3A_776 = tpu.vector_load %arg7[%swap3A_773, %swap3A_774, %swap3A_775] {strides = array<i32>} : memref<4x200x128xf32, #tpu.memory_space<vmem>>, vector<16xf32>,
      tpu.vector_store %arg7[%swap3A_773, %swap3A_774, %swap3A_775], %select_n3A_771 {strides = array<i32>} : memref<4x200x128xf32, #tpu.memory_space<vmem>>, vector<16xf32>,
      %select_n3A_777 = arith.select %ne3A_752, %get3A_510, %get3A_478 : vector<16xi1>, vector<16xf32>
      %swap3A_778 = arith.constant 196 : i32
      %swap3A_779 = arith.index_cast %rem3A_426 : i32 to index
      %swap3A_780 = arith.index_cast %swap3A_778 : i32 to index
      %swap3A_781 = arith.constant 64 : index
      %swap3A_782 = tpu.vector_load %arg7[%swap3A_779, %swap3A_780, %swap3A_781] {strides = array<i32>} : memref<4x200x128xf32, #tpu.memory_space<vmem>>, vector<16xf32>,
      tpu.vector_store %arg7[%swap3A_779, %swap3A_780, %swap3A_781], %select_n3A_777 {strides = array<i32>} : memref<4x200x128xf32, #tpu.memory_space<vmem>>, vector<16xf32>,
      %select_n3A_783 = arith.select %ne3A_752, %get3A_514, %get3A_482 : vector<16xi1>, vector<16xf32>
      %swap3A_784 = arith.constant 196 : i32
      %swap3A_785 = arith.index_cast %rem3A_426 : i32 to index
      %swap3A_786 = arith.index_cast %swap3A_784 : i32 to index
      %swap3A_787 = arith.constant 80 : index
      %swap3A_788 = tpu.vector_load %arg7[%swap3A_785, %swap3A_786, %swap3A_787] {strides = array<i32>} : memref<4x200x128xf32, #tpu.memory_space<vmem>>, vector<16xf32>,
      tpu.vector_store %arg7[%swap3A_785, %swap3A_786, %swap3A_787], %select_n3A_783 {strides = array<i32>} : memref<4x200x128xf32, #tpu.memory_space<vmem>>, vector<16xf32>,
      %select_n3A_789 = arith.select %ne3A_752, %get3A_518, %get3A_486 : vector<16xi1>, vector<16xf32>
      %swap3A_790 = arith.constant 196 : i32
      %swap3A_791 = arith.index_cast %rem3A_426 : i32 to index
      %swap3A_792 = arith.index_cast %swap3A_790 : i32 to index
      %swap3A_793 = arith.constant 96 : index
      %swap3A_794 = tpu.vector_load %arg7[%swap3A_791, %swap3A_792, %swap3A_793] {strides = array<i32>} : memref<4x200x128xf32, #tpu.memory_space<vmem>>, vector<16xf32>,
      tpu.vector_store %arg7[%swap3A_791, %swap3A_792, %swap3A_793], %select_n3A_789 {strides = array<i32>} : memref<4x200x128xf32, #tpu.memory_space<vmem>>, vector<16xf32>,
      %select_n3A_795 = arith.select %ne3A_752, %get3A_522, %get3A_490 : vector<16xi1>, vector<16xf32>
      %swap3A_796 = arith.constant 196 : i32
      %swap3A_797 = arith.index_cast %rem3A_426 : i32 to index
      %swap3A_798 = arith.index_cast %swap3A_796 : i32 to index
      %swap3A_799 = arith.constant 112 : index
      %swap3A_800 = tpu.vector_load %arg7[%swap3A_797, %swap3A_798, %swap3A_799] {strides = array<i32>} : memref<4x200x128xf32, #tpu.memory_space<vmem>>, vector<16xf32>,
      tpu.vector_store %arg7[%swap3A_797, %swap3A_798, %swap3A_799], %select_n3A_795 {strides = array<i32>} : memref<4x200x128xf32, #tpu.memory_space<vmem>>, vector<16xf32>,
      %broadcast_in_dim3A_801 = vector.shape_cast %broadcast_in_dim3A_439 : vector<16xi32> to vector<16x1xi32>
      %gather3A_802 = vector.shape_cast %broadcast_in_dim3A_801 : vector<16x1xi32> to vector<16xi32>
      %gather3A_803 = tpu.dynamic_gather %get3A_534[%gather3A_802] in [0] : vector<16xi32>, vector<16xi32> -> vector<16xi32>
      %ne3A_804 = arith.constant 0 : i32
      %ne3A_805 = vector.broadcast %ne3A_804 : i32 to vector<16xi32>
      %ne3A_806 = arith.cmpi ne, %gather3A_803, %ne3A_805 : vector<16xi32>
      %select_n3A_807 = arith.select %ne3A_806, %get3A_494, %get3A_462 : vector<16xi1>, vector<16xf32>
      %swap3A_808 = arith.constant 197 : i32
      %swap3A_809 = arith.index_cast %rem3A_426 : i32 to index
      %swap3A_810 = arith.index_cast %swap3A_808 : i32 to index
      %swap3A_811 = arith.constant 0 : index
      %swap3A_812 = tpu.vector_load %arg7[%swap3A_809, %swap3A_810, %swap3A_811] {strides = array<i32>} : memref<4x200x128xf32, #tpu.memory_space<vmem>>, vector<16xf32>,
      tpu.vector_store %arg7[%swap3A_809, %swap3A_810, %swap3A_811], %select_n3A_807 {strides = array<i32>} : memref<4x200x128xf32, #tpu.memory_space<vmem>>, vector<16xf32>,
      %select_n3A_813 = arith.select %ne3A_806, %get3A_498, %get3A_466 : vector<16xi1>, vector<16xf32>
      %swap3A_814 = arith.constant 197 : i32
      %swap3A_815 = arith.index_cast %rem3A_426 : i32 to index
      %swap3A_816 = arith.index_cast %swap3A_814 : i32 to index
      %swap3A_817 = arith.constant 16 : index
      %swap3A_818 = tpu.vector_load %arg7[%swap3A_815, %swap3A_816, %swap3A_817] {strides = array<i32>} : memref<4x200x128xf32, #tpu.memory_space<vmem>>, vector<16xf32>,
      tpu.vector_store %arg7[%swap3A_815, %swap3A_816, %swap3A_817], %select_n3A_813 {strides = array<i32>} : memref<4x200x128xf32, #tpu.memory_space<vmem>>, vector<16xf32>,
      %select_n3A_819 = arith.select %ne3A_806, %get3A_502, %get3A_470 : vector<16xi1>, vector<16xf32>
      %swap3A_820 = arith.constant 197 : i32
      %swap3A_821 = arith.index_cast %rem3A_426 : i32 to index
      %swap3A_822 = arith.index_cast %swap3A_820 : i32 to index
      %swap3A_823 = arith.constant 32 : index
      %swap3A_824 = tpu.vector_load %arg7[%swap3A_821, %swap3A_822, %swap3A_823] {strides = array<i32>} : memref<4x200x128xf32, #tpu.memory_space<vmem>>, vector<16xf32>,
      tpu.vector_store %arg7[%swap3A_821, %swap3A_822, %swap3A_823], %select_n3A_819 {strides = array<i32>} : memref<4x200x128xf32, #tpu.memory_space<vmem>>, vector<16xf32>,
      %select_n3A_825 = arith.select %ne3A_806, %get3A_506, %get3A_474 : vector<16xi1>, vector<16xf32>
      %swap3A_826 = arith.constant 197 : i32
      %swap3A_827 = arith.index_cast %rem3A_426 : i32 to index
      %swap3A_828 = arith.index_cast %swap3A_826 : i32 to index
      %swap3A_829 = arith.constant 48 : index
      %swap3A_830 = tpu.vector_load %arg7[%swap3A_827, %swap3A_828, %swap3A_829] {strides = array<i32>} : memref<4x200x128xf32, #tpu.memory_space<vmem>>, vector<16xf32>,
      tpu.vector_store %arg7[%swap3A_827, %swap3A_828, %swap3A_829], %select_n3A_825 {strides = array<i32>} : memref<4x200x128xf32, #tpu.memory_space<vmem>>, vector<16xf32>,
      %select_n3A_831 = arith.select %ne3A_806, %get3A_510, %get3A_478 : vector<16xi1>, vector<16xf32>
      %swap3A_832 = arith.constant 197 : i32
      %swap3A_833 = arith.index_cast %rem3A_426 : i32 to index
      %swap3A_834 = arith.index_cast %swap3A_832 : i32 to index
      %swap3A_835 = arith.constant 64 : index
      %swap3A_836 = tpu.vector_load %arg7[%swap3A_833, %swap3A_834, %swap3A_835] {strides = array<i32>} : memref<4x200x128xf32, #tpu.memory_space<vmem>>, vector<16xf32>,
      tpu.vector_store %arg7[%swap3A_833, %swap3A_834, %swap3A_835], %select_n3A_831 {strides = array<i32>} : memref<4x200x128xf32, #tpu.memory_space<vmem>>, vector<16xf32>,
      %select_n3A_837 = arith.select %ne3A_806, %get3A_514, %get3A_482 : vector<16xi1>, vector<16xf32>
      %swap3A_838 = arith.constant 197 : i32
      %swap3A_839 = arith.index_cast %rem3A_426 : i32 to index
      %swap3A_840 = arith.index_cast %swap3A_838 : i32 to index
      %swap3A_841 = arith.constant 80 : index
      %swap3A_842 = tpu.vector_load %arg7[%swap3A_839, %swap3A_840, %swap3A_841] {strides = array<i32>} : memref<4x200x128xf32, #tpu.memory_space<vmem>>, vector<16xf32>,
      tpu.vector_store %arg7[%swap3A_839, %swap3A_840, %swap3A_841], %select_n3A_837 {strides = array<i32>} : memref<4x200x128xf32, #tpu.memory_space<vmem>>, vector<16xf32>,
      %select_n3A_843 = arith.select %ne3A_806, %get3A_518, %get3A_486 : vector<16xi1>, vector<16xf32>
      %swap3A_844 = arith.constant 197 : i32
      %swap3A_845 = arith.index_cast %rem3A_426 : i32 to index
      %swap3A_846 = arith.index_cast %swap3A_844 : i32 to index
      %swap3A_847 = arith.constant 96 : index
      %swap3A_848 = tpu.vector_load %arg7[%swap3A_845, %swap3A_846, %swap3A_847] {strides = array<i32>} : memref<4x200x128xf32, #tpu.memory_space<vmem>>, vector<16xf32>,
      tpu.vector_store %arg7[%swap3A_845, %swap3A_846, %swap3A_847], %select_n3A_843 {strides = array<i32>} : memref<4x200x128xf32, #tpu.memory_space<vmem>>, vector<16xf32>,
      %select_n3A_849 = arith.select %ne3A_806, %get3A_522, %get3A_490 : vector<16xi1>, vector<16xf32>
      %swap3A_850 = arith.constant 197 : i32
      %swap3A_851 = arith.index_cast %rem3A_426 : i32 to index
      %swap3A_852 = arith.index_cast %swap3A_850 : i32 to index
      %swap3A_853 = arith.constant 112 : index
      %swap3A_854 = tpu.vector_load %arg7[%swap3A_851, %swap3A_852, %swap3A_853] {strides = array<i32>} : memref<4x200x128xf32, #tpu.memory_space<vmem>>, vector<16xf32>,
      tpu.vector_store %arg7[%swap3A_851, %swap3A_852, %swap3A_853], %select_n3A_849 {strides = array<i32>} : memref<4x200x128xf32, #tpu.memory_space<vmem>>, vector<16xf32>,
      %broadcast_in_dim3A_855 = vector.shape_cast %broadcast_in_dim3A_441 : vector<16xi32> to vector<16x1xi32>
      %gather3A_856 = vector.shape_cast %broadcast_in_dim3A_855 : vector<16x1xi32> to vector<16xi32>
      %gather3A_857 = tpu.dynamic_gather %get3A_534[%gather3A_856] in [0] : vector<16xi32>, vector<16xi32> -> vector<16xi32>
      %ne3A_858 = arith.constant 0 : i32
      %ne3A_859 = vector.broadcast %ne3A_858 : i32 to vector<16xi32>
      %ne3A_860 = arith.cmpi ne, %gather3A_857, %ne3A_859 : vector<16xi32>
      %select_n3A_861 = arith.select %ne3A_860, %get3A_494, %get3A_462 : vector<16xi1>, vector<16xf32>
      %swap3A_862 = arith.constant 198 : i32
      %swap3A_863 = arith.index_cast %rem3A_426 : i32 to index
      %swap3A_864 = arith.index_cast %swap3A_862 : i32 to index
      %swap3A_865 = arith.constant 0 : index
      %swap3A_866 = tpu.vector_load %arg7[%swap3A_863, %swap3A_864, %swap3A_865] {strides = array<i32>} : memref<4x200x128xf32, #tpu.memory_space<vmem>>, vector<16xf32>,
      tpu.vector_store %arg7[%swap3A_863, %swap3A_864, %swap3A_865], %select_n3A_861 {strides = array<i32>} : memref<4x200x128xf32, #tpu.memory_space<vmem>>, vector<16xf32>,
      %select_n3A_867 = arith.select %ne3A_860, %get3A_498, %get3A_466 : vector<16xi1>, vector<16xf32>
      %swap3A_868 = arith.constant 198 : i32
      %swap3A_869 = arith.index_cast %rem3A_426 : i32 to index
      %swap3A_870 = arith.index_cast %swap3A_868 : i32 to index
      %swap3A_871 = arith.constant 16 : index
      %swap3A_872 = tpu.vector_load %arg7[%swap3A_869, %swap3A_870, %swap3A_871] {strides = array<i32>} : memref<4x200x128xf32, #tpu.memory_space<vmem>>, vector<16xf32>,
      tpu.vector_store %arg7[%swap3A_869, %swap3A_870, %swap3A_871], %select_n3A_867 {strides = array<i32>} : memref<4x200x128xf32, #tpu.memory_space<vmem>>, vector<16xf32>,
      %select_n3A_873 = arith.select %ne3A_860, %get3A_502, %get3A_470 : vector<16xi1>, vector<16xf32>
      %swap3A_874 = arith.constant 198 : i32
      %swap3A_875 = arith.index_cast %rem3A_426 : i32 to index
      %swap3A_876 = arith.index_cast %swap3A_874 : i32 to index
      %swap3A_877 = arith.constant 32 : index
      %swap3A_878 = tpu.vector_load %arg7[%swap3A_875, %swap3A_876, %swap3A_877] {strides = array<i32>} : memref<4x200x128xf32, #tpu.memory_space<vmem>>, vector<16xf32>,
      tpu.vector_store %arg7[%swap3A_875, %swap3A_876, %swap3A_877], %select_n3A_873 {strides = array<i32>} : memref<4x200x128xf32, #tpu.memory_space<vmem>>, vector<16xf32>,
      %select_n3A_879 = arith.select %ne3A_860, %get3A_506, %get3A_474 : vector<16xi1>, vector<16xf32>
      %swap3A_880 = arith.constant 198 : i32
      %swap3A_881 = arith.index_cast %rem3A_426 : i32 to index
      %swap3A_882 = arith.index_cast %swap3A_880 : i32 to index
      %swap3A_883 = arith.constant 48 : index
      %swap3A_884 = tpu.vector_load %arg7[%swap3A_881, %swap3A_882, %swap3A_883] {strides = array<i32>} : memref<4x200x128xf32, #tpu.memory_space<vmem>>, vector<16xf32>,
      tpu.vector_store %arg7[%swap3A_881, %swap3A_882, %swap3A_883], %select_n3A_879 {strides = array<i32>} : memref<4x200x128xf32, #tpu.memory_space<vmem>>, vector<16xf32>,
      %select_n3A_885 = arith.select %ne3A_860, %get3A_510, %get3A_478 : vector<16xi1>, vector<16xf32>
      %swap3A_886 = arith.constant 198 : i32
      %swap3A_887 = arith.index_cast %rem3A_426 : i32 to index
      %swap3A_888 = arith.index_cast %swap3A_886 : i32 to index
      %swap3A_889 = arith.constant 64 : index
      %swap3A_890 = tpu.vector_load %arg7[%swap3A_887, %swap3A_888, %swap3A_889] {strides = array<i32>} : memref<4x200x128xf32, #tpu.memory_space<vmem>>, vector<16xf32>,
      tpu.vector_store %arg7[%swap3A_887, %swap3A_888, %swap3A_889], %select_n3A_885 {strides = array<i32>} : memref<4x200x128xf32, #tpu.memory_space<vmem>>, vector<16xf32>,
      %select_n3A_891 = arith.select %ne3A_860, %get3A_514, %get3A_482 : vector<16xi1>, vector<16xf32>
      %swap3A_892 = arith.constant 198 : i32
      %swap3A_893 = arith.index_cast %rem3A_426 : i32 to index
      %swap3A_894 = arith.index_cast %swap3A_892 : i32 to index
      %swap3A_895 = arith.constant 80 : index
      %swap3A_896 = tpu.vector_load %arg7[%swap3A_893, %swap3A_894, %swap3A_895] {strides = array<i32>} : memref<4x200x128xf32, #tpu.memory_space<vmem>>, vector<16xf32>,
      tpu.vector_store %arg7[%swap3A_893, %swap3A_894, %swap3A_895], %select_n3A_891 {strides = array<i32>} : memref<4x200x128xf32, #tpu.memory_space<vmem>>, vector<16xf32>,
      %select_n3A_897 = arith.select %ne3A_860, %get3A_518, %get3A_486 : vector<16xi1>, vector<16xf32>
      %swap3A_898 = arith.constant 198 : i32
      %swap3A_899 = arith.index_cast %rem3A_426 : i32 to index
      %swap3A_900 = arith.index_cast %swap3A_898 : i32 to index
      %swap3A_901 = arith.constant 96 : index
      %swap3A_902 = tpu.vector_load %arg7[%swap3A_899, %swap3A_900, %swap3A_901] {strides = array<i32>} : memref<4x200x128xf32, #tpu.memory_space<vmem>>, vector<16xf32>,
      tpu.vector_store %arg7[%swap3A_899, %swap3A_900, %swap3A_901], %select_n3A_897 {strides = array<i32>} : memref<4x200x128xf32, #tpu.memory_space<vmem>>, vector<16xf32>,
      %select_n3A_903 = arith.select %ne3A_860, %get3A_522, %get3A_490 : vector<16xi1>, vector<16xf32>
      %swap3A_904 = arith.constant 198 : i32
      %swap3A_905 = arith.index_cast %rem3A_426 : i32 to index
      %swap3A_906 = arith.index_cast %swap3A_904 : i32 to index
      %swap3A_907 = arith.constant 112 : index
      %swap3A_908 = tpu.vector_load %arg7[%swap3A_905, %swap3A_906, %swap3A_907] {strides = array<i32>} : memref<4x200x128xf32, #tpu.memory_space<vmem>>, vector<16xf32>,
      tpu.vector_store %arg7[%swap3A_905, %swap3A_906, %swap3A_907], %select_n3A_903 {strides = array<i32>} : memref<4x200x128xf32, #tpu.memory_space<vmem>>, vector<16xf32>,
      %broadcast_in_dim3A_909 = vector.shape_cast %broadcast_in_dim3A_443 : vector<16xi32> to vector<16x1xi32>
      %gather3A_910 = vector.shape_cast %broadcast_in_dim3A_909 : vector<16x1xi32> to vector<16xi32>
      %gather3A_911 = tpu.dynamic_gather %get3A_534[%gather3A_910] in [0] : vector<16xi32>, vector<16xi32> -> vector<16xi32>
      %ne3A_912 = arith.constant 0 : i32
      %ne3A_913 = vector.broadcast %ne3A_912 : i32 to vector<16xi32>
      %ne3A_914 = arith.cmpi ne, %gather3A_911, %ne3A_913 : vector<16xi32>
      %select_n3A_915 = arith.select %ne3A_914, %get3A_494, %get3A_462 : vector<16xi1>, vector<16xf32>
      %swap3A_916 = arith.constant 199 : i32
      %swap3A_917 = arith.index_cast %rem3A_426 : i32 to index
      %swap3A_918 = arith.index_cast %swap3A_916 : i32 to index
      %swap3A_919 = arith.constant 0 : index
      %swap3A_920 = tpu.vector_load %arg7[%swap3A_917, %swap3A_918, %swap3A_919] {strides = array<i32>} : memref<4x200x128xf32, #tpu.memory_space<vmem>>, vector<16xf32>,
      tpu.vector_store %arg7[%swap3A_917, %swap3A_918, %swap3A_919], %select_n3A_915 {strides = array<i32>} : memref<4x200x128xf32, #tpu.memory_space<vmem>>, vector<16xf32>,
      %select_n3A_921 = arith.select %ne3A_914, %get3A_498, %get3A_466 : vector<16xi1>, vector<16xf32>
      %swap3A_922 = arith.constant 199 : i32
      %swap3A_923 = arith.index_cast %rem3A_426 : i32 to index
      %swap3A_924 = arith.index_cast %swap3A_922 : i32 to index
      %swap3A_925 = arith.constant 16 : index
      %swap3A_926 = tpu.vector_load %arg7[%swap3A_923, %swap3A_924, %swap3A_925] {strides = array<i32>} : memref<4x200x128xf32, #tpu.memory_space<vmem>>, vector<16xf32>,
      tpu.vector_store %arg7[%swap3A_923, %swap3A_924, %swap3A_925], %select_n3A_921 {strides = array<i32>} : memref<4x200x128xf32, #tpu.memory_space<vmem>>, vector<16xf32>,
      %select_n3A_927 = arith.select %ne3A_914, %get3A_502, %get3A_470 : vector<16xi1>, vector<16xf32>
      %swap3A_928 = arith.constant 199 : i32
      %swap3A_929 = arith.index_cast %rem3A_426 : i32 to index
      %swap3A_930 = arith.index_cast %swap3A_928 : i32 to index
      %swap3A_931 = arith.constant 32 : index
      %swap3A_932 = tpu.vector_load %arg7[%swap3A_929, %swap3A_930, %swap3A_931] {strides = array<i32>} : memref<4x200x128xf32, #tpu.memory_space<vmem>>, vector<16xf32>,
      tpu.vector_store %arg7[%swap3A_929, %swap3A_930, %swap3A_931], %select_n3A_927 {strides = array<i32>} : memref<4x200x128xf32, #tpu.memory_space<vmem>>, vector<16xf32>,
      %select_n3A_933 = arith.select %ne3A_914, %get3A_506, %get3A_474 : vector<16xi1>, vector<16xf32>
      %swap3A_934 = arith.constant 199 : i32
      %swap3A_935 = arith.index_cast %rem3A_426 : i32 to index
      %swap3A_936 = arith.index_cast %swap3A_934 : i32 to index
      %swap3A_937 = arith.constant 48 : index
      %swap3A_938 = tpu.vector_load %arg7[%swap3A_935, %swap3A_936, %swap3A_937] {strides = array<i32>} : memref<4x200x128xf32, #tpu.memory_space<vmem>>, vector<16xf32>,
      tpu.vector_store %arg7[%swap3A_935, %swap3A_936, %swap3A_937], %select_n3A_933 {strides = array<i32>} : memref<4x200x128xf32, #tpu.memory_space<vmem>>, vector<16xf32>,
      %select_n3A_939 = arith.select %ne3A_914, %get3A_510, %get3A_478 : vector<16xi1>, vector<16xf32>
      %swap3A_940 = arith.constant 199 : i32
      %swap3A_941 = arith.index_cast %rem3A_426 : i32 to index
      %swap3A_942 = arith.index_cast %swap3A_940 : i32 to index
      %swap3A_943 = arith.constant 64 : index
      %swap3A_944 = tpu.vector_load %arg7[%swap3A_941, %swap3A_942, %swap3A_943] {strides = array<i32>} : memref<4x200x128xf32, #tpu.memory_space<vmem>>, vector<16xf32>,
      tpu.vector_store %arg7[%swap3A_941, %swap3A_942, %swap3A_943], %select_n3A_939 {strides = array<i32>} : memref<4x200x128xf32, #tpu.memory_space<vmem>>, vector<16xf32>,
      %select_n3A_945 = arith.select %ne3A_914, %get3A_514, %get3A_482 : vector<16xi1>, vector<16xf32>
      %swap3A_946 = arith.constant 199 : i32
      %swap3A_947 = arith.index_cast %rem3A_426 : i32 to index
      %swap3A_948 = arith.index_cast %swap3A_946 : i32 to index
      %swap3A_949 = arith.constant 80 : index
      %swap3A_950 = tpu.vector_load %arg7[%swap3A_947, %swap3A_948, %swap3A_949] {strides = array<i32>} : memref<4x200x128xf32, #tpu.memory_space<vmem>>, vector<16xf32>,
      tpu.vector_store %arg7[%swap3A_947, %swap3A_948, %swap3A_949], %select_n3A_945 {strides = array<i32>} : memref<4x200x128xf32, #tpu.memory_space<vmem>>, vector<16xf32>,
      %select_n3A_951 = arith.select %ne3A_914, %get3A_518, %get3A_486 : vector<16xi1>, vector<16xf32>
      %swap3A_952 = arith.constant 199 : i32
      %swap3A_953 = arith.index_cast %rem3A_426 : i32 to index
      %swap3A_954 = arith.index_cast %swap3A_952 : i32 to index
      %swap3A_955 = arith.constant 96 : index
      %swap3A_956 = tpu.vector_load %arg7[%swap3A_953, %swap3A_954, %swap3A_955] {strides = array<i32>} : memref<4x200x128xf32, #tpu.memory_space<vmem>>, vector<16xf32>,
      tpu.vector_store %arg7[%swap3A_953, %swap3A_954, %swap3A_955], %select_n3A_951 {strides = array<i32>} : memref<4x200x128xf32, #tpu.memory_space<vmem>>, vector<16xf32>,
      %select_n3A_957 = arith.select %ne3A_914, %get3A_522, %get3A_490 : vector<16xi1>, vector<16xf32>
      %swap3A_958 = arith.constant 199 : i32
      %swap3A_959 = arith.index_cast %rem3A_426 : i32 to index
      %swap3A_960 = arith.index_cast %swap3A_958 : i32 to index
      %swap3A_961 = arith.constant 112 : index
      %swap3A_962 = tpu.vector_load %arg7[%swap3A_959, %swap3A_960, %swap3A_961] {strides = array<i32>} : memref<4x200x128xf32, #tpu.memory_space<vmem>>, vector<16xf32>,
      tpu.vector_store %arg7[%swap3A_959, %swap3A_960, %swap3A_961], %select_n3A_957 {strides = array<i32>} : memref<4x200x128xf32, #tpu.memory_space<vmem>>, vector<16xf32>,
      %mul3A_963 = arith.constant 4 : i32
      %mul3A_964 = arith.muli %scan3A_425, %mul3A_963 : i32
      %add3A_965 = arith.addi %mul3A_2, %mul3A_964 : i32
      %add3A_966 = arith.constant 0 : i32
      %add3A_967 = arith.addi %add3A_965, %add3A_966 : i32
      %dma_start3A = arith.constant 0 : i32
      %dma_start3A_968 = arith.constant 0 : i32
      %dma_start3A_969 = tpu.memref_slice %arg7[%rem3A_426, %dma_start3A, %dma_start3A_968] : memref<4x200x128xf32, #tpu.memory_space<vmem>> -> memref<1x200x128xf32, #tpu.memory_space<vmem>>
      %dma_start3A_970 = tpu.memref_squeeze %dma_start3A_969 : memref<1x200x128xf32, #tpu.memory_space<vmem>> -> memref<200x128xf32, #tpu.memory_space<vmem>>
      %dma_start3A_971 = arith.constant 0 : i32
      %dma_start3A_972 = arith.constant 0 : i32
      %dma_start3A_973 = tpu.memref_slice %dma_start3A_970[%dma_start3A_971, %dma_start3A_972] : memref<200x128xf32, #tpu.memory_space<vmem>> -> memref<50x128xf32, #tpu.memory_space<vmem>>
      %dma_start3A_974 = arith.constant 0 : i32
      %dma_start3A_975 = arith.constant 0 : i32
      %dma_start3A_976 = tpu.memref_slice %arg4[%add3A_967, %dma_start3A_974, %dma_start3A_975] : memref<16384x50x128xf32, #tpu.memory_space<hbm>> -> memref<1x50x128xf32, #tpu.memory_space<hbm>>
      %dma_start3A_977 = tpu.memref_squeeze %dma_start3A_976 : memref<1x50x128xf32, #tpu.memory_space<hbm>> -> memref<50x128xf32, #tpu.memory_space<hbm>>
      %dma_start3A_978 = tpu.memref_slice %arg9[%rem3A_426] : memref<4x!tpu.dma_semaphore, #tpu.memory_space<semaphore_mem>> -> memref<1x!tpu.dma_semaphore, #tpu.memory_space<semaphore_mem>>
      %dma_start3A_979 = tpu.memref_squeeze %dma_start3A_978 : memref<1x!tpu.dma_semaphore, #tpu.memory_space<semaphore_mem>> -> memref<!tpu.dma_semaphore, #tpu.memory_space<semaphore_mem>>
      %dma_start3A_980 = arith.constant 0 : i32
      %dma_start3A_981 = arith.constant 0 : i32
      %dma_start3A_982 = tpu.memref_slice %arg4[%add3A_967, %dma_start3A_980, %dma_start3A_981] : memref<16384x50x128xf32, #tpu.memory_space<hbm>> -> memref<1x50x128xf32, #tpu.memory_space<hbm>>
      %dma_start3A_983 = tpu.memref_squeeze %dma_start3A_982 : memref<1x50x128xf32, #tpu.memory_space<hbm>> -> memref<50x128xf32, #tpu.memory_space<hbm>>
      %dma_start3A_984 = arith.constant 0 : i32
      %dma_start3A_985 = arith.constant 0 : i32
      %dma_start3A_986 = tpu.memref_slice %arg7[%rem3A_426, %dma_start3A_984, %dma_start3A_985] : memref<4x200x128xf32, #tpu.memory_space<vmem>> -> memref<1x200x128xf32, #tpu.memory_space<vmem>>
      %dma_start3A_987 = tpu.memref_squeeze %dma_start3A_986 : memref<1x200x128xf32, #tpu.memory_space<vmem>> -> memref<200x128xf32, #tpu.memory_space<vmem>>
      %dma_start3A_988 = arith.constant 0 : i32
      %dma_start3A_989 = arith.constant 0 : i32
      %dma_start3A_990 = tpu.memref_slice %dma_start3A_987[%dma_start3A_988, %dma_start3A_989] : memref<200x128xf32, #tpu.memory_space<vmem>> -> memref<50x128xf32, #tpu.memory_space<vmem>>
      tpu.enqueue_dma source(%dma_start3A_990 : memref<50x128xf32, #tpu.memory_space<vmem>>) target(%dma_start3A_983 : memref<50x128xf32, #tpu.memory_space<hbm>>) target_semaphore(%dma_start3A_979 : memref<!tpu.dma_semaphore, #tpu.memory_space<semaphore_mem>>)
      %mul3A_991 = arith.constant 4 : i32
      %mul3A_992 = arith.muli %scan3A_425, %mul3A_991 : i32
      %add3A_993 = arith.addi %mul3A_2, %mul3A_992 : i32
      %add3A_994 = arith.constant 1 : i32
      %add3A_995 = arith.addi %add3A_993, %add3A_994 : i32
      %dma_start3A_996 = arith.constant 0 : i32
      %dma_start3A_997 = arith.constant 0 : i32
      %dma_start3A_998 = tpu.memref_slice %arg7[%rem3A_426, %dma_start3A_996, %dma_start3A_997] : memref<4x200x128xf32, #tpu.memory_space<vmem>> -> memref<1x200x128xf32, #tpu.memory_space<vmem>>
      %dma_start3A_999 = tpu.memref_squeeze %dma_start3A_998 : memref<1x200x128xf32, #tpu.memory_space<vmem>> -> memref<200x128xf32, #tpu.memory_space<vmem>>
      %dma_start3A_1000 = arith.constant 50 : i32
      %dma_start3A_1001 = arith.constant 0 : i32
      %dma_start3A_1002 = tpu.memref_slice %dma_start3A_999[%dma_start3A_1000, %dma_start3A_1001] : memref<200x128xf32, #tpu.memory_space<vmem>> -> memref<50x128xf32, #tpu.memory_space<vmem>>
      %dma_start3A_1003 = arith.constant 0 : i32
      %dma_start3A_1004 = arith.constant 0 : i32
      %dma_start3A_1005 = tpu.memref_slice %arg4[%add3A_995, %dma_start3A_1003, %dma_start3A_1004] : memref<16384x50x128xf32, #tpu.memory_space<hbm>> -> memref<1x50x128xf32, #tpu.memory_space<hbm>>
      %dma_start3A_1006 = tpu.memref_squeeze %dma_start3A_1005 : memref<1x50x128xf32, #tpu.memory_space<hbm>> -> memref<50x128xf32, #tpu.memory_space<hbm>>
      %dma_start3A_1007 = tpu.memref_slice %arg9[%rem3A_426] : memref<4x!tpu.dma_semaphore, #tpu.memory_space<semaphore_mem>> -> memref<1x!tpu.dma_semaphore, #tpu.memory_space<semaphore_mem>>
      %dma_start3A_1008 = tpu.memref_squeeze %dma_start3A_1007 : memref<1x!tpu.dma_semaphore, #tpu.memory_space<semaphore_mem>> -> memref<!tpu.dma_semaphore, #tpu.memory_space<semaphore_mem>>
      %dma_start3A_1009 = arith.constant 0 : i32
      %dma_start3A_1010 = arith.constant 0 : i32
      %dma_start3A_1011 = tpu.memref_slice %arg4[%add3A_995, %dma_start3A_1009, %dma_start3A_1010] : memref<16384x50x128xf32, #tpu.memory_space<hbm>> -> memref<1x50x128xf32, #tpu.memory_space<hbm>>
      %dma_start3A_1012 = tpu.memref_squeeze %dma_start3A_1011 : memref<1x50x128xf32, #tpu.memory_space<hbm>> -> memref<50x128xf32, #tpu.memory_space<hbm>>
      %dma_start3A_1013 = arith.constant 0 : i32
      %dma_start3A_1014 = arith.constant 0 : i32
      %dma_start3A_1015 = tpu.memref_slice %arg7[%rem3A_426, %dma_start3A_1013, %dma_start3A_1014] : memref<4x200x128xf32, #tpu.memory_space<vmem>> -> memref<1x200x128xf32, #tpu.memory_space<vmem>>
      %dma_start3A_1016 = tpu.memref_squeeze %dma_start3A_1015 : memref<1x200x128xf32, #tpu.memory_space<vmem>> -> memref<200x128xf32, #tpu.memory_space<vmem>>
      %dma_start3A_1017 = arith.constant 50 : i32
      %dma_start3A_1018 = arith.constant 0 : i32
      %dma_start3A_1019 = tpu.memref_slice %dma_start3A_1016[%dma_start3A_1017, %dma_start3A_1018] : memref<200x128xf32, #tpu.memory_space<vmem>> -> memref<50x128xf32, #tpu.memory_space<vmem>>
      tpu.enqueue_dma source(%dma_start3A_1019 : memref<50x128xf32, #tpu.memory_space<vmem>>) target(%dma_start3A_1012 : memref<50x128xf32, #tpu.memory_space<hbm>>) target_semaphore(%dma_start3A_1008 : memref<!tpu.dma_semaphore, #tpu.memory_space<semaphore_mem>>)
      %mul3A_1020 = arith.constant 4 : i32
      %mul3A_1021 = arith.muli %scan3A_425, %mul3A_1020 : i32
      %add3A_1022 = arith.addi %mul3A_2, %mul3A_1021 : i32
      %add3A_1023 = arith.constant 2 : i32
      %add3A_1024 = arith.addi %add3A_1022, %add3A_1023 : i32
      %dma_start3A_1025 = arith.constant 0 : i32
      %dma_start3A_1026 = arith.constant 0 : i32
      %dma_start3A_1027 = tpu.memref_slice %arg7[%rem3A_426, %dma_start3A_1025, %dma_start3A_1026] : memref<4x200x128xf32, #tpu.memory_space<vmem>> -> memref<1x200x128xf32, #tpu.memory_space<vmem>>
      %dma_start3A_1028 = tpu.memref_squeeze %dma_start3A_1027 : memref<1x200x128xf32, #tpu.memory_space<vmem>> -> memref<200x128xf32, #tpu.memory_space<vmem>>
      %dma_start3A_1029 = arith.constant 100 : i32
      %dma_start3A_1030 = arith.constant 0 : i32
      %dma_start3A_1031 = tpu.memref_slice %dma_start3A_1028[%dma_start3A_1029, %dma_start3A_1030] : memref<200x128xf32, #tpu.memory_space<vmem>> -> memref<50x128xf32, #tpu.memory_space<vmem>>
      %dma_start3A_1032 = arith.constant 0 : i32
      %dma_start3A_1033 = arith.constant 0 : i32
      %dma_start3A_1034 = tpu.memref_slice %arg4[%add3A_1024, %dma_start3A_1032, %dma_start3A_1033] : memref<16384x50x128xf32, #tpu.memory_space<hbm>> -> memref<1x50x128xf32, #tpu.memory_space<hbm>>
      %dma_start3A_1035 = tpu.memref_squeeze %dma_start3A_1034 : memref<1x50x128xf32, #tpu.memory_space<hbm>> -> memref<50x128xf32, #tpu.memory_space<hbm>>
      %dma_start3A_1036 = tpu.memref_slice %arg9[%rem3A_426] : memref<4x!tpu.dma_semaphore, #tpu.memory_space<semaphore_mem>> -> memref<1x!tpu.dma_semaphore, #tpu.memory_space<semaphore_mem>>
      %dma_start3A_1037 = tpu.memref_squeeze %dma_start3A_1036 : memref<1x!tpu.dma_semaphore, #tpu.memory_space<semaphore_mem>> -> memref<!tpu.dma_semaphore, #tpu.memory_space<semaphore_mem>>
      %dma_start3A_1038 = arith.constant 0 : i32
      %dma_start3A_1039 = arith.constant 0 : i32
      %dma_start3A_1040 = tpu.memref_slice %arg4[%add3A_1024, %dma_start3A_1038, %dma_start3A_1039] : memref<16384x50x128xf32, #tpu.memory_space<hbm>> -> memref<1x50x128xf32, #tpu.memory_space<hbm>>
      %dma_start3A_1041 = tpu.memref_squeeze %dma_start3A_1040 : memref<1x50x128xf32, #tpu.memory_space<hbm>> -> memref<50x128xf32, #tpu.memory_space<hbm>>
      %dma_start3A_1042 = arith.constant 0 : i32
      %dma_start3A_1043 = arith.constant 0 : i32
      %dma_start3A_1044 = tpu.memref_slice %arg7[%rem3A_426, %dma_start3A_1042, %dma_start3A_1043] : memref<4x200x128xf32, #tpu.memory_space<vmem>> -> memref<1x200x128xf32, #tpu.memory_space<vmem>>
      %dma_start3A_1045 = tpu.memref_squeeze %dma_start3A_1044 : memref<1x200x128xf32, #tpu.memory_space<vmem>> -> memref<200x128xf32, #tpu.memory_space<vmem>>
      %dma_start3A_1046 = arith.constant 100 : i32
      %dma_start3A_1047 = arith.constant 0 : i32
      %dma_start3A_1048 = tpu.memref_slice %dma_start3A_1045[%dma_start3A_1046, %dma_start3A_1047] : memref<200x128xf32, #tpu.memory_space<vmem>> -> memref<50x128xf32, #tpu.memory_space<vmem>>
      tpu.enqueue_dma source(%dma_start3A_1048 : memref<50x128xf32, #tpu.memory_space<vmem>>) target(%dma_start3A_1041 : memref<50x128xf32, #tpu.memory_space<hbm>>) target_semaphore(%dma_start3A_1037 : memref<!tpu.dma_semaphore, #tpu.memory_space<semaphore_mem>>)
      %mul3A_1049 = arith.constant 4 : i32
      %mul3A_1050 = arith.muli %scan3A_425, %mul3A_1049 : i32
      %add3A_1051 = arith.addi %mul3A_2, %mul3A_1050 : i32
      %add3A_1052 = arith.constant 3 : i32
      %add3A_1053 = arith.addi %add3A_1051, %add3A_1052 : i32
      %dma_start3A_1054 = arith.constant 0 : i32
      %dma_start3A_1055 = arith.constant 0 : i32
      %dma_start3A_1056 = tpu.memref_slice %arg7[%rem3A_426, %dma_start3A_1054, %dma_start3A_1055] : memref<4x200x128xf32, #tpu.memory_space<vmem>> -> memref<1x200x128xf32, #tpu.memory_space<vmem>>
      %dma_start3A_1057 = tpu.memref_squeeze %dma_start3A_1056 : memref<1x200x128xf32, #tpu.memory_space<vmem>> -> memref<200x128xf32, #tpu.memory_space<vmem>>
      %dma_start3A_1058 = arith.constant 150 : i32
      %dma_start3A_1059 = arith.constant 0 : i32
      %dma_start3A_1060 = tpu.memref_slice %dma_start3A_1057[%dma_start3A_1058, %dma_start3A_1059] : memref<200x128xf32, #tpu.memory_space<vmem>> -> memref<50x128xf32, #tpu.memory_space<vmem>>
      %dma_start3A_1061 = arith.constant 0 : i32
      %dma_start3A_1062 = arith.constant 0 : i32
      %dma_start3A_1063 = tpu.memref_slice %arg4[%add3A_1053, %dma_start3A_1061, %dma_start3A_1062] : memref<16384x50x128xf32, #tpu.memory_space<hbm>> -> memref<1x50x128xf32, #tpu.memory_space<hbm>>
      %dma_start3A_1064 = tpu.memref_squeeze %dma_start3A_1063 : memref<1x50x128xf32, #tpu.memory_space<hbm>> -> memref<50x128xf32, #tpu.memory_space<hbm>>
      %dma_start3A_1065 = tpu.memref_slice %arg9[%rem3A_426] : memref<4x!tpu.dma_semaphore, #tpu.memory_space<semaphore_mem>> -> memref<1x!tpu.dma_semaphore, #tpu.memory_space<semaphore_mem>>
      %dma_start3A_1066 = tpu.memref_squeeze %dma_start3A_1065 : memref<1x!tpu.dma_semaphore, #tpu.memory_space<semaphore_mem>> -> memref<!tpu.dma_semaphore, #tpu.memory_space<semaphore_mem>>
      %dma_start3A_1067 = arith.constant 0 : i32
      %dma_start3A_1068 = arith.constant 0 : i32
      %dma_start3A_1069 = tpu.memref_slice %arg4[%add3A_1053, %dma_start3A_1067, %dma_start3A_1068] : memref<16384x50x128xf32, #tpu.memory_space<hbm>> -> memref<1x50x128xf32, #tpu.memory_space<hbm>>
      %dma_start3A_1070 = tpu.memref_squeeze %dma_start3A_1069 : memref<1x50x128xf32, #tpu.memory_space<hbm>> -> memref<50x128xf32, #tpu.memory_space<hbm>>
      %dma_start3A_1071 = arith.constant 0 : i32
      %dma_start3A_1072 = arith.constant 0 : i32
      %dma_start3A_1073 = tpu.memref_slice %arg7[%rem3A_426, %dma_start3A_1071, %dma_start3A_1072] : memref<4x200x128xf32, #tpu.memory_space<vmem>> -> memref<1x200x128xf32, #tpu.memory_space<vmem>>
      %dma_start3A_1074 = tpu.memref_squeeze %dma_start3A_1073 : memref<1x200x128xf32, #tpu.memory_space<vmem>> -> memref<200x128xf32, #tpu.memory_space<vmem>>
      %dma_start3A_1075 = arith.constant 150 : i32
      %dma_start3A_1076 = arith.constant 0 : i32
      %dma_start3A_1077 = tpu.memref_slice %dma_start3A_1074[%dma_start3A_1075, %dma_start3A_1076] : memref<200x128xf32, #tpu.memory_space<vmem>> -> memref<50x128xf32, #tpu.memory_space<vmem>>
      tpu.enqueue_dma source(%dma_start3A_1077 : memref<50x128xf32, #tpu.memory_space<vmem>>) target(%dma_start3A_1070 : memref<50x128xf32, #tpu.memory_space<hbm>>) target_semaphore(%dma_start3A_1066 : memref<!tpu.dma_semaphore, #tpu.memory_space<semaphore_mem>>)
    }
    %scan3A_9 = arith.constant 128 : i32
    %dma_wait3A = arith.constant 0 : i32
    %dma_wait3A_10 = arith.constant 0 : i32
    %dma_wait3A_11 = arith.constant 0 : i32
    %dma_wait3A_12 = arith.constant 0 : i32
    %dma_wait3A_13 = tpu.memref_slice %arg7[%dma_wait3A, %dma_wait3A_11, %dma_wait3A_12] : memref<4x200x128xf32, #tpu.memory_space<vmem>> -> memref<1x200x128xf32, #tpu.memory_space<vmem>>
    %dma_wait3A_14 = tpu.memref_squeeze %dma_wait3A_13 : memref<1x200x128xf32, #tpu.memory_space<vmem>> -> memref<200x128xf32, #tpu.memory_space<vmem>>
    %dma_wait3A_15 = arith.constant 0 : i32
    %dma_wait3A_16 = arith.constant 0 : i32
    %dma_wait3A_17 = tpu.memref_slice %dma_wait3A_14[%dma_wait3A_15, %dma_wait3A_16] : memref<200x128xf32, #tpu.memory_space<vmem>> -> memref<50x128xf32, #tpu.memory_space<vmem>>
    %dma_wait3A_18 = arith.constant 0 : i32
    %dma_wait3A_19 = arith.constant 0 : i32
    %dma_wait3A_20 = tpu.memref_slice %arg4[%mul3A_2, %dma_wait3A_18, %dma_wait3A_19] : memref<16384x50x128xf32, #tpu.memory_space<hbm>> -> memref<1x50x128xf32, #tpu.memory_space<hbm>>
    %dma_wait3A_21 = tpu.memref_squeeze %dma_wait3A_20 : memref<1x50x128xf32, #tpu.memory_space<hbm>> -> memref<50x128xf32, #tpu.memory_space<hbm>>
    %dma_wait3A_22 = tpu.memref_slice %arg9[%dma_wait3A_10] : memref<4x!tpu.dma_semaphore, #tpu.memory_space<semaphore_mem>> -> memref<1x!tpu.dma_semaphore, #tpu.memory_space<semaphore_mem>>
    %dma_wait3A_23 = tpu.memref_squeeze %dma_wait3A_22 : memref<1x!tpu.dma_semaphore, #tpu.memory_space<semaphore_mem>> -> memref<!tpu.dma_semaphore, #tpu.memory_space<semaphore_mem>>
    %dma_wait3A_24 = arith.constant 0 : i32
    %dma_wait3A_25 = arith.constant 0 : i32
    %dma_wait3A_26 = tpu.memref_slice %arg4[%mul3A_2, %dma_wait3A_24, %dma_wait3A_25] : memref<16384x50x128xf32, #tpu.memory_space<hbm>> -> memref<1x50x128xf32, #tpu.memory_space<hbm>>
    %dma_wait3A_27 = tpu.memref_squeeze %dma_wait3A_26 : memref<1x50x128xf32, #tpu.memory_space<hbm>> -> memref<50x128xf32, #tpu.memory_space<hbm>>
    %dma_wait3A_28 = arith.constant 0 : i32
    %dma_wait3A_29 = arith.constant 0 : i32
    %dma_wait3A_30 = tpu.memref_slice %arg7[%dma_wait3A, %dma_wait3A_28, %dma_wait3A_29] : memref<4x200x128xf32, #tpu.memory_space<vmem>> -> memref<1x200x128xf32, #tpu.memory_space<vmem>>
    %dma_wait3A_31 = tpu.memref_squeeze %dma_wait3A_30 : memref<1x200x128xf32, #tpu.memory_space<vmem>> -> memref<200x128xf32, #tpu.memory_space<vmem>>
    %dma_wait3A_32 = arith.constant 0 : i32
    %dma_wait3A_33 = arith.constant 0 : i32
    %dma_wait3A_34 = tpu.memref_slice %dma_wait3A_31[%dma_wait3A_32, %dma_wait3A_33] : memref<200x128xf32, #tpu.memory_space<vmem>> -> memref<50x128xf32, #tpu.memory_space<vmem>>
    tpu.wait_dma2 semaphore(%dma_wait3A_23 : memref<!tpu.dma_semaphore, #tpu.memory_space<semaphore_mem>>) src(%dma_wait3A_34 : memref<50x128xf32, #tpu.memory_space<vmem>>) dst(%dma_wait3A_27 : memref<50x128xf32, #tpu.memory_space<hbm>>)
    %dma_wait3A_35 = arith.constant 0 : i32
    %dma_wait3A_36 = arith.constant 0 : i32
    %dma_wait3A_37 = arith.constant 0 : i32
    %dma_wait3A_38 = arith.constant 0 : i32
    %dma_wait3A_39 = tpu.memref_slice %arg7[%dma_wait3A_35, %dma_wait3A_37, %dma_wait3A_38] : memref<4x200x128xf32, #tpu.memory_space<vmem>> -> memref<1x200x128xf32, #tpu.memory_space<vmem>>
    %dma_wait3A_40 = tpu.memref_squeeze %dma_wait3A_39 : memref<1x200x128xf32, #tpu.memory_space<vmem>> -> memref<200x128xf32, #tpu.memory_space<vmem>>
    %dma_wait3A_41 = arith.constant 50 : i32
    %dma_wait3A_42 = arith.constant 0 : i32
    %dma_wait3A_43 = tpu.memref_slice %dma_wait3A_40[%dma_wait3A_41, %dma_wait3A_42] : memref<200x128xf32, #tpu.memory_space<vmem>> -> memref<50x128xf32, #tpu.memory_space<vmem>>
    %dma_wait3A_44 = arith.constant 0 : i32
    %dma_wait3A_45 = arith.constant 0 : i32
    %dma_wait3A_46 = tpu.memref_slice %arg4[%mul3A_2, %dma_wait3A_44, %dma_wait3A_45] : memref<16384x50x128xf32, #tpu.memory_space<hbm>> -> memref<1x50x128xf32, #tpu.memory_space<hbm>>
    %dma_wait3A_47 = tpu.memref_squeeze %dma_wait3A_46 : memref<1x50x128xf32, #tpu.memory_space<hbm>> -> memref<50x128xf32, #tpu.memory_space<hbm>>
    %dma_wait3A_48 = tpu.memref_slice %arg9[%dma_wait3A_36] : memref<4x!tpu.dma_semaphore, #tpu.memory_space<semaphore_mem>> -> memref<1x!tpu.dma_semaphore, #tpu.memory_space<semaphore_mem>>
    %dma_wait3A_49 = tpu.memref_squeeze %dma_wait3A_48 : memref<1x!tpu.dma_semaphore, #tpu.memory_space<semaphore_mem>> -> memref<!tpu.dma_semaphore, #tpu.memory_space<semaphore_mem>>
    %dma_wait3A_50 = arith.constant 0 : i32
    %dma_wait3A_51 = arith.constant 0 : i32
    %dma_wait3A_52 = tpu.memref_slice %arg4[%mul3A_2, %dma_wait3A_50, %dma_wait3A_51] : memref<16384x50x128xf32, #tpu.memory_space<hbm>> -> memref<1x50x128xf32, #tpu.memory_space<hbm>>
    %dma_wait3A_53 = tpu.memref_squeeze %dma_wait3A_52 : memref<1x50x128xf32, #tpu.memory_space<hbm>> -> memref<50x128xf32, #tpu.memory_space<hbm>>
    %dma_wait3A_54 = arith.constant 0 : i32
    %dma_wait3A_55 = arith.constant 0 : i32
    %dma_wait3A_56 = tpu.memref_slice %arg7[%dma_wait3A_35, %dma_wait3A_54, %dma_wait3A_55] : memref<4x200x128xf32, #tpu.memory_space<vmem>> -> memref<1x200x128xf32, #tpu.memory_space<vmem>>
    %dma_wait3A_57 = tpu.memref_squeeze %dma_wait3A_56 : memref<1x200x128xf32, #tpu.memory_space<vmem>> -> memref<200x128xf32, #tpu.memory_space<vmem>>
    %dma_wait3A_58 = arith.constant 50 : i32
    %dma_wait3A_59 = arith.constant 0 : i32
    %dma_wait3A_60 = tpu.memref_slice %dma_wait3A_57[%dma_wait3A_58, %dma_wait3A_59] : memref<200x128xf32, #tpu.memory_space<vmem>> -> memref<50x128xf32, #tpu.memory_space<vmem>>
    tpu.wait_dma2 semaphore(%dma_wait3A_49 : memref<!tpu.dma_semaphore, #tpu.memory_space<semaphore_mem>>) src(%dma_wait3A_60 : memref<50x128xf32, #tpu.memory_space<vmem>>) dst(%dma_wait3A_53 : memref<50x128xf32, #tpu.memory_space<hbm>>)
    %dma_wait3A_61 = arith.constant 0 : i32
    %dma_wait3A_62 = arith.constant 0 : i32
    %dma_wait3A_63 = arith.constant 0 : i32
    %dma_wait3A_64 = arith.constant 0 : i32
    %dma_wait3A_65 = tpu.memref_slice %arg7[%dma_wait3A_61, %dma_wait3A_63, %dma_wait3A_64] : memref<4x200x128xf32, #tpu.memory_space<vmem>> -> memref<1x200x128xf32, #tpu.memory_space<vmem>>
    %dma_wait3A_66 = tpu.memref_squeeze %dma_wait3A_65 : memref<1x200x128xf32, #tpu.memory_space<vmem>> -> memref<200x128xf32, #tpu.memory_space<vmem>>
    %dma_wait3A_67 = arith.constant 100 : i32
    %dma_wait3A_68 = arith.constant 0 : i32
    %dma_wait3A_69 = tpu.memref_slice %dma_wait3A_66[%dma_wait3A_67, %dma_wait3A_68] : memref<200x128xf32, #tpu.memory_space<vmem>> -> memref<50x128xf32, #tpu.memory_space<vmem>>
    %dma_wait3A_70 = arith.constant 0 : i32
    %dma_wait3A_71 = arith.constant 0 : i32
    %dma_wait3A_72 = tpu.memref_slice %arg4[%mul3A_2, %dma_wait3A_70, %dma_wait3A_71] : memref<16384x50x128xf32, #tpu.memory_space<hbm>> -> memref<1x50x128xf32, #tpu.memory_space<hbm>>
    %dma_wait3A_73 = tpu.memref_squeeze %dma_wait3A_72 : memref<1x50x128xf32, #tpu.memory_space<hbm>> -> memref<50x128xf32, #tpu.memory_space<hbm>>
    %dma_wait3A_74 = tpu.memref_slice %arg9[%dma_wait3A_62] : memref<4x!tpu.dma_semaphore, #tpu.memory_space<semaphore_mem>> -> memref<1x!tpu.dma_semaphore, #tpu.memory_space<semaphore_mem>>
    %dma_wait3A_75 = tpu.memref_squeeze %dma_wait3A_74 : memref<1x!tpu.dma_semaphore, #tpu.memory_space<semaphore_mem>> -> memref<!tpu.dma_semaphore, #tpu.memory_space<semaphore_mem>>
    %dma_wait3A_76 = arith.constant 0 : i32
    %dma_wait3A_77 = arith.constant 0 : i32
    %dma_wait3A_78 = tpu.memref_slice %arg4[%mul3A_2, %dma_wait3A_76, %dma_wait3A_77] : memref<16384x50x128xf32, #tpu.memory_space<hbm>> -> memref<1x50x128xf32, #tpu.memory_space<hbm>>
    %dma_wait3A_79 = tpu.memref_squeeze %dma_wait3A_78 : memref<1x50x128xf32, #tpu.memory_space<hbm>> -> memref<50x128xf32, #tpu.memory_space<hbm>>
    %dma_wait3A_80 = arith.constant 0 : i32
    %dma_wait3A_81 = arith.constant 0 : i32
    %dma_wait3A_82 = tpu.memref_slice %arg7[%dma_wait3A_61, %dma_wait3A_80, %dma_wait3A_81] : memref<4x200x128xf32, #tpu.memory_space<vmem>> -> memref<1x200x128xf32, #tpu.memory_space<vmem>>
    %dma_wait3A_83 = tpu.memref_squeeze %dma_wait3A_82 : memref<1x200x128xf32, #tpu.memory_space<vmem>> -> memref<200x128xf32, #tpu.memory_space<vmem>>
    %dma_wait3A_84 = arith.constant 100 : i32
    %dma_wait3A_85 = arith.constant 0 : i32
    %dma_wait3A_86 = tpu.memref_slice %dma_wait3A_83[%dma_wait3A_84, %dma_wait3A_85] : memref<200x128xf32, #tpu.memory_space<vmem>> -> memref<50x128xf32, #tpu.memory_space<vmem>>
    tpu.wait_dma2 semaphore(%dma_wait3A_75 : memref<!tpu.dma_semaphore, #tpu.memory_space<semaphore_mem>>) src(%dma_wait3A_86 : memref<50x128xf32, #tpu.memory_space<vmem>>) dst(%dma_wait3A_79 : memref<50x128xf32, #tpu.memory_space<hbm>>)
    %dma_wait3A_87 = arith.constant 0 : i32
    %dma_wait3A_88 = arith.constant 0 : i32
    %dma_wait3A_89 = arith.constant 0 : i32
    %dma_wait3A_90 = arith.constant 0 : i32
    %dma_wait3A_91 = tpu.memref_slice %arg7[%dma_wait3A_87, %dma_wait3A_89, %dma_wait3A_90] : memref<4x200x128xf32, #tpu.memory_space<vmem>> -> memref<1x200x128xf32, #tpu.memory_space<vmem>>
    %dma_wait3A_92 = tpu.memref_squeeze %dma_wait3A_91 : memref<1x200x128xf32, #tpu.memory_space<vmem>> -> memref<200x128xf32, #tpu.memory_space<vmem>>
    %dma_wait3A_93 = arith.constant 150 : i32
    %dma_wait3A_94 = arith.constant 0 : i32
    %dma_wait3A_95 = tpu.memref_slice %dma_wait3A_92[%dma_wait3A_93, %dma_wait3A_94] : memref<200x128xf32, #tpu.memory_space<vmem>> -> memref<50x128xf32, #tpu.memory_space<vmem>>
    %dma_wait3A_96 = arith.constant 0 : i32
    %dma_wait3A_97 = arith.constant 0 : i32
    %dma_wait3A_98 = tpu.memref_slice %arg4[%mul3A_2, %dma_wait3A_96, %dma_wait3A_97] : memref<16384x50x128xf32, #tpu.memory_space<hbm>> -> memref<1x50x128xf32, #tpu.memory_space<hbm>>
    %dma_wait3A_99 = tpu.memref_squeeze %dma_wait3A_98 : memref<1x50x128xf32, #tpu.memory_space<hbm>> -> memref<50x128xf32, #tpu.memory_space<hbm>>
    %dma_wait3A_100 = tpu.memref_slice %arg9[%dma_wait3A_88] : memref<4x!tpu.dma_semaphore, #tpu.memory_space<semaphore_mem>> -> memref<1x!tpu.dma_semaphore, #tpu.memory_space<semaphore_mem>>
    %dma_wait3A_101 = tpu.memref_squeeze %dma_wait3A_100 : memref<1x!tpu.dma_semaphore, #tpu.memory_space<semaphore_mem>> -> memref<!tpu.dma_semaphore, #tpu.memory_space<semaphore_mem>>
    %dma_wait3A_102 = arith.constant 0 : i32
    %dma_wait3A_103 = arith.constant 0 : i32
    %dma_wait3A_104 = tpu.memref_slice %arg4[%mul3A_2, %dma_wait3A_102, %dma_wait3A_103] : memref<16384x50x128xf32, #tpu.memory_space<hbm>> -> memref<1x50x128xf32, #tpu.memory_space<hbm>>
    %dma_wait3A_105 = tpu.memref_squeeze %dma_wait3A_104 : memref<1x50x128xf32, #tpu.memory_space<hbm>> -> memref<50x128xf32, #tpu.memory_space<hbm>>
    %dma_wait3A_106 = arith.constant 0 : i32
    %dma_wait3A_107 = arith.constant 0 : i32
    %dma_wait3A_108 = tpu.memref_slice %arg7[%dma_wait3A_87, %dma_wait3A_106, %dma_wait3A_107] : memref<4x200x128xf32, #tpu.memory_space<vmem>> -> memref<1x200x128xf32, #tpu.memory_space<vmem>>
    %dma_wait3A_109 = tpu.memref_squeeze %dma_wait3A_108 : memref<1x200x128xf32, #tpu.memory_space<vmem>> -> memref<200x128xf32, #tpu.memory_space<vmem>>
    %dma_wait3A_110 = arith.constant 150 : i32
    %dma_wait3A_111 = arith.constant 0 : i32
    %dma_wait3A_112 = tpu.memref_slice %dma_wait3A_109[%dma_wait3A_110, %dma_wait3A_111] : memref<200x128xf32, #tpu.memory_space<vmem>> -> memref<50x128xf32, #tpu.memory_space<vmem>>
    tpu.wait_dma2 semaphore(%dma_wait3A_101 : memref<!tpu.dma_semaphore, #tpu.memory_space<semaphore_mem>>) src(%dma_wait3A_112 : memref<50x128xf32, #tpu.memory_space<vmem>>) dst(%dma_wait3A_105 : memref<50x128xf32, #tpu.memory_space<hbm>>)
    %dma_wait3A_113 = arith.constant 1 : i32
    %dma_wait3A_114 = arith.constant 1 : i32
    %dma_wait3A_115 = arith.constant 0 : i32
    %dma_wait3A_116 = arith.constant 0 : i32
    %dma_wait3A_117 = tpu.memref_slice %arg7[%dma_wait3A_113, %dma_wait3A_115, %dma_wait3A_116] : memref<4x200x128xf32, #tpu.memory_space<vmem>> -> memref<1x200x128xf32, #tpu.memory_space<vmem>>
    %dma_wait3A_118 = tpu.memref_squeeze %dma_wait3A_117 : memref<1x200x128xf32, #tpu.memory_space<vmem>> -> memref<200x128xf32, #tpu.memory_space<vmem>>
    %dma_wait3A_119 = arith.constant 0 : i32
    %dma_wait3A_120 = arith.constant 0 : i32
    %dma_wait3A_121 = tpu.memref_slice %dma_wait3A_118[%dma_wait3A_119, %dma_wait3A_120] : memref<200x128xf32, #tpu.memory_space<vmem>> -> memref<50x128xf32, #tpu.memory_space<vmem>>
    %dma_wait3A_122 = arith.constant 0 : i32
    %dma_wait3A_123 = arith.constant 0 : i32
    %dma_wait3A_124 = tpu.memref_slice %arg4[%mul3A_2, %dma_wait3A_122, %dma_wait3A_123] : memref<16384x50x128xf32, #tpu.memory_space<hbm>> -> memref<1x50x128xf32, #tpu.memory_space<hbm>>
    %dma_wait3A_125 = tpu.memref_squeeze %dma_wait3A_124 : memref<1x50x128xf32, #tpu.memory_space<hbm>> -> memref<50x128xf32, #tpu.memory_space<hbm>>
    %dma_wait3A_126 = tpu.memref_slice %arg9[%dma_wait3A_114] : memref<4x!tpu.dma_semaphore, #tpu.memory_space<semaphore_mem>> -> memref<1x!tpu.dma_semaphore, #tpu.memory_space<semaphore_mem>>
    %dma_wait3A_127 = tpu.memref_squeeze %dma_wait3A_126 : memref<1x!tpu.dma_semaphore, #tpu.memory_space<semaphore_mem>> -> memref<!tpu.dma_semaphore, #tpu.memory_space<semaphore_mem>>
    %dma_wait3A_128 = arith.constant 0 : i32
    %dma_wait3A_129 = arith.constant 0 : i32
    %dma_wait3A_130 = tpu.memref_slice %arg4[%mul3A_2, %dma_wait3A_128, %dma_wait3A_129] : memref<16384x50x128xf32, #tpu.memory_space<hbm>> -> memref<1x50x128xf32, #tpu.memory_space<hbm>>
    %dma_wait3A_131 = tpu.memref_squeeze %dma_wait3A_130 : memref<1x50x128xf32, #tpu.memory_space<hbm>> -> memref<50x128xf32, #tpu.memory_space<hbm>>
    %dma_wait3A_132 = arith.constant 0 : i32
    %dma_wait3A_133 = arith.constant 0 : i32
    %dma_wait3A_134 = tpu.memref_slice %arg7[%dma_wait3A_113, %dma_wait3A_132, %dma_wait3A_133] : memref<4x200x128xf32, #tpu.memory_space<vmem>> -> memref<1x200x128xf32, #tpu.memory_space<vmem>>
    %dma_wait3A_135 = tpu.memref_squeeze %dma_wait3A_134 : memref<1x200x128xf32, #tpu.memory_space<vmem>> -> memref<200x128xf32, #tpu.memory_space<vmem>>
    %dma_wait3A_136 = arith.constant 0 : i32
    %dma_wait3A_137 = arith.constant 0 : i32
    %dma_wait3A_138 = tpu.memref_slice %dma_wait3A_135[%dma_wait3A_136, %dma_wait3A_137] : memref<200x128xf32, #tpu.memory_space<vmem>> -> memref<50x128xf32, #tpu.memory_space<vmem>>
    tpu.wait_dma2 semaphore(%dma_wait3A_127 : memref<!tpu.dma_semaphore, #tpu.memory_space<semaphore_mem>>) src(%dma_wait3A_138 : memref<50x128xf32, #tpu.memory_space<vmem>>) dst(%dma_wait3A_131 : memref<50x128xf32, #tpu.memory_space<hbm>>)
    %dma_wait3A_139 = arith.constant 1 : i32
    %dma_wait3A_140 = arith.constant 1 : i32
    %dma_wait3A_141 = arith.constant 0 : i32
    %dma_wait3A_142 = arith.constant 0 : i32
    %dma_wait3A_143 = tpu.memref_slice %arg7[%dma_wait3A_139, %dma_wait3A_141, %dma_wait3A_142] : memref<4x200x128xf32, #tpu.memory_space<vmem>> -> memref<1x200x128xf32, #tpu.memory_space<vmem>>
    %dma_wait3A_144 = tpu.memref_squeeze %dma_wait3A_143 : memref<1x200x128xf32, #tpu.memory_space<vmem>> -> memref<200x128xf32, #tpu.memory_space<vmem>>
    %dma_wait3A_145 = arith.constant 50 : i32
    %dma_wait3A_146 = arith.constant 0 : i32
    %dma_wait3A_147 = tpu.memref_slice %dma_wait3A_144[%dma_wait3A_145, %dma_wait3A_146] : memref<200x128xf32, #tpu.memory_space<vmem>> -> memref<50x128xf32, #tpu.memory_space<vmem>>
    %dma_wait3A_148 = arith.constant 0 : i32
    %dma_wait3A_149 = arith.constant 0 : i32
    %dma_wait3A_150 = tpu.memref_slice %arg4[%mul3A_2, %dma_wait3A_148, %dma_wait3A_149] : memref<16384x50x128xf32, #tpu.memory_space<hbm>> -> memref<1x50x128xf32, #tpu.memory_space<hbm>>
    %dma_wait3A_151 = tpu.memref_squeeze %dma_wait3A_150 : memref<1x50x128xf32, #tpu.memory_space<hbm>> -> memref<50x128xf32, #tpu.memory_space<hbm>>
    %dma_wait3A_152 = tpu.memref_slice %arg9[%dma_wait3A_140] : memref<4x!tpu.dma_semaphore, #tpu.memory_space<semaphore_mem>> -> memref<1x!tpu.dma_semaphore, #tpu.memory_space<semaphore_mem>>
    %dma_wait3A_153 = tpu.memref_squeeze %dma_wait3A_152 : memref<1x!tpu.dma_semaphore, #tpu.memory_space<semaphore_mem>> -> memref<!tpu.dma_semaphore, #tpu.memory_space<semaphore_mem>>
    %dma_wait3A_154 = arith.constant 0 : i32
    %dma_wait3A_155 = arith.constant 0 : i32
    %dma_wait3A_156 = tpu.memref_slice %arg4[%mul3A_2, %dma_wait3A_154, %dma_wait3A_155] : memref<16384x50x128xf32, #tpu.memory_space<hbm>> -> memref<1x50x128xf32, #tpu.memory_space<hbm>>
    %dma_wait3A_157 = tpu.memref_squeeze %dma_wait3A_156 : memref<1x50x128xf32, #tpu.memory_space<hbm>> -> memref<50x128xf32, #tpu.memory_space<hbm>>
    %dma_wait3A_158 = arith.constant 0 : i32
    %dma_wait3A_159 = arith.constant 0 : i32
    %dma_wait3A_160 = tpu.memref_slice %arg7[%dma_wait3A_139, %dma_wait3A_158, %dma_wait3A_159] : memref<4x200x128xf32, #tpu.memory_space<vmem>> -> memref<1x200x128xf32, #tpu.memory_space<vmem>>
    %dma_wait3A_161 = tpu.memref_squeeze %dma_wait3A_160 : memref<1x200x128xf32, #tpu.memory_space<vmem>> -> memref<200x128xf32, #tpu.memory_space<vmem>>
    %dma_wait3A_162 = arith.constant 50 : i32
    %dma_wait3A_163 = arith.constant 0 : i32
    %dma_wait3A_164 = tpu.memref_slice %dma_wait3A_161[%dma_wait3A_162, %dma_wait3A_163] : memref<200x128xf32, #tpu.memory_space<vmem>> -> memref<50x128xf32, #tpu.memory_space<vmem>>
    tpu.wait_dma2 semaphore(%dma_wait3A_153 : memref<!tpu.dma_semaphore, #tpu.memory_space<semaphore_mem>>) src(%dma_wait3A_164 : memref<50x128xf32, #tpu.memory_space<vmem>>) dst(%dma_wait3A_157 : memref<50x128xf32, #tpu.memory_space<hbm>>)
    %dma_wait3A_165 = arith.constant 1 : i32
    %dma_wait3A_166 = arith.constant 1 : i32
    %dma_wait3A_167 = arith.constant 0 : i32
    %dma_wait3A_168 = arith.constant 0 : i32
    %dma_wait3A_169 = tpu.memref_slice %arg7[%dma_wait3A_165, %dma_wait3A_167, %dma_wait3A_168] : memref<4x200x128xf32, #tpu.memory_space<vmem>> -> memref<1x200x128xf32, #tpu.memory_space<vmem>>
    %dma_wait3A_170 = tpu.memref_squeeze %dma_wait3A_169 : memref<1x200x128xf32, #tpu.memory_space<vmem>> -> memref<200x128xf32, #tpu.memory_space<vmem>>
    %dma_wait3A_171 = arith.constant 100 : i32
    %dma_wait3A_172 = arith.constant 0 : i32
    %dma_wait3A_173 = tpu.memref_slice %dma_wait3A_170[%dma_wait3A_171, %dma_wait3A_172] : memref<200x128xf32, #tpu.memory_space<vmem>> -> memref<50x128xf32, #tpu.memory_space<vmem>>
    %dma_wait3A_174 = arith.constant 0 : i32
    %dma_wait3A_175 = arith.constant 0 : i32
    %dma_wait3A_176 = tpu.memref_slice %arg4[%mul3A_2, %dma_wait3A_174, %dma_wait3A_175] : memref<16384x50x128xf32, #tpu.memory_space<hbm>> -> memref<1x50x128xf32, #tpu.memory_space<hbm>>
    %dma_wait3A_177 = tpu.memref_squeeze %dma_wait3A_176 : memref<1x50x128xf32, #tpu.memory_space<hbm>> -> memref<50x128xf32, #tpu.memory_space<hbm>>
    %dma_wait3A_178 = tpu.memref_slice %arg9[%dma_wait3A_166] : memref<4x!tpu.dma_semaphore, #tpu.memory_space<semaphore_mem>> -> memref<1x!tpu.dma_semaphore, #tpu.memory_space<semaphore_mem>>
    %dma_wait3A_179 = tpu.memref_squeeze %dma_wait3A_178 : memref<1x!tpu.dma_semaphore, #tpu.memory_space<semaphore_mem>> -> memref<!tpu.dma_semaphore, #tpu.memory_space<semaphore_mem>>
    %dma_wait3A_180 = arith.constant 0 : i32
    %dma_wait3A_181 = arith.constant 0 : i32
    %dma_wait3A_182 = tpu.memref_slice %arg4[%mul3A_2, %dma_wait3A_180, %dma_wait3A_181] : memref<16384x50x128xf32, #tpu.memory_space<hbm>> -> memref<1x50x128xf32, #tpu.memory_space<hbm>>
    %dma_wait3A_183 = tpu.memref_squeeze %dma_wait3A_182 : memref<1x50x128xf32, #tpu.memory_space<hbm>> -> memref<50x128xf32, #tpu.memory_space<hbm>>
    %dma_wait3A_184 = arith.constant 0 : i32
    %dma_wait3A_185 = arith.constant 0 : i32
    %dma_wait3A_186 = tpu.memref_slice %arg7[%dma_wait3A_165, %dma_wait3A_184, %dma_wait3A_185] : memref<4x200x128xf32, #tpu.memory_space<vmem>> -> memref<1x200x128xf32, #tpu.memory_space<vmem>>
    %dma_wait3A_187 = tpu.memref_squeeze %dma_wait3A_186 : memref<1x200x128xf32, #tpu.memory_space<vmem>> -> memref<200x128xf32, #tpu.memory_space<vmem>>
    %dma_wait3A_188 = arith.constant 100 : i32
    %dma_wait3A_189 = arith.constant 0 : i32
    %dma_wait3A_190 = tpu.memref_slice %dma_wait3A_187[%dma_wait3A_188, %dma_wait3A_189] : memref<200x128xf32, #tpu.memory_space<vmem>> -> memref<50x128xf32, #tpu.memory_space<vmem>>
    tpu.wait_dma2 semaphore(%dma_wait3A_179 : memref<!tpu.dma_semaphore, #tpu.memory_space<semaphore_mem>>) src(%dma_wait3A_190 : memref<50x128xf32, #tpu.memory_space<vmem>>) dst(%dma_wait3A_183 : memref<50x128xf32, #tpu.memory_space<hbm>>)
    %dma_wait3A_191 = arith.constant 1 : i32
    %dma_wait3A_192 = arith.constant 1 : i32
    %dma_wait3A_193 = arith.constant 0 : i32
    %dma_wait3A_194 = arith.constant 0 : i32
    %dma_wait3A_195 = tpu.memref_slice %arg7[%dma_wait3A_191, %dma_wait3A_193, %dma_wait3A_194] : memref<4x200x128xf32, #tpu.memory_space<vmem>> -> memref<1x200x128xf32, #tpu.memory_space<vmem>>
    %dma_wait3A_196 = tpu.memref_squeeze %dma_wait3A_195 : memref<1x200x128xf32, #tpu.memory_space<vmem>> -> memref<200x128xf32, #tpu.memory_space<vmem>>
    %dma_wait3A_197 = arith.constant 150 : i32
    %dma_wait3A_198 = arith.constant 0 : i32
    %dma_wait3A_199 = tpu.memref_slice %dma_wait3A_196[%dma_wait3A_197, %dma_wait3A_198] : memref<200x128xf32, #tpu.memory_space<vmem>> -> memref<50x128xf32, #tpu.memory_space<vmem>>
    %dma_wait3A_200 = arith.constant 0 : i32
    %dma_wait3A_201 = arith.constant 0 : i32
    %dma_wait3A_202 = tpu.memref_slice %arg4[%mul3A_2, %dma_wait3A_200, %dma_wait3A_201] : memref<16384x50x128xf32, #tpu.memory_space<hbm>> -> memref<1x50x128xf32, #tpu.memory_space<hbm>>
    %dma_wait3A_203 = tpu.memref_squeeze %dma_wait3A_202 : memref<1x50x128xf32, #tpu.memory_space<hbm>> -> memref<50x128xf32, #tpu.memory_space<hbm>>
    %dma_wait3A_204 = tpu.memref_slice %arg9[%dma_wait3A_192] : memref<4x!tpu.dma_semaphore, #tpu.memory_space<semaphore_mem>> -> memref<1x!tpu.dma_semaphore, #tpu.memory_space<semaphore_mem>>
    %dma_wait3A_205 = tpu.memref_squeeze %dma_wait3A_204 : memref<1x!tpu.dma_semaphore, #tpu.memory_space<semaphore_mem>> -> memref<!tpu.dma_semaphore, #tpu.memory_space<semaphore_mem>>
    %dma_wait3A_206 = arith.constant 0 : i32
    %dma_wait3A_207 = arith.constant 0 : i32
    %dma_wait3A_208 = tpu.memref_slice %arg4[%mul3A_2, %dma_wait3A_206, %dma_wait3A_207] : memref<16384x50x128xf32, #tpu.memory_space<hbm>> -> memref<1x50x128xf32, #tpu.memory_space<hbm>>
    %dma_wait3A_209 = tpu.memref_squeeze %dma_wait3A_208 : memref<1x50x128xf32, #tpu.memory_space<hbm>> -> memref<50x128xf32, #tpu.memory_space<hbm>>
    %dma_wait3A_210 = arith.constant 0 : i32
    %dma_wait3A_211 = arith.constant 0 : i32
    %dma_wait3A_212 = tpu.memref_slice %arg7[%dma_wait3A_191, %dma_wait3A_210, %dma_wait3A_211] : memref<4x200x128xf32, #tpu.memory_space<vmem>> -> memref<1x200x128xf32, #tpu.memory_space<vmem>>
    %dma_wait3A_213 = tpu.memref_squeeze %dma_wait3A_212 : memref<1x200x128xf32, #tpu.memory_space<vmem>> -> memref<200x128xf32, #tpu.memory_space<vmem>>
    %dma_wait3A_214 = arith.constant 150 : i32
    %dma_wait3A_215 = arith.constant 0 : i32
    %dma_wait3A_216 = tpu.memref_slice %dma_wait3A_213[%dma_wait3A_214, %dma_wait3A_215] : memref<200x128xf32, #tpu.memory_space<vmem>> -> memref<50x128xf32, #tpu.memory_space<vmem>>
    tpu.wait_dma2 semaphore(%dma_wait3A_205 : memref<!tpu.dma_semaphore, #tpu.memory_space<semaphore_mem>>) src(%dma_wait3A_216 : memref<50x128xf32, #tpu.memory_space<vmem>>) dst(%dma_wait3A_209 : memref<50x128xf32, #tpu.memory_space<hbm>>)
    %dma_wait3A_217 = arith.constant 2 : i32
    %dma_wait3A_218 = arith.constant 2 : i32
    %dma_wait3A_219 = arith.constant 0 : i32
    %dma_wait3A_220 = arith.constant 0 : i32
    %dma_wait3A_221 = tpu.memref_slice %arg7[%dma_wait3A_217, %dma_wait3A_219, %dma_wait3A_220] : memref<4x200x128xf32, #tpu.memory_space<vmem>> -> memref<1x200x128xf32, #tpu.memory_space<vmem>>
    %dma_wait3A_222 = tpu.memref_squeeze %dma_wait3A_221 : memref<1x200x128xf32, #tpu.memory_space<vmem>> -> memref<200x128xf32, #tpu.memory_space<vmem>>
    %dma_wait3A_223 = arith.constant 0 : i32
    %dma_wait3A_224 = arith.constant 0 : i32
    %dma_wait3A_225 = tpu.memref_slice %dma_wait3A_222[%dma_wait3A_223, %dma_wait3A_224] : memref<200x128xf32, #tpu.memory_space<vmem>> -> memref<50x128xf32, #tpu.memory_space<vmem>>
    %dma_wait3A_226 = arith.constant 0 : i32
    %dma_wait3A_227 = arith.constant 0 : i32
    %dma_wait3A_228 = tpu.memref_slice %arg4[%mul3A_2, %dma_wait3A_226, %dma_wait3A_227] : memref<16384x50x128xf32, #tpu.memory_space<hbm>> -> memref<1x50x128xf32, #tpu.memory_space<hbm>>
    %dma_wait3A_229 = tpu.memref_squeeze %dma_wait3A_228 : memref<1x50x128xf32, #tpu.memory_space<hbm>> -> memref<50x128xf32, #tpu.memory_space<hbm>>
    %dma_wait3A_230 = tpu.memref_slice %arg9[%dma_wait3A_218] : memref<4x!tpu.dma_semaphore, #tpu.memory_space<semaphore_mem>> -> memref<1x!tpu.dma_semaphore, #tpu.memory_space<semaphore_mem>>
    %dma_wait3A_231 = tpu.memref_squeeze %dma_wait3A_230 : memref<1x!tpu.dma_semaphore, #tpu.memory_space<semaphore_mem>> -> memref<!tpu.dma_semaphore, #tpu.memory_space<semaphore_mem>>
    %dma_wait3A_232 = arith.constant 0 : i32
    %dma_wait3A_233 = arith.constant 0 : i32
    %dma_wait3A_234 = tpu.memref_slice %arg4[%mul3A_2, %dma_wait3A_232, %dma_wait3A_233] : memref<16384x50x128xf32, #tpu.memory_space<hbm>> -> memref<1x50x128xf32, #tpu.memory_space<hbm>>
    %dma_wait3A_235 = tpu.memref_squeeze %dma_wait3A_234 : memref<1x50x128xf32, #tpu.memory_space<hbm>> -> memref<50x128xf32, #tpu.memory_space<hbm>>
    %dma_wait3A_236 = arith.constant 0 : i32
    %dma_wait3A_237 = arith.constant 0 : i32
    %dma_wait3A_238 = tpu.memref_slice %arg7[%dma_wait3A_217, %dma_wait3A_236, %dma_wait3A_237] : memref<4x200x128xf32, #tpu.memory_space<vmem>> -> memref<1x200x128xf32, #tpu.memory_space<vmem>>
    %dma_wait3A_239 = tpu.memref_squeeze %dma_wait3A_238 : memref<1x200x128xf32, #tpu.memory_space<vmem>> -> memref<200x128xf32, #tpu.memory_space<vmem>>
    %dma_wait3A_240 = arith.constant 0 : i32
    %dma_wait3A_241 = arith.constant 0 : i32
    %dma_wait3A_242 = tpu.memref_slice %dma_wait3A_239[%dma_wait3A_240, %dma_wait3A_241] : memref<200x128xf32, #tpu.memory_space<vmem>> -> memref<50x128xf32, #tpu.memory_space<vmem>>
    tpu.wait_dma2 semaphore(%dma_wait3A_231 : memref<!tpu.dma_semaphore, #tpu.memory_space<semaphore_mem>>) src(%dma_wait3A_242 : memref<50x128xf32, #tpu.memory_space<vmem>>) dst(%dma_wait3A_235 : memref<50x128xf32, #tpu.memory_space<hbm>>)
    %dma_wait3A_243 = arith.constant 2 : i32
    %dma_wait3A_244 = arith.constant 2 : i32
    %dma_wait3A_245 = arith.constant 0 : i32
    %dma_wait3A_246 = arith.constant 0 : i32
    %dma_wait3A_247 = tpu.memref_slice %arg7[%dma_wait3A_243, %dma_wait3A_245, %dma_wait3A_246] : memref<4x200x128xf32, #tpu.memory_space<vmem>> -> memref<1x200x128xf32, #tpu.memory_space<vmem>>
    %dma_wait3A_248 = tpu.memref_squeeze %dma_wait3A_247 : memref<1x200x128xf32, #tpu.memory_space<vmem>> -> memref<200x128xf32, #tpu.memory_space<vmem>>
    %dma_wait3A_249 = arith.constant 50 : i32
    %dma_wait3A_250 = arith.constant 0 : i32
    %dma_wait3A_251 = tpu.memref_slice %dma_wait3A_248[%dma_wait3A_249, %dma_wait3A_250] : memref<200x128xf32, #tpu.memory_space<vmem>> -> memref<50x128xf32, #tpu.memory_space<vmem>>
    %dma_wait3A_252 = arith.constant 0 : i32
    %dma_wait3A_253 = arith.constant 0 : i32
    %dma_wait3A_254 = tpu.memref_slice %arg4[%mul3A_2, %dma_wait3A_252, %dma_wait3A_253] : memref<16384x50x128xf32, #tpu.memory_space<hbm>> -> memref<1x50x128xf32, #tpu.memory_space<hbm>>
    %dma_wait3A_255 = tpu.memref_squeeze %dma_wait3A_254 : memref<1x50x128xf32, #tpu.memory_space<hbm>> -> memref<50x128xf32, #tpu.memory_space<hbm>>
    %dma_wait3A_256 = tpu.memref_slice %arg9[%dma_wait3A_244] : memref<4x!tpu.dma_semaphore, #tpu.memory_space<semaphore_mem>> -> memref<1x!tpu.dma_semaphore, #tpu.memory_space<semaphore_mem>>
    %dma_wait3A_257 = tpu.memref_squeeze %dma_wait3A_256 : memref<1x!tpu.dma_semaphore, #tpu.memory_space<semaphore_mem>> -> memref<!tpu.dma_semaphore, #tpu.memory_space<semaphore_mem>>
    %dma_wait3A_258 = arith.constant 0 : i32
    %dma_wait3A_259 = arith.constant 0 : i32
    %dma_wait3A_260 = tpu.memref_slice %arg4[%mul3A_2, %dma_wait3A_258, %dma_wait3A_259] : memref<16384x50x128xf32, #tpu.memory_space<hbm>> -> memref<1x50x128xf32, #tpu.memory_space<hbm>>
    %dma_wait3A_261 = tpu.memref_squeeze %dma_wait3A_260 : memref<1x50x128xf32, #tpu.memory_space<hbm>> -> memref<50x128xf32, #tpu.memory_space<hbm>>
    %dma_wait3A_262 = arith.constant 0 : i32
    %dma_wait3A_263 = arith.constant 0 : i32
    %dma_wait3A_264 = tpu.memref_slice %arg7[%dma_wait3A_243, %dma_wait3A_262, %dma_wait3A_263] : memref<4x200x128xf32, #tpu.memory_space<vmem>> -> memref<1x200x128xf32, #tpu.memory_space<vmem>>
    %dma_wait3A_265 = tpu.memref_squeeze %dma_wait3A_264 : memref<1x200x128xf32, #tpu.memory_space<vmem>> -> memref<200x128xf32, #tpu.memory_space<vmem>>
    %dma_wait3A_266 = arith.constant 50 : i32
    %dma_wait3A_267 = arith.constant 0 : i32
    %dma_wait3A_268 = tpu.memref_slice %dma_wait3A_265[%dma_wait3A_266, %dma_wait3A_267] : memref<200x128xf32, #tpu.memory_space<vmem>> -> memref<50x128xf32, #tpu.memory_space<vmem>>
    tpu.wait_dma2 semaphore(%dma_wait3A_257 : memref<!tpu.dma_semaphore, #tpu.memory_space<semaphore_mem>>) src(%dma_wait3A_268 : memref<50x128xf32, #tpu.memory_space<vmem>>) dst(%dma_wait3A_261 : memref<50x128xf32, #tpu.memory_space<hbm>>)
    %dma_wait3A_269 = arith.constant 2 : i32
    %dma_wait3A_270 = arith.constant 2 : i32
    %dma_wait3A_271 = arith.constant 0 : i32
    %dma_wait3A_272 = arith.constant 0 : i32
    %dma_wait3A_273 = tpu.memref_slice %arg7[%dma_wait3A_269, %dma_wait3A_271, %dma_wait3A_272] : memref<4x200x128xf32, #tpu.memory_space<vmem>> -> memref<1x200x128xf32, #tpu.memory_space<vmem>>
    %dma_wait3A_274 = tpu.memref_squeeze %dma_wait3A_273 : memref<1x200x128xf32, #tpu.memory_space<vmem>> -> memref<200x128xf32, #tpu.memory_space<vmem>>
    %dma_wait3A_275 = arith.constant 100 : i32
    %dma_wait3A_276 = arith.constant 0 : i32
    %dma_wait3A_277 = tpu.memref_slice %dma_wait3A_274[%dma_wait3A_275, %dma_wait3A_276] : memref<200x128xf32, #tpu.memory_space<vmem>> -> memref<50x128xf32, #tpu.memory_space<vmem>>
    %dma_wait3A_278 = arith.constant 0 : i32
    %dma_wait3A_279 = arith.constant 0 : i32
    %dma_wait3A_280 = tpu.memref_slice %arg4[%mul3A_2, %dma_wait3A_278, %dma_wait3A_279] : memref<16384x50x128xf32, #tpu.memory_space<hbm>> -> memref<1x50x128xf32, #tpu.memory_space<hbm>>
    %dma_wait3A_281 = tpu.memref_squeeze %dma_wait3A_280 : memref<1x50x128xf32, #tpu.memory_space<hbm>> -> memref<50x128xf32, #tpu.memory_space<hbm>>
    %dma_wait3A_282 = tpu.memref_slice %arg9[%dma_wait3A_270] : memref<4x!tpu.dma_semaphore, #tpu.memory_space<semaphore_mem>> -> memref<1x!tpu.dma_semaphore, #tpu.memory_space<semaphore_mem>>
    %dma_wait3A_283 = tpu.memref_squeeze %dma_wait3A_282 : memref<1x!tpu.dma_semaphore, #tpu.memory_space<semaphore_mem>> -> memref<!tpu.dma_semaphore, #tpu.memory_space<semaphore_mem>>
    %dma_wait3A_284 = arith.constant 0 : i32
    %dma_wait3A_285 = arith.constant 0 : i32
    %dma_wait3A_286 = tpu.memref_slice %arg4[%mul3A_2, %dma_wait3A_284, %dma_wait3A_285] : memref<16384x50x128xf32, #tpu.memory_space<hbm>> -> memref<1x50x128xf32, #tpu.memory_space<hbm>>
    %dma_wait3A_287 = tpu.memref_squeeze %dma_wait3A_286 : memref<1x50x128xf32, #tpu.memory_space<hbm>> -> memref<50x128xf32, #tpu.memory_space<hbm>>
    %dma_wait3A_288 = arith.constant 0 : i32
    %dma_wait3A_289 = arith.constant 0 : i32
    %dma_wait3A_290 = tpu.memref_slice %arg7[%dma_wait3A_269, %dma_wait3A_288, %dma_wait3A_289] : memref<4x200x128xf32, #tpu.memory_space<vmem>> -> memref<1x200x128xf32, #tpu.memory_space<vmem>>
    %dma_wait3A_291 = tpu.memref_squeeze %dma_wait3A_290 : memref<1x200x128xf32, #tpu.memory_space<vmem>> -> memref<200x128xf32, #tpu.memory_space<vmem>>
    %dma_wait3A_292 = arith.constant 100 : i32
    %dma_wait3A_293 = arith.constant 0 : i32
    %dma_wait3A_294 = tpu.memref_slice %dma_wait3A_291[%dma_wait3A_292, %dma_wait3A_293] : memref<200x128xf32, #tpu.memory_space<vmem>> -> memref<50x128xf32, #tpu.memory_space<vmem>>
    tpu.wait_dma2 semaphore(%dma_wait3A_283 : memref<!tpu.dma_semaphore, #tpu.memory_space<semaphore_mem>>) src(%dma_wait3A_294 : memref<50x128xf32, #tpu.memory_space<vmem>>) dst(%dma_wait3A_287 : memref<50x128xf32, #tpu.memory_space<hbm>>)
    %dma_wait3A_295 = arith.constant 2 : i32
    %dma_wait3A_296 = arith.constant 2 : i32
    %dma_wait3A_297 = arith.constant 0 : i32
    %dma_wait3A_298 = arith.constant 0 : i32
    %dma_wait3A_299 = tpu.memref_slice %arg7[%dma_wait3A_295, %dma_wait3A_297, %dma_wait3A_298] : memref<4x200x128xf32, #tpu.memory_space<vmem>> -> memref<1x200x128xf32, #tpu.memory_space<vmem>>
    %dma_wait3A_300 = tpu.memref_squeeze %dma_wait3A_299 : memref<1x200x128xf32, #tpu.memory_space<vmem>> -> memref<200x128xf32, #tpu.memory_space<vmem>>
    %dma_wait3A_301 = arith.constant 150 : i32
    %dma_wait3A_302 = arith.constant 0 : i32
    %dma_wait3A_303 = tpu.memref_slice %dma_wait3A_300[%dma_wait3A_301, %dma_wait3A_302] : memref<200x128xf32, #tpu.memory_space<vmem>> -> memref<50x128xf32, #tpu.memory_space<vmem>>
    %dma_wait3A_304 = arith.constant 0 : i32
    %dma_wait3A_305 = arith.constant 0 : i32
    %dma_wait3A_306 = tpu.memref_slice %arg4[%mul3A_2, %dma_wait3A_304, %dma_wait3A_305] : memref<16384x50x128xf32, #tpu.memory_space<hbm>> -> memref<1x50x128xf32, #tpu.memory_space<hbm>>
    %dma_wait3A_307 = tpu.memref_squeeze %dma_wait3A_306 : memref<1x50x128xf32, #tpu.memory_space<hbm>> -> memref<50x128xf32, #tpu.memory_space<hbm>>
    %dma_wait3A_308 = tpu.memref_slice %arg9[%dma_wait3A_296] : memref<4x!tpu.dma_semaphore, #tpu.memory_space<semaphore_mem>> -> memref<1x!tpu.dma_semaphore, #tpu.memory_space<semaphore_mem>>
    %dma_wait3A_309 = tpu.memref_squeeze %dma_wait3A_308 : memref<1x!tpu.dma_semaphore, #tpu.memory_space<semaphore_mem>> -> memref<!tpu.dma_semaphore, #tpu.memory_space<semaphore_mem>>
    %dma_wait3A_310 = arith.constant 0 : i32
    %dma_wait3A_311 = arith.constant 0 : i32
    %dma_wait3A_312 = tpu.memref_slice %arg4[%mul3A_2, %dma_wait3A_310, %dma_wait3A_311] : memref<16384x50x128xf32, #tpu.memory_space<hbm>> -> memref<1x50x128xf32, #tpu.memory_space<hbm>>
    %dma_wait3A_313 = tpu.memref_squeeze %dma_wait3A_312 : memref<1x50x128xf32, #tpu.memory_space<hbm>> -> memref<50x128xf32, #tpu.memory_space<hbm>>
    %dma_wait3A_314 = arith.constant 0 : i32
    %dma_wait3A_315 = arith.constant 0 : i32
    %dma_wait3A_316 = tpu.memref_slice %arg7[%dma_wait3A_295, %dma_wait3A_314, %dma_wait3A_315] : memref<4x200x128xf32, #tpu.memory_space<vmem>> -> memref<1x200x128xf32, #tpu.memory_space<vmem>>
    %dma_wait3A_317 = tpu.memref_squeeze %dma_wait3A_316 : memref<1x200x128xf32, #tpu.memory_space<vmem>> -> memref<200x128xf32, #tpu.memory_space<vmem>>
    %dma_wait3A_318 = arith.constant 150 : i32
    %dma_wait3A_319 = arith.constant 0 : i32
    %dma_wait3A_320 = tpu.memref_slice %dma_wait3A_317[%dma_wait3A_318, %dma_wait3A_319] : memref<200x128xf32, #tpu.memory_space<vmem>> -> memref<50x128xf32, #tpu.memory_space<vmem>>
    tpu.wait_dma2 semaphore(%dma_wait3A_309 : memref<!tpu.dma_semaphore, #tpu.memory_space<semaphore_mem>>) src(%dma_wait3A_320 : memref<50x128xf32, #tpu.memory_space<vmem>>) dst(%dma_wait3A_313 : memref<50x128xf32, #tpu.memory_space<hbm>>)
    %dma_wait3A_321 = arith.constant 3 : i32
    %dma_wait3A_322 = arith.constant 3 : i32
    %dma_wait3A_323 = arith.constant 0 : i32
    %dma_wait3A_324 = arith.constant 0 : i32
    %dma_wait3A_325 = tpu.memref_slice %arg7[%dma_wait3A_321, %dma_wait3A_323, %dma_wait3A_324] : memref<4x200x128xf32, #tpu.memory_space<vmem>> -> memref<1x200x128xf32, #tpu.memory_space<vmem>>
    %dma_wait3A_326 = tpu.memref_squeeze %dma_wait3A_325 : memref<1x200x128xf32, #tpu.memory_space<vmem>> -> memref<200x128xf32, #tpu.memory_space<vmem>>
    %dma_wait3A_327 = arith.constant 0 : i32
    %dma_wait3A_328 = arith.constant 0 : i32
    %dma_wait3A_329 = tpu.memref_slice %dma_wait3A_326[%dma_wait3A_327, %dma_wait3A_328] : memref<200x128xf32, #tpu.memory_space<vmem>> -> memref<50x128xf32, #tpu.memory_space<vmem>>
    %dma_wait3A_330 = arith.constant 0 : i32
    %dma_wait3A_331 = arith.constant 0 : i32
    %dma_wait3A_332 = tpu.memref_slice %arg4[%mul3A_2, %dma_wait3A_330, %dma_wait3A_331] : memref<16384x50x128xf32, #tpu.memory_space<hbm>> -> memref<1x50x128xf32, #tpu.memory_space<hbm>>
    %dma_wait3A_333 = tpu.memref_squeeze %dma_wait3A_332 : memref<1x50x128xf32, #tpu.memory_space<hbm>> -> memref<50x128xf32, #tpu.memory_space<hbm>>
    %dma_wait3A_334 = tpu.memref_slice %arg9[%dma_wait3A_322] : memref<4x!tpu.dma_semaphore, #tpu.memory_space<semaphore_mem>> -> memref<1x!tpu.dma_semaphore, #tpu.memory_space<semaphore_mem>>
    %dma_wait3A_335 = tpu.memref_squeeze %dma_wait3A_334 : memref<1x!tpu.dma_semaphore, #tpu.memory_space<semaphore_mem>> -> memref<!tpu.dma_semaphore, #tpu.memory_space<semaphore_mem>>
    %dma_wait3A_336 = arith.constant 0 : i32
    %dma_wait3A_337 = arith.constant 0 : i32
    %dma_wait3A_338 = tpu.memref_slice %arg4[%mul3A_2, %dma_wait3A_336, %dma_wait3A_337] : memref<16384x50x128xf32, #tpu.memory_space<hbm>> -> memref<1x50x128xf32, #tpu.memory_space<hbm>>
    %dma_wait3A_339 = tpu.memref_squeeze %dma_wait3A_338 : memref<1x50x128xf32, #tpu.memory_space<hbm>> -> memref<50x128xf32, #tpu.memory_space<hbm>>
    %dma_wait3A_340 = arith.constant 0 : i32
    %dma_wait3A_341 = arith.constant 0 : i32
    %dma_wait3A_342 = tpu.memref_slice %arg7[%dma_wait3A_321, %dma_wait3A_340, %dma_wait3A_341] : memref<4x200x128xf32, #tpu.memory_space<vmem>> -> memref<1x200x128xf32, #tpu.memory_space<vmem>>
    %dma_wait3A_343 = tpu.memref_squeeze %dma_wait3A_342 : memref<1x200x128xf32, #tpu.memory_space<vmem>> -> memref<200x128xf32, #tpu.memory_space<vmem>>
    %dma_wait3A_344 = arith.constant 0 : i32
    %dma_wait3A_345 = arith.constant 0 : i32
    %dma_wait3A_346 = tpu.memref_slice %dma_wait3A_343[%dma_wait3A_344, %dma_wait3A_345] : memref<200x128xf32, #tpu.memory_space<vmem>> -> memref<50x128xf32, #tpu.memory_space<vmem>>
    tpu.wait_dma2 semaphore(%dma_wait3A_335 : memref<!tpu.dma_semaphore, #tpu.memory_space<semaphore_mem>>) src(%dma_wait3A_346 : memref<50x128xf32, #tpu.memory_space<vmem>>) dst(%dma_wait3A_339 : memref<50x128xf32, #tpu.memory_space<hbm>>)
    %dma_wait3A_347 = arith.constant 3 : i32
    %dma_wait3A_348 = arith.constant 3 : i32
    %dma_wait3A_349 = arith.constant 0 : i32
    %dma_wait3A_350 = arith.constant 0 : i32
    %dma_wait3A_351 = tpu.memref_slice %arg7[%dma_wait3A_347, %dma_wait3A_349, %dma_wait3A_350] : memref<4x200x128xf32, #tpu.memory_space<vmem>> -> memref<1x200x128xf32, #tpu.memory_space<vmem>>
    %dma_wait3A_352 = tpu.memref_squeeze %dma_wait3A_351 : memref<1x200x128xf32, #tpu.memory_space<vmem>> -> memref<200x128xf32, #tpu.memory_space<vmem>>
    %dma_wait3A_353 = arith.constant 50 : i32
    %dma_wait3A_354 = arith.constant 0 : i32
    %dma_wait3A_355 = tpu.memref_slice %dma_wait3A_352[%dma_wait3A_353, %dma_wait3A_354] : memref<200x128xf32, #tpu.memory_space<vmem>> -> memref<50x128xf32, #tpu.memory_space<vmem>>
    %dma_wait3A_356 = arith.constant 0 : i32
    %dma_wait3A_357 = arith.constant 0 : i32
    %dma_wait3A_358 = tpu.memref_slice %arg4[%mul3A_2, %dma_wait3A_356, %dma_wait3A_357] : memref<16384x50x128xf32, #tpu.memory_space<hbm>> -> memref<1x50x128xf32, #tpu.memory_space<hbm>>
    %dma_wait3A_359 = tpu.memref_squeeze %dma_wait3A_358 : memref<1x50x128xf32, #tpu.memory_space<hbm>> -> memref<50x128xf32, #tpu.memory_space<hbm>>
    %dma_wait3A_360 = tpu.memref_slice %arg9[%dma_wait3A_348] : memref<4x!tpu.dma_semaphore, #tpu.memory_space<semaphore_mem>> -> memref<1x!tpu.dma_semaphore, #tpu.memory_space<semaphore_mem>>
    %dma_wait3A_361 = tpu.memref_squeeze %dma_wait3A_360 : memref<1x!tpu.dma_semaphore, #tpu.memory_space<semaphore_mem>> -> memref<!tpu.dma_semaphore, #tpu.memory_space<semaphore_mem>>
    %dma_wait3A_362 = arith.constant 0 : i32
    %dma_wait3A_363 = arith.constant 0 : i32
    %dma_wait3A_364 = tpu.memref_slice %arg4[%mul3A_2, %dma_wait3A_362, %dma_wait3A_363] : memref<16384x50x128xf32, #tpu.memory_space<hbm>> -> memref<1x50x128xf32, #tpu.memory_space<hbm>>
    %dma_wait3A_365 = tpu.memref_squeeze %dma_wait3A_364 : memref<1x50x128xf32, #tpu.memory_space<hbm>> -> memref<50x128xf32, #tpu.memory_space<hbm>>
    %dma_wait3A_366 = arith.constant 0 : i32
    %dma_wait3A_367 = arith.constant 0 : i32
    %dma_wait3A_368 = tpu.memref_slice %arg7[%dma_wait3A_347, %dma_wait3A_366, %dma_wait3A_367] : memref<4x200x128xf32, #tpu.memory_space<vmem>> -> memref<1x200x128xf32, #tpu.memory_space<vmem>>
    %dma_wait3A_369 = tpu.memref_squeeze %dma_wait3A_368 : memref<1x200x128xf32, #tpu.memory_space<vmem>> -> memref<200x128xf32, #tpu.memory_space<vmem>>
    %dma_wait3A_370 = arith.constant 50 : i32
    %dma_wait3A_371 = arith.constant 0 : i32
    %dma_wait3A_372 = tpu.memref_slice %dma_wait3A_369[%dma_wait3A_370, %dma_wait3A_371] : memref<200x128xf32, #tpu.memory_space<vmem>> -> memref<50x128xf32, #tpu.memory_space<vmem>>
    tpu.wait_dma2 semaphore(%dma_wait3A_361 : memref<!tpu.dma_semaphore, #tpu.memory_space<semaphore_mem>>) src(%dma_wait3A_372 : memref<50x128xf32, #tpu.memory_space<vmem>>) dst(%dma_wait3A_365 : memref<50x128xf32, #tpu.memory_space<hbm>>)
    %dma_wait3A_373 = arith.constant 3 : i32
    %dma_wait3A_374 = arith.constant 3 : i32
    %dma_wait3A_375 = arith.constant 0 : i32
    %dma_wait3A_376 = arith.constant 0 : i32
    %dma_wait3A_377 = tpu.memref_slice %arg7[%dma_wait3A_373, %dma_wait3A_375, %dma_wait3A_376] : memref<4x200x128xf32, #tpu.memory_space<vmem>> -> memref<1x200x128xf32, #tpu.memory_space<vmem>>
    %dma_wait3A_378 = tpu.memref_squeeze %dma_wait3A_377 : memref<1x200x128xf32, #tpu.memory_space<vmem>> -> memref<200x128xf32, #tpu.memory_space<vmem>>
    %dma_wait3A_379 = arith.constant 100 : i32
    %dma_wait3A_380 = arith.constant 0 : i32
    %dma_wait3A_381 = tpu.memref_slice %dma_wait3A_378[%dma_wait3A_379, %dma_wait3A_380] : memref<200x128xf32, #tpu.memory_space<vmem>> -> memref<50x128xf32, #tpu.memory_space<vmem>>
    %dma_wait3A_382 = arith.constant 0 : i32
    %dma_wait3A_383 = arith.constant 0 : i32
    %dma_wait3A_384 = tpu.memref_slice %arg4[%mul3A_2, %dma_wait3A_382, %dma_wait3A_383] : memref<16384x50x128xf32, #tpu.memory_space<hbm>> -> memref<1x50x128xf32, #tpu.memory_space<hbm>>
    %dma_wait3A_385 = tpu.memref_squeeze %dma_wait3A_384 : memref<1x50x128xf32, #tpu.memory_space<hbm>> -> memref<50x128xf32, #tpu.memory_space<hbm>>
    %dma_wait3A_386 = tpu.memref_slice %arg9[%dma_wait3A_374] : memref<4x!tpu.dma_semaphore, #tpu.memory_space<semaphore_mem>> -> memref<1x!tpu.dma_semaphore, #tpu.memory_space<semaphore_mem>>
    %dma_wait3A_387 = tpu.memref_squeeze %dma_wait3A_386 : memref<1x!tpu.dma_semaphore, #tpu.memory_space<semaphore_mem>> -> memref<!tpu.dma_semaphore, #tpu.memory_space<semaphore_mem>>
    %dma_wait3A_388 = arith.constant 0 : i32
    %dma_wait3A_389 = arith.constant 0 : i32
    %dma_wait3A_390 = tpu.memref_slice %arg4[%mul3A_2, %dma_wait3A_388, %dma_wait3A_389] : memref<16384x50x128xf32, #tpu.memory_space<hbm>> -> memref<1x50x128xf32, #tpu.memory_space<hbm>>
    %dma_wait3A_391 = tpu.memref_squeeze %dma_wait3A_390 : memref<1x50x128xf32, #tpu.memory_space<hbm>> -> memref<50x128xf32, #tpu.memory_space<hbm>>
    %dma_wait3A_392 = arith.constant 0 : i32
    %dma_wait3A_393 = arith.constant 0 : i32
    %dma_wait3A_394 = tpu.memref_slice %arg7[%dma_wait3A_373, %dma_wait3A_392, %dma_wait3A_393] : memref<4x200x128xf32, #tpu.memory_space<vmem>> -> memref<1x200x128xf32, #tpu.memory_space<vmem>>
    %dma_wait3A_395 = tpu.memref_squeeze %dma_wait3A_394 : memref<1x200x128xf32, #tpu.memory_space<vmem>> -> memref<200x128xf32, #tpu.memory_space<vmem>>
    %dma_wait3A_396 = arith.constant 100 : i32
    %dma_wait3A_397 = arith.constant 0 : i32
    %dma_wait3A_398 = tpu.memref_slice %dma_wait3A_395[%dma_wait3A_396, %dma_wait3A_397] : memref<200x128xf32, #tpu.memory_space<vmem>> -> memref<50x128xf32, #tpu.memory_space<vmem>>
    tpu.wait_dma2 semaphore(%dma_wait3A_387 : memref<!tpu.dma_semaphore, #tpu.memory_space<semaphore_mem>>) src(%dma_wait3A_398 : memref<50x128xf32, #tpu.memory_space<vmem>>) dst(%dma_wait3A_391 : memref<50x128xf32, #tpu.memory_space<hbm>>)
    %dma_wait3A_399 = arith.constant 3 : i32
    %dma_wait3A_400 = arith.constant 3 : i32
    %dma_wait3A_401 = arith.constant 0 : i32
    %dma_wait3A_402 = arith.constant 0 : i32
    %dma_wait3A_403 = tpu.memref_slice %arg7[%dma_wait3A_399, %dma_wait3A_401, %dma_wait3A_402] : memref<4x200x128xf32, #tpu.memory_space<vmem>> -> memref<1x200x128xf32, #tpu.memory_space<vmem>>
    %dma_wait3A_404 = tpu.memref_squeeze %dma_wait3A_403 : memref<1x200x128xf32, #tpu.memory_space<vmem>> -> memref<200x128xf32, #tpu.memory_space<vmem>>
    %dma_wait3A_405 = arith.constant 150 : i32
    %dma_wait3A_406 = arith.constant 0 : i32
    %dma_wait3A_407 = tpu.memref_slice %dma_wait3A_404[%dma_wait3A_405, %dma_wait3A_406] : memref<200x128xf32, #tpu.memory_space<vmem>> -> memref<50x128xf32, #tpu.memory_space<vmem>>
    %dma_wait3A_408 = arith.constant 0 : i32
    %dma_wait3A_409 = arith.constant 0 : i32
    %dma_wait3A_410 = tpu.memref_slice %arg4[%mul3A_2, %dma_wait3A_408, %dma_wait3A_409] : memref<16384x50x128xf32, #tpu.memory_space<hbm>> -> memref<1x50x128xf32, #tpu.memory_space<hbm>>
    %dma_wait3A_411 = tpu.memref_squeeze %dma_wait3A_410 : memref<1x50x128xf32, #tpu.memory_space<hbm>> -> memref<50x128xf32, #tpu.memory_space<hbm>>
    %dma_wait3A_412 = tpu.memref_slice %arg9[%dma_wait3A_400] : memref<4x!tpu.dma_semaphore, #tpu.memory_space<semaphore_mem>> -> memref<1x!tpu.dma_semaphore, #tpu.memory_space<semaphore_mem>>
    %dma_wait3A_413 = tpu.memref_squeeze %dma_wait3A_412 : memref<1x!tpu.dma_semaphore, #tpu.memory_space<semaphore_mem>> -> memref<!tpu.dma_semaphore, #tpu.memory_space<semaphore_mem>>
    %dma_wait3A_414 = arith.constant 0 : i32
    %dma_wait3A_415 = arith.constant 0 : i32
    %dma_wait3A_416 = tpu.memref_slice %arg4[%mul3A_2, %dma_wait3A_414, %dma_wait3A_415] : memref<16384x50x128xf32, #tpu.memory_space<hbm>> -> memref<1x50x128xf32, #tpu.memory_space<hbm>>
    %dma_wait3A_417 = tpu.memref_squeeze %dma_wait3A_416 : memref<1x50x128xf32, #tpu.memory_space<hbm>> -> memref<50x128xf32, #tpu.memory_space<hbm>>
    %dma_wait3A_418 = arith.constant 0 : i32
    %dma_wait3A_419 = arith.constant 0 : i32
    %dma_wait3A_420 = tpu.memref_slice %arg7[%dma_wait3A_399, %dma_wait3A_418, %dma_wait3A_419] : memref<4x200x128xf32, #tpu.memory_space<vmem>> -> memref<1x200x128xf32, #tpu.memory_space<vmem>>
    %dma_wait3A_421 = tpu.memref_squeeze %dma_wait3A_420 : memref<1x200x128xf32, #tpu.memory_space<vmem>> -> memref<200x128xf32, #tpu.memory_space<vmem>>
    %dma_wait3A_422 = arith.constant 150 : i32
    %dma_wait3A_423 = arith.constant 0 : i32
    %dma_wait3A_424 = tpu.memref_slice %dma_wait3A_421[%dma_wait3A_422, %dma_wait3A_423] : memref<200x128xf32, #tpu.memory_space<vmem>> -> memref<50x128xf32, #tpu.memory_space<vmem>>
    tpu.wait_dma2 semaphore(%dma_wait3A_413 : memref<!tpu.dma_semaphore, #tpu.memory_space<semaphore_mem>>) src(%dma_wait3A_424 : memref<50x128xf32, #tpu.memory_space<vmem>>) dst(%dma_wait3A_417 : memref<50x128xf32, #tpu.memory_space<hbm>>)
    return
  }
}

</mosaic_0001>

<sc_bundles>
// kernel: kernel.3.cloned.1.call-start
scs
__scs_entry_jumppad:
0x0: {  	(pc) =	sbr.rel $0x88, $3  }
0x1: {  	(tag) =	ssettag $0x0;
	lr =	simm.s32 $0x1  }
0x2: {  	[smem:$0x3F9F] =	sst lr;
	_ =	strace $0xD0000000  }
0x3: {  	_ = 	snop  }
0x4: {  	_ = 	snop  }
0x5: {  	_ = 	snop  }
0x6: {  	_ = 	snop  }
0x7: {  	_ = 	snop  }
__scs_overlays_trampoline_lowered:
0x8: {  	[smem:$0x3FAE] =	sst s0  }
0x9: {  	[smem:$0x3FAF] =	sst s1  }
0xa: {  	[smem:$0x3FB0] =	sst s2  }
0xb: {  	[smem:$0x3FB1] =	sst s3  }
0xc: {  	[smem:$0x3FB2] =	sst s4  }
0xd: {  	[smem:$0x3FB3] =	sst s5  }
0xe: {  	[smem:$0x3FB4] =	sst s6  }
0xf: {  	[smem:$0x3FB5] =	sst s7  }
0x10: {  	[smem:$0x3FB6] =	sst s8  }
0x11: {  	[smem:$0x3FB7] =	sst s9;
	s0 =	simm.s32 @!p0 $0x0  }
0x12: {  	s1 =	sld [smem:$0x3F9D];
	s0 =	simm.s32 @p0 $0x1  }
0x13: {  	[smem:$0x3FB8] =	sst s0;
	s0 =	simm.s32 @!p1 $0x0  }
0x14: {  	s2 =	sld [smem:$0x3F9C];
	s0 =	simm.s32 @p1 $0x1  }
0x15: {  	[smem:$0x3FB9] =	sst s0;
	s0 =	simm.s32 @!p2 $0x0  }
0x16: {  	s3 =	sld [smem:$0x3FDB];
	s0 =	simm.s32 @p2 $0x1  }
0x17: {  	s4 =	simm.s32 $0x1BF5;
	[smem:$0x3FBB] =	sst s0  }
0x18: {  	s0 =	sld [smem:$0x3F9E];
	_ =	swait.ge [sflag:s4], $0x0  }
0x19: {  	s7 =	sld [smem:$0x3F9F]  }
0x1a: {  	s8 =	sadd.s32 $0xFFFFE003, lr  }
0x1b: {  	s9 =	sadd.s32 $0xFFFFFEF7, lr;
	s5 =	simm.s32 $0xFFFFFFFF;
	p2 =	slt.u32 s8, $0xFFFFF086  }
0x1c: {  	p1 =	slt.u32 s9, $0xF7A;
	s5 =	simm.s32 @!p2 $0x0  }
0x1d: {  	s5 =	simm.s32 @p1 $0x1;
	p0 =	seq.s32 s7, s2  }
0x1e: {  	s7 =	smul.u32 @!p0 $0xF7A, s2;
	p2 =	seq.s32 @!p0 s5, $0x0  }
0x1f: {  	s9 =	smul.u32 $0xF7A, s1;
	s8 =	simm.s32 @!p0 $0x1BF5;
	p2 =	por !p2, p0  }
0x20: {  	[sflag:s8] =	ssyncset.s32 @!p0 $0xFFFFF086;
	s6 =	sadd.s32 @!p0 s3, s7;
	s7 =	simm.s32 @!p0 $0x108  }
0x21: {  	s3 =	sadd.s32 s3, s9;
	s6 =	sadd.s32 @!p0 $0x88, s6;
	s7 =	simm.s32 @p2 $0x1082  }
0x22: {  	[simem:s7], [sflag:s8] =	dma.local @!p0 [hbm:s6], $0xF7A  }
0x23: {  	s9 =	sor.u32 $0xD0000000, s2;
	s6 =	simm.s32 $0x108;
	_ =	swait.ge @!p0 [sflag:s8], $0x0  }
0x24: {  	s3 =	sadd.s32 $0x88, s3;
	s6 =	simm.s32 @!p1 $0x1082;
	[sflag:s4] =	ssyncset.s32 $0xFFFFF086  }
0x25: {  	[simem:s6], [sflag:s4] =	dma.local [hbm:s3], $0xF7A  }
0x26: {  	[smem:$0x3F9F] =	sst s1;
	(tag) =	ssettag s2;
	_ =	strace s9  }
0x27: {  	s1 =	sld [smem:$0x3FAF]  }
0x28: {  	s2 =	sld [smem:$0x3FB0]  }
0x29: {  	s4 =	sld [smem:$0x3FB2]  }
0x2a: {  	p0 =	seq.s32 s5, $0x0;
	s5 =	sld [smem:$0x3FB3]  }
0x2b: {  	s6 =	sld [smem:$0x3FB4]  }
0x2c: {  	s7 =	sld [smem:$0x3FB5]  }
0x2d: {  	s3 =	simm.s32 $0x108;
	s8 =	sld [smem:$0x3FB6]  }
0x2e: {  	s3 =	simm.s32 @!p0 $0x1082;
	s9 =	sld [smem:$0x3FB7]  }
0x2f: {  	lr =	sadd.s32 s0, s3;
	s0 =	sld [smem:$0x3FAE]  }
0x30: {  	s3 =	sld [smem:$0x3FB1]  }
0x31: {  	[smem:$0x3FBA] =	sst s10  }
0x32: {  	s10 =	sld [smem:$0x3FB8];
	_ =	sdelay $0x3  }
0x33: {  	p0 =	seq.s32 s10, $0x1;
	s10 =	sld [smem:$0x3FBA];
	_ =	sdelay $0x3  }
0x34: {  	[smem:$0x3FBA] =	sst s10  }
0x35: {  	s10 =	sld [smem:$0x3FB9];
	_ =	sdelay $0x3  }
0x36: {  	p1 =	seq.s32 s10, $0x1;
	s10 =	sld [smem:$0x3FBA];
	_ =	sdelay $0x3  }
0x37: {  	[smem:$0x3FBA] =	sst s10  }
0x38: {  	s10 =	sld [smem:$0x3FBB]  }
0x39: {  	_ = 	snop;
	(pc) =	sbr.ind lr, $3  }
0x3a: {  	_ = 	snop  }
0x3b: {  	_ = 	snop  }
0x3c: {  	p2 =	seq.s32 s10, $0x1;
	s10 =	sld [smem:$0x3FBA]  }
0x3d: {  	_ =	shalt  }
0x3e: {  	_ =	shalt  }
0x3f: {  	_ =	shalt  }
0x40: {  	_ =	shalt  }
0x41: {  	_ =	shalt  }
0x42: {  	_ =	shalt  }
0x43: {  	_ =	shalt  }
0x44: {  	_ =	shalt  }
0x45: {  	_ =	shalt  }
0x46: {  	_ =	shalt  }
0x47: {  	_ =	shalt  }
0x48: {  	_ =	shalt  }
0x49: {  	_ =	shalt  }
0x4a: {  	_ =	shalt  }
0x4b: {  	_ =	shalt  }
0x4c: {  	_ =	shalt  }
0x4d: {  	_ =	shalt  }
0x4e: {  	_ =	shalt  }
0x4f: {  	_ =	shalt  }
0x50: {  	_ =	shalt  }
0x51: {  	_ =	shalt  }
0x52: {  	_ =	shalt  }
0x53: {  	_ =	shalt  }
0x54: {  	_ =	shalt  }
0x55: {  	_ =	shalt  }
0x56: {  	_ =	shalt  }
0x57: {  	_ =	shalt  }
0x58: {  	_ =	shalt  }
0x59: {  	_ =	shalt  }
0x5a: {  	_ =	shalt  }
0x5b: {  	_ =	shalt  }
0x5c: {  	_ =	shalt  }
0x5d: {  	_ =	shalt  }
0x5e: {  	_ =	shalt  }
0x5f: {  	_ =	shalt  }
0x60: {  	_ =	shalt  }
0x61: {  	_ =	shalt  }
0x62: {  	_ =	shalt  }
0x63: {  	_ =	shalt  }
0x64: {  	_ =	shalt  }
0x65: {  	_ =	shalt  }
0x66: {  	_ =	shalt  }
0x67: {  	_ =	shalt  }
0x68: {  	_ =	shalt  }
0x69: {  	_ =	shalt  }
0x6a: {  	_ =	shalt  }
0x6b: {  	_ =	shalt  }
0x6c: {  	_ =	shalt  }
0x6d: {  	_ =	shalt  }
0x6e: {  	_ =	shalt  }
0x6f: {  	_ =	shalt  }
0x70: {  	_ =	shalt  }
0x71: {  	_ =	shalt  }
0x72: {  	_ =	shalt  }
0x73: {  	_ =	shalt  }
0x74: {  	_ =	shalt  }
0x75: {  	_ =	shalt  }
0x76: {  	_ =	shalt  }
0x77: {  	_ =	shalt  }
0x78: {  	_ =	shalt  }
0x79: {  	_ =	shalt  }
0x7a: {  	_ =	shalt  }
0x7b: {  	_ =	shalt  }
0x7c: {  	_ =	shalt  }
0x7d: {  	_ =	shalt  }
0x7e: {  	_ =	shalt  }
0x7f: {  	_ =	shalt  }
0x80: {  	_ =	shalt  }
0x81: {  	_ =	shalt  }
0x82: {  	_ =	shalt  }
0x83: {  	_ =	shalt  }
0x84: {  	_ =	shalt  }
0x85: {  	_ =	shalt  }
0x86: {  	_ =	shalt  }
0x87: {  	_ =	shalt  }
.Lfunc_end0:
.L_simem_size_0:
called_computation_lowered:
.L_overlay_start_0:
0x88: {  	s2 =	sld [smem:$0x3FD9]  }
0x89: {  	s3 =	sld [smem:$0x3FFE];
	_ =	sdelay $0x1  }
0x8a: {  	s1 =	srdreg.scid  }
0x8b: {  	s0 =	sand.u32 $0x1, s1  }
0x8c: {  	s17 =	sshll.u32 s0, $0xA;
	s2 =	sadd.s32 s3, s2  }
0x8d: {  	s2 =	sadd.s32 s2, s17  }
0x8e: {  	[smem:$0x3FC6] =	sst s2  }
0x8f: {  	_ = 	snop  }
0x90: {  	s2 =	sld [smem:$0x3FC8]  }
0x91: {  	s18 =	sld [smem:$0x3FD0];
	(tm) =	ssettm $0x1  }
0x92: {  	s4 =	sld [smem:$0x3FFB];
	_ =	sdelay $0x3  }
0x93: {  	_ =	strace s4  }
0x94: {  	s4 =	sld [smem:$0x3FFC];
	_ =	sdelay $0x3  }
0x95: {  	_ =	strace s4  }
0x96: {  	s4 =	sld [smem:$0x3FFD];
	_ =	sdelay $0x3  }
0x97: {  	_ =	strace s4  }
0x98: {  	_ =	strace $0x8FFFFFFF  }
0x99: {  	s19 =	sld [smem:$0x3FDB];
	_ =	sdelay $0x1  }
0x9a: {  	s5 =	simm.s32 $_scs_section_size  }
0x9b: {  	s6 =	simm.s32 $_size__tile_overlayer_lowered;
	s7 =	simm.s32 $_tile_overlayer_lowered  }
0x9c: {  	s22 =	simm.s32 $0x1BFF;
	s21 =	sshll.u32 s7, $0x1;
	s4 =	sadd.s32 s5, s19  }
0x9d: {  	s8 =	simm.s32 $0x0;
	s20 =	sshll.u32 s6, $0x1;
	s6 =	sadd.s32 s21, s4  }
0x9e: {  	[timem:s8], [sflag:s22] =	dma.local [hbm:s6], s20  }
0x9f: {  	_ =	swait.ge [sflag:s22], s20  }
0xa0: {  	s5 =	ssub.s32 $0x0, s20;
	[sflag:s22] =	ssyncset.done $0x0  }
0xa1: {  	[sflag:s22] =	ssyncadd.s32 s5;
	_ =	sdelay $0x1  }
0xa2: {  	s23 =	simm.s32 $0x1B8B  }
0xa3: {  	_ =	swait.ge [sflag:s23], $0x1  }
0xa4: {  	[sflag:s23] =	ssyncset.done $0x0  }
0xa5: {  	s25 =	simm.s32 $0x1B8E;
	s24 =	sld [smem:$0x3FFE];
	[sflag:s23] =	ssyncadd.s32 $0xFFFFFFFF  }
0xa6: {  	s26 =	simm.s32 $execute0_lowered;
	[smem:$0x3FD2] =	sst s25  }
0xa7: {  	s6 =	sshll.u32 s26, $0x1;
	_ =	strace $0x80000046;
	[dreg:$0x1] =	wrdreg $0xFFFFFFFF  }
0xa8: {  	s28 =	simm.s32 $_size_execute0_lowered;
	s4 =	sadd.s32 s4, s6;
	[dreg:$0x0] =	wrdreg $0x0  }
0xa9: {  	s6 =	sshll.u32 s28, $0x1;
	[dreg:$0x2] =	wrdreg s4  }
0xaa: {  	[dreg:$0x3] =	wrdreg s6  }
0xab: {  	[dreg:$0x4] =	wrdreg $0xC0  }
0xac: {  	_ =	task [dreg:s8], $0x5FFFF  }
0xad: {  	[dreg:$0x1] =	wrdreg $0xFFFFFFFF  }
0xae: {  	[dreg:$0x0] =	wrdreg $0x60  }
0xaf: {  	[dreg:$0x2] =	wrdreg s18  }
0xb0: {  	[dreg:$0x3] =	wrdreg s2  }
0xb1: {  	[dreg:$0x4] =	wrdreg s24  }
0xb2: {  	[dreg:$0x5] =	wrdreg $0x9  }
0xb3: {  	_ =	task.clear_ibuf [dreg:s8], $0x6FFFF;
	_ =	strace $0x90000046  }
0xb4: {  	s29 =	simm.s32 $0x9;
	_ =	strace $0x80000048  }
0xb5: {  	_ =	swait.ge [sflag:s29], $0x1  }
0xb6: {  	[sflag:s29] =	ssyncadd.s32 $0xFFFFFFFF  }
0xb7: {  	_ =	strace $0x90000048  }
0xb8: {  	_ =	sfence  }
0xb9: {  	s30 =	sld [smem:$0x0];
	_ =	sdelay $0x2  }
0xba: {  	s31 =	sshll.u32 s1, $0xD;
	s1 =	sshrl.u32 s1, $0x2  }
0xbb: {  	s3 =	sand.u32 $0x4000, s31;
	s1 =	sadd.s32 s1, s30  }
0xbc: {  	s0 =	sor.u32 s3, s0;
	s1 =	sshll.u32 s1, $0x11  }
0xbd: {  	s0 =	sor.u32 s1, s0  }
0xbe: {  	s0 =	sadd.s32 $0x8F2B, s0  }
0xbf: {  	[sflag:s0] =	ssyncadd.remote.s32 $0x1  }
0xc0: {  	_ =	sfence.sel $0xFFFF  }
0xc1: {  	[dreg:$0x0] =	wrdreg $0xFFFFFFFF;
	(pc) =	sbr.abs _section_cstart, $3  }
0xc2: {  	[dreg:$0x1] =	wrdreg $0xFFFFFFFF  }
0xc3: {  	_ =	task.clear_ibuf [dreg:s8], $0x2FFFF;
	_ =	strace $0x9FFFFFFF  }
0xc4: {  	(tm) =	ssettm $0x7FFFFFFF  }
0xc5: {  	_ =	shalt  }
tec
execute0_lowered:
.L_overlay_start_1:
0x0: {  	(tag) =	ssettag $0x1  }
0x1: {  	s6 =	rddreg [dreg:$0x0]  }
0x2: {  	s2 =	rddreg [dreg:$0x1]  }
0x3: {  	s4 =	rddreg [dreg:$0x2]  }
0x4: {  	s0 =	rddreg [dreg:$0x3]  }
0x5: {  	s5 =	srdreg.scid;
	s1 =	stileid.u32  }
0x6: {  	s3 =	simm.s32 $0x0;
	s10 =	simm.s32 $0x2;
	s11 =	simm.s32 $0x3  }
0x7: {  	v3 =	vimm.s32 $0x0;
	s12 =	simm.s32 $0x4;
	s13 =	simm.s32 $0x5;
	s14 =	simm.s32 $0x0  }
0x8: {  	v4 =	vimm.s32 $0x1;
	v5 =	vimm.s32 $0x2;
	v6 =	vimm.s32 $0x3;
	s5 =	sand.u32 $0x1, s5;
	s7 =	sshll.u32 s1, $0x1;
	[smem:$0x7FF] =	sst s3  }
0x9: {  	v7 =	vimm.s32 $0x4;
	v14 =	vimm.s32 $0x5;
	v43 =	vimm.s32 $0x6;
	s4 =	sadd.s32 $0x400, s4;
	s8 =	ssub.s32 $0x2, s5;
	s5 =	sor.u32 s5, s7  }
0xa: {  	v44 =	vimm.s32 $0x7;
	v45 =	vimm.s32 $0x8;
	v50 =	vimm.s32 $0x9;
	_ =	strace $0x80000047;
	s31 =	sshrl.u32 s8, $0x1;
	s9 =	smul.u32 $0xC80, s5  }
0xb: {  	v52 =	vimm.s32 $0xA;
	v2 =	vimm.s32 $0xB;
	v8 =	vimm.s32 $0xC;
	s5 =	sshll.u32 s5, $0x9;
	s7 =	ssub.s32 s8, s31;
	s8 =	simm.s32 $0x1  }
0xc: {  	v9 =	vimm.s32 $0xD;
	v10 =	vimm.s32 $0xE;
	v11 =	vimm.s32 $0xF;
	s6 =	sadd.s32 s6, s9;
	s7 =	smax.u32 s7, $0x1;
	s9 =	simm.s32 $0x6  }
.LBB2_1:
0xd: {  	[tilespmem:s3], [sflag:$0x1] =	stream.linear.gather [hbm4b:s2+s3], $0x100, $0x38;
	[tilespmem:$0x1F580] =	vst v63  }
0xe: {  	_ =	swait.ge [sflag:s8], $0x100  }
0xf: {  	[sflag:s8] =	ssyncset.done $0x0  }
0x10: {  	s15 =	simm.s32 $0x100;
	[sflag:s8] =	ssyncadd.s32 $0xFFFFFF00  }
0x11: {  	[tilespmem:s15], [sflag:$0x6] =	stream.linear.gather [hbm4b:s6+s3], $0x6400, $0x38;
	[tilespmem:$0x1F580] =	vst v63  }
0x12: {  	_ =	swait.ge [sflag:s9], $0x6400  }
0x13: {  	[sflag:s9] =	ssyncset.done $0x0  }
0x14: {  	s16 =	simm.s32 $0x0;
	s17 =	simm.s32 $0x0;
	[sflag:s9] =	ssyncadd.s32 $0xFFFF9C00  }
.LBB2_2:
0x15: {  	s18 =	sand.u32 $0x3, s17;
	p0 =	slt.u32 s17, $0x4  }
0x16: {  	s19 =	sadd.s32 @!p0 $0x2, s18  }
0x17: {  	_ =	swait.ge @!p0 [sflag:s19], $0x1900  }
0x18: {  	[sflag:s19] =	ssyncset.done @!p0 $0x0  }
0x19: {  	[sflag:s19] =	ssyncadd.s32 @!p0 $0xFFFFE700  }
0x1a: {  	_ =	swait.ge @!p0 [sflag:s19], $0x1900  }
0x1b: {  	[sflag:s19] =	ssyncset.done @!p0 $0x0  }
0x1c: {  	[sflag:s19] =	ssyncadd.s32 @!p0 $0xFFFFE700  }
0x1d: {  	_ =	swait.ge @!p0 [sflag:s19], $0x1900  }
0x1e: {  	[sflag:s19] =	ssyncset.done @!p0 $0x0  }
0x1f: {  	[sflag:s19] =	ssyncadd.s32 @!p0 $0xFFFFE700  }
0x20: {  	_ =	swait.ge @!p0 [sflag:s19], $0x1900  }
0x21: {  	[sflag:s19] =	ssyncset.done @!p0 $0x0  }
0x22: {  	[sflag:s19] =	ssyncadd.s32 @!p0 $0xFFFFE700  }
0x23: {  	v23 =	vld [tilespmem:$0x0]  }
0x24: {  	v22 =	vld [tilespmem:$0x10]  }
0x25: {  	v0 =	vmov s15;
	v21 =	vld [tilespmem:$0x20]  }
0x26: {  	v19 =	vld [tilespmem:$0x30]  }
0x27: {  	v20 =	vld [tilespmem:$0x40]  }
0x28: {  	v18 =	vld [tilespmem:$0x50]  }
0x29: {  	s29 =	simm.s32 $0x0;
	v17 =	vld [tilespmem:$0x60]  }
0x2a: {  	v33 =	vld.idx.msk [tilespmem:v0+s29+$0x0 ss:$0x1], $0xffff  }
0x2b: {  	v16 =	vld [tilespmem:$0x70]  }
0x2c: {  	v31 =	vld [tilespmem:$0x80]  }
0x2d: {  	v30 =	vld [tilespmem:$0x90]  }
0x2e: {  	s30 =	sand.u32 $0x3, s16;
	v27 =	vld [tilespmem:$0xA0]  }
0x2f: {  	[tilespmem:$0x1FFF0] =	vst v0;
	s19 =	smul.u32 $0x19000, s30;
	v28 =	vld [tilespmem:$0xB0];
	v0 =	vperm.xlane v33, v3  }
0x30: {  	v29 =	vld [tilespmem:$0xC0]  }
0x31: {  	v26 =	vld [tilespmem:$0xD0];
	s19 =	sshrl.u32 s19, $0x2;
	vm0 =	veq.s32 v0, $0x0  }
0x32: {  	v24 =	vld [tilespmem:$0xE0];
	s21 =	sadd.s32 $0x6980, s19;
	v0 =	vsel vm0, v23, v31  }
0x33: {  	v25 =	vld [tilespmem:$0xF0];
	v1 =	vsel vm0, v22, v30;
	[tilespmem:s21+$0xFFFFFC00] =	vst v0  }
0x34: {  	v0 =	vsel vm0, v21, v27;
	[tilespmem:s21+$0xFFFFFC10] =	vst v1  }
0x35: {  	v1 =	vsel vm0, v19, v28;
	[tilespmem:s21+$0xFFFFFC20] =	vst v0  }
0x36: {  	v0 =	vsel vm0, v20, v29;
	[tilespmem:s21+$0xFFFFFC30] =	vst v1  }
0x37: {  	v1 =	vperm.xlane v33, v4;
	[tilespmem:s21+$0xFFFFFC40] =	vst v0;
	v0 =	vsel vm0, v18, v26  }
0x38: {  	[tilespmem:s21+$0xFFFFFC50] =	vst v0;
	v0 =	vsel vm0, v17, v24  }
0x39: {  	vm1 =	veq.s32 v1, $0x0;
	v1 =	vsel vm0, v16, v25;
	[tilespmem:s21+$0xFFFFFC60] =	vst v0  }
0x3a: {  	v0 =	vsel vm1, v23, v31;
	[tilespmem:s21+$0xFFFFFC70] =	vst v1  }
0x3b: {  	v1 =	vsel vm1, v22, v30;
	[tilespmem:s21+$0xFFFFFC80] =	vst v0  }
0x3c: {  	v0 =	vsel vm1, v21, v27;
	[tilespmem:s21+$0xFFFFFC90] =	vst v1  }
0x3d: {  	v1 =	vsel vm1, v19, v28;
	[tilespmem:s21+$0xFFFFFCA0] =	vst v0  }
0x3e: {  	v0 =	vsel vm1, v20, v29;
	[tilespmem:s21+$0xFFFFFCB0] =	vst v1  }
0x3f: {  	v1 =	vperm.xlane v33, v5;
	[tilespmem:s21+$0xFFFFFCC0] =	vst v0;
	v0 =	vsel vm1, v18, v26  }
0x40: {  	[tilespmem:s21+$0xFFFFFCD0] =	vst v0;
	v0 =	vsel vm1, v17, v24  }
0x41: {  	vm14 =	veq.s32 v1, $0x0;
	v1 =	vsel vm1, v16, v25;
	[tilespmem:s21+$0xFFFFFCE0] =	vst v0  }
0x42: {  	v0 =	vsel vm14, v23, v31;
	[tilespmem:s21+$0xFFFFFCF0] =	vst v1  }
0x43: {  	v1 =	vsel vm14, v22, v30;
	[tilespmem:s21+$0xFFFFFD00] =	vst v0  }
0x44: {  	v0 =	vsel vm14, v21, v27;
	[tilespmem:s21+$0xFFFFFD10] =	vst v1  }
0x45: {  	v1 =	vsel vm14, v19, v28;
	[tilespmem:s21+$0xFFFFFD20] =	vst v0  }
0x46: {  	v0 =	vsel vm14, v20, v29;
	[tilespmem:s21+$0xFFFFFD30] =	vst v1  }
0x47: {  	v1 =	vperm.xlane v33, v6;
	[tilespmem:s21+$0xFFFFFD40] =	vst v0;
	v0 =	vsel vm14, v18, v26  }
0x48: {  	[tilespmem:s21+$0xFFFFFD50] =	vst v0;
	v0 =	vsel vm14, v17, v24  }
0x49: {  	vm15 =	veq.s32 v1, $0x0;
	v1 =	vsel vm14, v16, v25;
	[tilespmem:s21+$0xFFFFFD60] =	vst v0  }
0x4a: {  	v0 =	vsel vm15, v23, v31;
	[tilespmem:s21+$0xFFFFFD70] =	vst v1  }
0x4b: {  	v1 =	vsel vm15, v22, v30;
	[tilespmem:s21+$0xFFFFFD80] =	vst v0  }
0x4c: {  	v0 =	vsel vm15, v21, v27;
	[tilespmem:s21+$0xFFFFFD90] =	vst v1  }
0x4d: {  	v1 =	vsel vm15, v19, v28;
	[tilespmem:s21+$0xFFFFFDA0] =	vst v0  }
0x4e: {  	v0 =	vsel vm15, v20, v29;
	[tilespmem:s21+$0xFFFFFDB0] =	vst v1  }
0x4f: {  	v1 =	vperm.xlane v33, v7;
	[tilespmem:s21+$0xFFFFFDC0] =	vst v0;
	v0 =	vsel vm15, v18, v26  }
0x50: {  	[tilespmem:s21+$0xFFFFFDD0] =	vst v0;
	v0 =	vsel vm15, v17, v24  }
0x51: {  	vm4 =	veq.s32 v1, $0x0;
	v1 =	vsel vm15, v16, v25;
	[tilespmem:s21+$0xFFFFFDE0] =	vst v0  }
0x52: {  	v0 =	vsel vm4, v23, v31;
	[tilespmem:s21+$0xFFFFFDF0] =	vst v1  }
0x53: {  	v1 =	vsel vm4, v22, v30;
	[tilespmem:s21+$0xFFFFFE00] =	vst v0  }
0x54: {  	v0 =	vsel vm4, v21, v27;
	[tilespmem:s21+$0xFFFFFE10] =	vst v1  }
0x55: {  	v1 =	vsel vm4, v19, v28;
	[tilespmem:s21+$0xFFFFFE20] =	vst v0  }
0x56: {  	v0 =	vsel vm4, v20, v29;
	[tilespmem:s21+$0xFFFFFE30] =	vst v1  }
0x57: {  	v1 =	vperm.xlane v33, v14;
	[tilespmem:s21+$0xFFFFFE40] =	vst v0;
	v0 =	vsel vm4, v18, v26  }
0x58: {  	[tilespmem:s21+$0xFFFFFE50] =	vst v0;
	v0 =	vsel vm4, v17, v24  }
0x59: {  	vm5 =	veq.s32 v1, $0x0;
	v1 =	vsel vm4, v16, v25;
	[tilespmem:s21+$0xFFFFFE60] =	vst v0  }
0x5a: {  	v0 =	vsel vm5, v23, v31;
	[tilespmem:s21+$0xFFFFFE70] =	vst v1  }
0x5b: {  	v1 =	vsel vm5, v22, v30;
	[tilespmem:s21+$0xFFFFFE80] =	vst v0  }
0x5c: {  	v0 =	vsel vm5, v21, v27;
	[tilespmem:s21+$0xFFFFFE90] =	vst v1  }
0x5d: {  	v1 =	vsel vm5, v19, v28;
	[tilespmem:s21+$0xFFFFFEA0] =	vst v0  }
0x5e: {  	v0 =	vsel vm5, v20, v29;
	[tilespmem:s21+$0xFFFFFEB0] =	vst v1  }
0x5f: {  	v1 =	vsel vm5, v18, v26;
	[tilespmem:s21+$0xFFFFFEC0] =	vst v0;
	v0 =	vperm.xlane v33, v43  }
0x60: {  	[tilespmem:s21+$0xFFFFFED0] =	vst v1;
	v1 =	vsel vm5, v17, v24  }
0x61: {  	[tilespmem:s21+$0xFFFFFEE0] =	vst v1;
	vm6 =	veq.s32 v0, $0x0;
	v0 =	vsel vm5, v16, v25  }
0x62: {  	v1 =	vsel vm6, v23, v31;
	[tilespmem:s21+$0xFFFFFEF0] =	vst v0  }
0x63: {  	v0 =	vsel vm6, v22, v30;
	[tilespmem:s21+$0xFFFFFF00] =	vst v1  }
0x64: {  	v1 =	vsel vm6, v21, v27;
	[tilespmem:s21+$0xFFFFFF10] =	vst v0  }
0x65: {  	v0 =	vsel vm6, v19, v28;
	[tilespmem:s21+$0xFFFFFF20] =	vst v1  }
0x66: {  	v1 =	vsel vm6, v20, v29;
	[tilespmem:s21+$0xFFFFFF30] =	vst v0  }
0x67: {  	v0 =	vperm.xlane v33, v44;
	[tilespmem:s21+$0xFFFFFF40] =	vst v1;
	v1 =	vsel vm6, v18, v26  }
0x68: {  	[tilespmem:s21+$0xFFFFFF50] =	vst v1;
	v1 =	vsel vm6, v17, v24  }
0x69: {  	vm7 =	veq.s32 v0, $0x0;
	v0 =	vsel vm6, v16, v25;
	[tilespmem:s21+$0xFFFFFF60] =	vst v1  }
0x6a: {  	v1 =	vsel vm7, v23, v31;
	[tilespmem:s21+$0xFFFFFF70] =	vst v0  }
0x6b: {  	v0 =	vsel vm7, v22, v30;
	[tilespmem:s21+$0xFFFFFF80] =	vst v1  }
0x6c: {  	v1 =	vsel vm7, v21, v27;
	[tilespmem:s21+$0xFFFFFF90] =	vst v0  }
0x6d: {  	v0 =	vsel vm7, v19, v28;
	[tilespmem:s21+$0xFFFFFFA0] =	vst v1  }
0x6e: {  	v1 =	vsel vm7, v20, v29;
	[tilespmem:s21+$0xFFFFFFB0] =	vst v0  }
0x6f: {  	v0 =	vperm.xlane v33, v45;
	[tilespmem:s21+$0xFFFFFFC0] =	vst v1;
	v1 =	vsel vm7, v18, v26  }
0x70: {  	[tilespmem:s21+$0xFFFFFFD0] =	vst v1;
	v1 =	vsel vm7, v17, v24  }
0x71: {  	vm8 =	veq.s32 v0, $0x0;
	v0 =	vsel vm7, v16, v25;
	[tilespmem:s21+$0xFFFFFFE0] =	vst v1  }
0x72: {  	v1 =	vsel vm8, v23, v31;
	[tilespmem:s21+$0xFFFFFFF0] =	vst v0  }
0x73: {  	v0 =	vsel vm8, v22, v30;
	[tilespmem:s21+$0x0] =	vst v1  }
0x74: {  	v1 =	vsel vm8, v21, v27;
	[tilespmem:s21+$0x10] =	vst v0  }
0x75: {  	v0 =	vsel vm8, v19, v28;
	[tilespmem:s21+$0x20] =	vst v1  }
0x76: {  	v1 =	vsel vm8, v20, v29;
	[tilespmem:s21+$0x30] =	vst v0  }
0x77: {  	v0 =	vperm.xlane v33, v50;
	[tilespmem:s21+$0x40] =	vst v1;
	v1 =	vsel vm8, v18, v26  }
0x78: {  	[tilespmem:s21+$0x50] =	vst v1;
	v1 =	vsel vm8, v17, v24  }
0x79: {  	vm9 =	veq.s32 v0, $0x0;
	v0 =	vsel vm8, v16, v25;
	[tilespmem:s21+$0x60] =	vst v1  }
0x7a: {  	v1 =	vsel vm9, v23, v31;
	[tilespmem:s21+$0x70] =	vst v0  }
0x7b: {  	v0 =	vsel vm9, v22, v30;
	[tilespmem:s21+$0x80] =	vst v1  }
0x7c: {  	v1 =	vsel vm9, v21, v27;
	[tilespmem:s21+$0x90] =	vst v0  }
0x7d: {  	v0 =	vsel vm9, v19, v28;
	[tilespmem:s21+$0xA0] =	vst v1  }
0x7e: {  	v1 =	vsel vm9, v20, v29;
	[tilespmem:s21+$0xB0] =	vst v0  }
0x7f: {  	v0 =	vperm.xlane v33, v52;
	[tilespmem:s21+$0xC0] =	vst v1;
	v1 =	vsel vm9, v18, v26  }
0x80: {  	[tilespmem:s21+$0xD0] =	vst v1;
	v1 =	vsel vm9, v17, v24  }
0x81: {  	vm10 =	veq.s32 v0, $0x0;
	v0 =	vsel vm9, v16, v25;
	[tilespmem:s21+$0xE0] =	vst v1  }
0x82: {  	v1 =	vsel vm10, v23, v31;
	[tilespmem:s21+$0xF0] =	vst v0  }
0x83: {  	v0 =	vsel vm10, v22, v30;
	[tilespmem:s21+$0x100] =	vst v1  }
0x84: {  	v1 =	vsel vm10, v21, v27;
	[tilespmem:s21+$0x110] =	vst v0  }
0x85: {  	v0 =	vsel vm10, v19, v28;
	[tilespmem:s21+$0x120] =	vst v1  }
0x86: {  	v1 =	vsel vm10, v20, v29;
	[tilespmem:s21+$0x130] =	vst v0  }
0x87: {  	v0 =	vsel vm10, v18, v26;
	[tilespmem:s21+$0x140] =	vst v1;
	v1 =	vperm.xlane v33, v2  }
0x88: {  	[tilespmem:s21+$0x150] =	vst v0;
	v0 =	vsel vm10, v17, v24  }
0x89: {  	[tilespmem:s21+$0x160] =	vst v0;
	vm11 =	veq.s32 v1, $0x0;
	v1 =	vsel vm10, v16, v25  }
0x8a: {  	v0 =	vsel vm11, v23, v31;
	[tilespmem:s21+$0x170] =	vst v1  }
0x8b: {  	v1 =	vsel vm11, v22, v30;
	[tilespmem:s21+$0x180] =	vst v0  }
0x8c: {  	v0 =	vsel vm11, v21, v27;
	[tilespmem:s21+$0x190] =	vst v1  }
0x8d: {  	v1 =	vsel vm11, v19, v28;
	[tilespmem:s21+$0x1A0] =	vst v0  }
0x8e: {  	v0 =	vsel vm11, v20, v29;
	[tilespmem:s21+$0x1B0] =	vst v1  }
0x8f: {  	v1 =	vperm.xlane v33, v8;
	[tilespmem:s21+$0x1C0] =	vst v0;
	v0 =	vsel vm11, v18, v26  }
0x90: {  	[tilespmem:s21+$0x1D0] =	vst v0;
	v0 =	vsel vm11, v17, v24  }
0x91: {  	vm12 =	veq.s32 v1, $0x0;
	v1 =	vsel vm11, v16, v25;
	[tilespmem:s21+$0x1E0] =	vst v0  }
0x92: {  	v0 =	vsel vm12, v23, v31;
	[tilespmem:s21+$0x1F0] =	vst v1  }
0x93: {  	v1 =	vsel vm12, v22, v30;
	[tilespmem:s21+$0x200] =	vst v0  }
0x94: {  	v0 =	vsel vm12, v21, v27;
	[tilespmem:s21+$0x210] =	vst v1  }
0x95: {  	v1 =	vsel vm12, v19, v28;
	[tilespmem:s21+$0x220] =	vst v0  }
0x96: {  	v0 =	vsel vm12, v20, v29;
	[tilespmem:s21+$0x230] =	vst v1  }
0x97: {  	v1 =	vperm.xlane v33, v9;
	[tilespmem:s21+$0x240] =	vst v0;
	v0 =	vsel vm12, v18, v26  }
0x98: {  	[tilespmem:s21+$0x250] =	vst v0;
	v0 =	vsel vm12, v17, v24  }
0x99: {  	vm13 =	veq.s32 v1, $0x0;
	v1 =	vsel vm12, v16, v25;
	[tilespmem:s21+$0x260] =	vst v0  }
0x9a: {  	v0 =	vsel vm13, v23, v31;
	[tilespmem:s21+$0x270] =	vst v1  }
0x9b: {  	v1 =	vsel vm13, v22, v30;
	[tilespmem:s21+$0x280] =	vst v0  }
0x9c: {  	v0 =	vsel vm13, v21, v27;
	[tilespmem:s21+$0x290] =	vst v1  }
0x9d: {  	v1 =	vsel vm13, v19, v28;
	[tilespmem:s21+$0x2A0] =	vst v0  }
0x9e: {  	v0 =	vsel vm13, v20, v29;
	[tilespmem:s21+$0x2B0] =	vst v1  }
0x9f: {  	v1 =	vperm.xlane v33, v10;
	[tilespmem:s21+$0x2C0] =	vst v0;
	v0 =	vsel vm13, v18, v26  }
0xa0: {  	[tilespmem:s21+$0x2D0] =	vst v0;
	v0 =	vsel vm13, v17, v24  }
0xa1: {  	vm14 =	veq.s32 v1, $0x0;
	[tilespmem:s21+$0x2E0] =	vst v0;
	v0 =	vsel vm13, v16, v25  }
0xa2: {  	[tilespmem:s21+$0x2F0] =	vst v0;
	v0 =	vsel vm14, v23, v31  }
0xa3: {  	[tilespmem:s21+$0x300] =	vst v0;
	v0 =	vsel vm14, v22, v30  }
0xa4: {  	[tilespmem:s21+$0x310] =	vst v0;
	v0 =	vsel vm14, v21, v27  }
0xa5: {  	[tilespmem:s21+$0x320] =	vst v0;
	v0 =	vsel vm14, v19, v28  }
0xa6: {  	[tilespmem:s21+$0x330] =	vst v0;
	v0 =	vsel vm14, v20, v29  }
0xa7: {  	v1 =	vperm.xlane v33, v11;
	[tilespmem:s21+$0x340] =	vst v0;
	v0 =	vsel vm14, v18, v26  }
0xa8: {  	[tilespmem:s21+$0x350] =	vst v0;
	v0 =	vsel vm14, v17, v24  }
0xa9: {  	vm15 =	veq.s32 v1, $0x0;
	[tilespmem:s21+$0x360] =	vst v0;
	v0 =	vsel vm14, v16, v25  }
0xaa: {  	[tilespmem:s21+$0x370] =	vst v0;
	v0 =	vsel vm15, v23, v31  }
0xab: {  	[tilespmem:s21+$0x380] =	vst v0;
	v0 =	vsel vm15, v22, v30  }
0xac: {  	[tilespmem:s21+$0x390] =	vst v0;
	v0 =	vsel vm15, v21, v27  }
0xad: {  	[tilespmem:s21+$0x3A0] =	vst v0;
	v0 =	vsel vm15, v19, v28  }
0xae: {  	[tilespmem:s21+$0x3B0] =	vst v0;
	v0 =	vsel vm15, v20, v29  }
0xaf: {  	s20 =	smul.u32 $0x19000, s18;
	[tilespmem:s21+$0x3C0] =	vst v0;
	v0 =	vsel vm15, v18, v26  }
0xb0: {  	s31 =	smul.u32 $0x320, s17;
	[tilespmem:s21+$0x3D0] =	vst v0;
	v0 =	vsel vm15, v17, v24  }
0xb1: {  	s24 =	simm.s32 $0x10;
	s19 =	sshrl.u32 s20, $0x2;
	[tilespmem:s21+$0x3E0] =	vst v0;
	v0 =	vsel vm15, v16, v25  }
0xb2: {  	s23 =	simm.s32 $0x80;
	s22 =	sshra.s32 s31, $0x2;
	s20 =	sadd.s32 $0x6580, s19;
	[tilespmem:s21+$0x3F0] =	vst v0  }
.LBB2_3:
0xb3: {  	v0 =	vld [tilespmem:$0x1FFF0];
	_ =	sdelay $0x7  }
0xb4: {  	v33 =	vld.idx.msk [tilespmem:v0+s24+$0x0 ss:$0x1], $0xffff;
	_ =	sdelay $0x4  }
0xb5: {  	v0 =	vperm.xlane v33, v3  }
0xb6: {  	v1 =	vperm.xlane v33, v4  }
0xb7: {  	vm0 =	veq.s32 v0, $0x0  }
0xb8: {  	s21 =	sadd.s32 $0x800, s21;
	vm1 =	veq.s32 v1, $0x0;
	v1 =	vsel vm0, v23, v31  }
0xb9: {  	v4 =	vsel vm0, v22, v30;
	[tilespmem:s21+$0xFFFFFC00] =	vst v1  }
0xba: {  	v2 =	vperm.xlane v33, v5;
	v5 =	vsel vm0, v21, v27;
	[tilespmem:s21+$0xFFFFFC10] =	vst v4  }
0xbb: {  	v3 =	vperm.xlane v33, v6;
	v6 =	vsel vm0, v20, v29;
	[tilespmem:s21+$0xFFFFFC20] =	vst v5  }
0xbc: {  	v0 =	vperm.xlane v33, v7;
	v7 =	vsel vm0, v18, v26;
	[tilespmem:s21+$0xFFFFFC40] =	vst v6  }
0xbd: {  	v8 =	vsel vm0, v16, v25;
	[tilespmem:s21+$0xFFFFFC50] =	vst v7  }
0xbe: {  	v9 =	vsel vm1, v23, v31;
	[tilespmem:s21+$0xFFFFFC70] =	vst v8  }
0xbf: {  	v10 =	vsel vm1, v21, v27;
	[tilespmem:s21+$0xFFFFFC80] =	vst v9  }
0xc0: {  	v11 =	vsel vm1, v19, v28;
	[tilespmem:s21+$0xFFFFFCA0] =	vst v10  }
0xc1: {  	v12 =	vsel vm1, v18, v26;
	[tilespmem:s21+$0xFFFFFCB0] =	vst v11  }
0xc2: {  	vm14 =	veq.s32 v2, $0x0;
	v13 =	vsel vm1, v17, v24;
	[tilespmem:s21+$0xFFFFFCD0] =	vst v12  }
0xc3: {  	v2 =	vsel vm14, v23, v31;
	[tilespmem:s21+$0xFFFFFCE0] =	vst v13  }
0xc4: {  	vm15 =	veq.s32 v3, $0x0;
	v3 =	vsel vm14, v22, v30;
	[tilespmem:s21+$0xFFFFFD00] =	vst v2  }
0xc5: {  	v32 =	vsel vm14, v20, v29;
	[tilespmem:s21+$0xFFFFFD10] =	vst v3  }
0xc6: {  	v35 =	vsel vm14, v18, v26;
	[tilespmem:s21+$0xFFFFFD40] =	vst v32  }
0xc7: {  	v36 =	vsel vm14, v16, v25;
	[tilespmem:s21+$0xFFFFFD50] =	vst v35  }
0xc8: {  	v37 =	vsel vm15, v23, v31;
	[tilespmem:s21+$0xFFFFFD70] =	vst v36  }
0xc9: {  	v38 =	vsel vm15, v21, v27;
	[tilespmem:s21+$0xFFFFFD80] =	vst v37  }
0xca: {  	v40 =	vsel vm15, v19, v28;
	[tilespmem:s21+$0xFFFFFDA0] =	vst v38  }
0xcb: {  	v42 =	vsel vm15, v20, v29;
	[tilespmem:s21+$0xFFFFFDB0] =	vst v40  }
0xcc: {  	v46 =	vsel vm15, v18, v26;
	[tilespmem:s21+$0xFFFFFDC0] =	vst v42  }
0xcd: {  	v47 =	vsel vm15, v17, v24;
	[tilespmem:s21+$0xFFFFFDD0] =	vst v46  }
0xce: {  	v1 =	vsel vm0, v19, v28;
	[tilespmem:s21+$0xFFFFFDE0] =	vst v47  }
0xcf: {  	v4 =	vsel vm0, v17, v24;
	[tilespmem:s21+$0xFFFFFC30] =	vst v1  }
0xd0: {  	v5 =	vsel vm1, v22, v30;
	[tilespmem:s21+$0xFFFFFC60] =	vst v4  }
0xd1: {  	v6 =	vsel vm1, v16, v25;
	[tilespmem:s21+$0xFFFFFC90] =	vst v5  }
0xd2: {  	v7 =	vsel vm14, v21, v27;
	[tilespmem:s21+$0xFFFFFCF0] =	vst v6  }
0xd3: {  	v8 =	vsel vm14, v17, v24;
	[tilespmem:s21+$0xFFFFFD20] =	vst v7  }
0xd4: {  	v9 =	vsel vm15, v22, v30;
	[tilespmem:s21+$0xFFFFFD60] =	vst v8  }
0xd5: {  	v10 =	vsel vm15, v16, v25;
	[tilespmem:s21+$0xFFFFFD90] =	vst v9  }
0xd6: {  	v1 =	vsel vm1, v20, v29;
	[tilespmem:s21+$0xFFFFFDF0] =	vst v10  }
0xd7: {  	vm4 =	veq.s32 v0, $0x0;
	v4 =	vsel vm14, v19, v28;
	[tilespmem:s21+$0xFFFFFCC0] =	vst v1  }
0xd8: {  	v11 =	vsel vm4, v23, v31;
	[tilespmem:s21+$0xFFFFFD30] =	vst v4  }
0xd9: {  	v48 =	vsel vm4, v22, v30;
	[tilespmem:s21+$0xFFFFFE00] =	vst v11  }
0xda: {  	v49 =	vsel vm4, v21, v27;
	[tilespmem:s21+$0xFFFFFE10] =	vst v48  }
0xdb: {  	v51 =	vsel vm4, v20, v29;
	[tilespmem:s21+$0xFFFFFE20] =	vst v49  }
0xdc: {  	v58 =	vsel vm4, v18, v26;
	[tilespmem:s21+$0xFFFFFE40] =	vst v51  }
0xdd: {  	v2 =	vperm.xlane v33, v44;
	v59 =	vsel vm4, v17, v24;
	[tilespmem:s21+$0xFFFFFE50] =	vst v58  }
0xde: {  	v0 =	vperm.xlane v33, v14;
	v60 =	vsel vm4, v16, v25;
	[tilespmem:s21+$0xFFFFFE60] =	vst v59  }
0xdf: {  	v1 =	vsel vm4, v19, v28;
	vm7 =	veq.s32 v2, $0x0;
	[tilespmem:s21+$0xFFFFFE70] =	vst v60  }
0xe0: {  	vm5 =	veq.s32 v0, $0x0;
	v2 =	vsel vm7, v21, v27;
	[tilespmem:s21+$0xFFFFFE30] =	vst v1  }
0xe1: {  	v13 =	vsel vm5, v23, v31;
	[tilespmem:$0x1FE30] =	vst v2  }
0xe2: {  	v12 =	vsel vm5, v22, v30;
	[tilespmem:s21+$0xFFFFFE80] =	vst v13  }
0xe3: {  	v5 =	vsel vm5, v21, v27;
	[tilespmem:s21+$0xFFFFFE90] =	vst v12  }
0xe4: {  	v14 =	vsel vm5, v19, v28;
	[tilespmem:s21+$0xFFFFFEA0] =	vst v5  }
0xe5: {  	v39 =	vsel vm5, v20, v29;
	[tilespmem:s21+$0xFFFFFEB0] =	vst v14  }
0xe6: {  	v15 =	vsel vm5, v18, v26;
	[tilespmem:s21+$0xFFFFFEC0] =	vst v39  }
0xe7: {  	v41 =	vsel vm5, v17, v24;
	[tilespmem:s21+$0xFFFFFED0] =	vst v15  }
0xe8: {  	v34 =	vsel vm5, v16, v25;
	[tilespmem:s21+$0xFFFFFEE0] =	vst v41  }
0xe9: {  	v3 =	vperm.xlane v33, v45;
	v45 =	vsel vm7, v23, v31;
	[tilespmem:s21+$0xFFFFFEF0] =	vst v34  }
0xea: {  	v55 =	vsel vm7, v22, v30;
	[tilespmem:s21+$0xFFFFFF80] =	vst v45  }
0xeb: {  	vm8 =	veq.s32 v3, $0x0;
	v56 =	vsel vm7, v19, v28;
	[tilespmem:s21+$0xFFFFFF90] =	vst v55  }
0xec: {  	v0 =	vperm.xlane v33, v43;
	v57 =	vsel vm8, v23, v31;
	[tilespmem:s21+$0xFFFFFFB0] =	vst v56  }
0xed: {  	v62 =	vsel vm8, v19, v28;
	[tilespmem:s21+$0x0] =	vst v57  }
0xee: {  	vm6 =	veq.s32 v0, $0x0;
	v2 =	vsel vm7, v20, v29;
	[tilespmem:s21+$0x30] =	vst v62  }
0xef: {  	v4 =	vsel vm6, v18, v26;
	[tilespmem:$0x1FE40] =	vst v2  }
0xf0: {  	v2 =	vsel vm7, v18, v26;
	[tilespmem:$0x1FE10] =	vst v4  }
0xf1: {  	v43 =	vsel vm6, v23, v31;
	[tilespmem:$0x1FE50] =	vst v2  }
0xf2: {  	v0 =	vperm.xlane v33, v50;
	v50 =	vsel vm6, v22, v30;
	[tilespmem:s21+$0xFFFFFF00] =	vst v43  }
0xf3: {  	v53 =	vsel vm6, v21, v27;
	[tilespmem:s21+$0xFFFFFF10] =	vst v50  }
0xf4: {  	v44 =	vsel vm6, v19, v28;
	[tilespmem:s21+$0xFFFFFF20] =	vst v53  }
0xf5: {  	v6 =	vperm.xlane v33, v52;
	v3 =	vimm.s32 $0xD;
	v52 =	vsel vm6, v20, v29;
	[tilespmem:s21+$0xFFFFFF30] =	vst v44  }
0xf6: {  	v48 =	vperm.xlane v33, v3;
	v54 =	vsel vm6, v17, v24;
	[tilespmem:s21+$0xFFFFFF40] =	vst v52  }
0xf7: {  	v4 =	vsel vm6, v16, v25;
	[tilespmem:s21+$0xFFFFFF60] =	vst v54  }
0xf8: {  	vm13 =	veq.s32 v48, $0x0;
	v2 =	vsel vm7, v17, v24;
	[tilespmem:$0x1FE20] =	vst v4  }
0xf9: {  	v5 =	vsel vm13, v23, v31;
	[tilespmem:$0x1FE60] =	vst v2  }
0xfa: {  	v13 =	vsel vm13, v22, v30;
	[tilespmem:s21+$0x280] =	vst v5  }
0xfb: {  	vm9 =	veq.s32 v0, $0x0;
	v37 =	vsel vm13, v21, v27;
	[tilespmem:s21+$0x290] =	vst v13  }
0xfc: {  	v0 =	vsel vm9, v22, v30;
	[tilespmem:s21+$0x2A0] =	vst v37  }
0xfd: {  	[tilespmem:$0x1FEE0] =	vst v0;
	v0 =	vsel vm9, v21, v27  }
0xfe: {  	[tilespmem:$0x1FEF0] =	vst v0;
	v0 =	vsel vm9, v19, v28  }
0xff: {  	[tilespmem:$0x1FF00] =	vst v0;
	v0 =	vsel vm9, v20, v29  }
0x100: {  	[tilespmem:$0x1FF10] =	vst v0;
	v0 =	vsel vm9, v18, v26  }
0x101: {  	[tilespmem:$0x1FF20] =	vst v0;
	v0 =	vsel vm9, v17, v24  }
0x102: {  	vm10 =	veq.s32 v6, $0x0;
	[tilespmem:$0x1FF30] =	vst v0;
	v0 =	vsel vm9, v16, v25  }
0x103: {  	[tilespmem:$0x1FF40] =	vst v0;
	v0 =	vsel vm10, v23, v31  }
0x104: {  	[tilespmem:$0x1FF50] =	vst v0;
	v0 =	vsel vm10, v22, v30  }
0x105: {  	[tilespmem:$0x1FF60] =	vst v0;
	v0 =	vsel vm10, v21, v27  }
0x106: {  	[tilespmem:$0x1FF70] =	vst v0;
	v0 =	vsel vm10, v19, v28  }
0x107: {  	[tilespmem:$0x1FF80] =	vst v0;
	v0 =	vsel vm10, v20, v29  }
0x108: {  	[tilespmem:$0x1FF90] =	vst v0;
	v0 =	vsel vm10, v18, v26  }
0x109: {  	[tilespmem:$0x1FFA0] =	vst v0;
	v0 =	vsel vm10, v17, v24  }
0x10a: {  	[tilespmem:$0x1FFB0] =	vst v0;
	v0 =	vsel vm10, v16, v25  }
0x10b: {  	v14 =	vsel vm13, v19, v28;
	[tilespmem:$0x1FFC0] =	vst v0;
	v0 =	vimm.s32 $0xB  }
0x10c: {  	v38 =	vsel vm13, v20, v29;
	[tilespmem:s21+$0x2B0] =	vst v14;
	v0 =	vperm.xlane v33, v0  }
0x10d: {  	v46 =	vsel vm13, v18, v26;
	[tilespmem:s21+$0x2C0] =	vst v38  }
0x10e: {  	v39 =	vsel vm13, v17, v24;
	[tilespmem:s21+$0x2D0] =	vst v46;
	vm11 =	veq.s32 v0, $0x0;
	v0 =	vimm.s32 $0xE  }
0x10f: {  	v2 =	vsel vm7, v16, v25;
	[tilespmem:s21+$0x2E0] =	vst v39;
	v49 =	vperm.xlane v33, v0;
	v0 =	vimm.s32 $0xF  }
0x110: {  	v63 =	vsel vm9, v23, v31;
	[tilespmem:$0x1FE70] =	vst v2;
	v0 =	vperm.xlane v33, v0  }
0x111: {  	v2 =	vsel vm8, v22, v30;
	[tilespmem:s21+$0x80] =	vst v63  }
0x112: {  	[tilespmem:$0x1FE80] =	vst v2;
	v2 =	vsel vm8, v21, v27;
	vm15 =	veq.s32 v0, $0x0  }
0x113: {  	[tilespmem:$0x1FE90] =	vst v2;
	v61 =	vsel vm15, v18, v26  }
0x114: {  	[tilespmem:$0x1FFD0] =	vst v61;
	v61 =	vsel vm15, v16, v25  }
0x115: {  	v2 =	vsel vm8, v20, v29;
	[tilespmem:$0x1FFE0] =	vst v61;
	v61 =	vld [tilespmem:$0x1FE10]  }
0x116: {  	[tilespmem:$0x1FEA0] =	vst v2;
	v2 =	vsel vm8, v18, v26  }
0x117: {  	v57 =	vld [tilespmem:$0x1FE80];
	[tilespmem:$0x1FEB0] =	vst v2;
	v2 =	vsel vm8, v17, v24  }
0x118: {  	v47 =	vsel vm13, v16, v25;
	v63 =	vld [tilespmem:$0x1FF00];
	[tilespmem:$0x1FEC0] =	vst v2  }
0x119: {  	[tilespmem:s21+$0x2F0] =	vst v47;
	v62 =	vld [tilespmem:$0x1FEC0]  }
0x11a: {  	v2 =	vsel vm8, v16, v25;
	[tilespmem:s21+$0xFFFFFF50] =	vst v61;
	v61 =	vld [tilespmem:$0x1FE20]  }
0x11b: {  	[tilespmem:$0x1FED0] =	vst v2;
	v2 =	vimm.s32 $0xC  }
0x11c: {  	v2 =	vperm.xlane v33, v2;
	[tilespmem:s21+$0x10] =	vst v57  }
0x11d: {  	[tilespmem:s21+$0xB0] =	vst v63  }
0x11e: {  	vm12 =	veq.s32 v2, $0x0;
	[tilespmem:s21+$0x60] =	vst v62  }
0x11f: {  	v2 =	vsel vm12, v23, v31;
	[tilespmem:s21+$0xFFFFFF70] =	vst v61;
	v61 =	vld [tilespmem:$0x1FE30]  }
0x120: {  	v9 =	vsel vm12, v22, v30;
	[tilespmem:s21+$0x200] =	vst v2  }
0x121: {  	v10 =	vsel vm12, v21, v27;
	[tilespmem:s21+$0x210] =	vst v9  }
0x122: {  	v4 =	vsel vm12, v19, v28;
	[tilespmem:s21+$0x220] =	vst v10  }
0x123: {  	v57 =	vld [tilespmem:$0x1FEA0];
	[tilespmem:s21+$0x230] =	vst v4  }
0x124: {  	v11 =	vsel vm12, v20, v29;
	[tilespmem:s21+$0xFFFFFFA0] =	vst v61;
	v61 =	vld [tilespmem:$0x1FE40]  }
0x125: {  	v63 =	vld [tilespmem:$0x1FF40];
	v35 =	vsel vm12, v18, v26;
	[tilespmem:s21+$0x240] =	vst v11  }
0x126: {  	v12 =	vsel vm12, v17, v24;
	[tilespmem:s21+$0x250] =	vst v35  }
0x127: {  	v62 =	vld [tilespmem:$0x1FEF0];
	[tilespmem:s21+$0x260] =	vst v12  }
0x128: {  	[tilespmem:s21+$0x40] =	vst v57;
	v57 =	vld [tilespmem:$0x1FED0]  }
0x129: {  	[tilespmem:s21+$0xFFFFFFC0] =	vst v61;
	v61 =	vld [tilespmem:$0x1FE50]  }
0x12a: {  	v36 =	vsel vm12, v16, v25;
	[tilespmem:s21+$0xF0] =	vst v63;
	v63 =	vld [tilespmem:$0x1FF80]  }
0x12b: {  	[tilespmem:s21+$0x270] =	vst v36  }
0x12c: {  	[tilespmem:s21+$0xA0] =	vst v62  }
0x12d: {  	[tilespmem:s21+$0x70] =	vst v57  }
0x12e: {  	[tilespmem:s21+$0xFFFFFFD0] =	vst v61;
	v61 =	vld [tilespmem:$0x1FE60]  }
0x12f: {  	v1 =	vsel vm11, v23, v31;
	[tilespmem:s21+$0x130] =	vst v63  }
0x130: {  	v3 =	vsel vm11, v22, v30;
	[tilespmem:s21+$0x180] =	vst v1  }
0x131: {  	v6 =	vsel vm11, v21, v27;
	[tilespmem:s21+$0x190] =	vst v3  }
0x132: {  	[tilespmem:s21+$0x1A0] =	vst v6  }
0x133: {  	v58 =	vsel vm11, v19, v28;
	[tilespmem:s21+$0xFFFFFFE0] =	vst v61;
	v61 =	vld [tilespmem:$0x1FE70]  }
0x134: {  	v7 =	vsel vm11, v20, v29;
	[tilespmem:s21+$0x1B0] =	vst v58  }
0x135: {  	v62 =	vld [tilespmem:$0x1FF30];
	v32 =	vsel vm11, v18, v26;
	[tilespmem:s21+$0x1C0] =	vst v7  }
0x136: {  	v57 =	vld [tilespmem:$0x1FF10];
	v8 =	vsel vm11, v17, v24;
	[tilespmem:s21+$0x1D0] =	vst v32  }
0x137: {  	[tilespmem:s21+$0x1E0] =	vst v8  }
0x138: {  	v33 =	vsel vm11, v16, v25;
	[tilespmem:s21+$0xFFFFFFF0] =	vst v61;
	v61 =	vld [tilespmem:$0x1FE90]  }
0x139: {  	[tilespmem:s21+$0x1F0] =	vst v33  }
0x13a: {  	vm14 =	veq.s32 v49, $0x0;
	[tilespmem:s21+$0xE0] =	vst v62  }
0x13b: {  	v15 =	vsel vm14, v23, v31;
	[tilespmem:s21+$0xC0] =	vst v57  }
0x13c: {  	[tilespmem:s21+$0x300] =	vst v15  }
0x13d: {  	v40 =	vsel vm14, v22, v30;
	[tilespmem:s21+$0x20] =	vst v61;
	v61 =	vld [tilespmem:$0x1FEB0]  }
0x13e: {  	v48 =	vsel vm14, v21, v27;
	[tilespmem:s21+$0x310] =	vst v40  }
0x13f: {  	v41 =	vsel vm14, v19, v28;
	[tilespmem:s21+$0x320] =	vst v48  }
0x140: {  	v49 =	vsel vm14, v20, v29;
	[tilespmem:s21+$0x330] =	vst v41  }
0x141: {  	v63 =	vld [tilespmem:$0x1FFC0];
	[tilespmem:s21+$0x340] =	vst v49  }
0x142: {  	v51 =	vsel vm14, v18, v26;
	[tilespmem:s21+$0x50] =	vst v61;
	v61 =	vld [tilespmem:$0x1FEE0]  }
0x143: {  	v42 =	vsel vm14, v17, v24;
	[tilespmem:s21+$0x350] =	vst v51  }
0x144: {  	v59 =	vsel vm14, v16, v25;
	[tilespmem:s21+$0x360] =	vst v42  }
0x145: {  	[tilespmem:s21+$0x370] =	vst v59  }
0x146: {  	[tilespmem:s21+$0x170] =	vst v63  }
0x147: {  	v34 =	vsel vm15, v23, v31;
	[tilespmem:s21+$0x90] =	vst v61;
	v61 =	vld [tilespmem:$0x1FF20]  }
0x148: {  	v43 =	vsel vm15, v22, v30;
	[tilespmem:s21+$0x380] =	vst v34  }
0x149: {  	v62 =	vld [tilespmem:$0x1FF70];
	v0 =	vsel vm15, v21, v27;
	[tilespmem:s21+$0x390] =	vst v43  }
0x14a: {  	v50 =	vsel vm15, v19, v28;
	v57 =	vld [tilespmem:$0x1FF50];
	[tilespmem:s21+$0x3A0] =	vst v0  }
0x14b: {  	[tilespmem:s21+$0x3B0] =	vst v50;
	v0 =	vld [tilespmem:$0x1FFD0]  }
0x14c: {  	v60 =	vsel vm15, v20, v29;
	[tilespmem:s21+$0xD0] =	vst v61;
	v61 =	vld [tilespmem:$0x1FF60]  }
0x14d: {  	[tilespmem:s21+$0x3C0] =	vst v60  }
0x14e: {  	[tilespmem:s21+$0x120] =	vst v62;
	v62 =	vld [tilespmem:$0x1FFB0]  }
0x14f: {  	[tilespmem:s21+$0x100] =	vst v57;
	v57 =	vld [tilespmem:$0x1FF90]  }
0x150: {  	[tilespmem:s21+$0x3D0] =	vst v0;
	v0 =	vld [tilespmem:$0x1FFE0]  }
0x151: {  	p0 =	sne.s32 s23, $0x2C0;
	v53 =	vsel vm15, v17, v24;
	[tilespmem:s21+$0x110] =	vst v61;
	v61 =	vld [tilespmem:$0x1FFA0]  }
.Ltmp0:
0x152: {  	[tilespmem:s21+$0x3E0] =	vst v53;
	(pc) =	sbr.rel @p0 .LBB2_3-.Ltmp0, $4  }
0x153: {  	v45 =	vimm.s32 $0x8;
	v44 =	vimm.s32 $0x7;
	[tilespmem:s21+$0x160] =	vst v62  }
0x154: {  	v52 =	vimm.s32 $0xA;
	v5 =	vimm.s32 $0x2;
	v14 =	vimm.s32 $0x5;
	[tilespmem:s21+$0x140] =	vst v57  }
0x155: {  	v4 =	vimm.s32 $0x1;
	v3 =	vimm.s32 $0x0;
	v6 =	vimm.s32 $0x3;
	[tilespmem:s21+$0x3F0] =	vst v0  }
0x156: {  	s24 =	sshra.s32 s23, $0x2;
	s23 =	sadd.s32 $0x40, s23;
	v7 =	vimm.s32 $0x4;
	v43 =	vimm.s32 $0x6;
	v50 =	vimm.s32 $0x9;
	[tilespmem:s21+$0x150] =	vst v61  }
0x157: {  	v0 =	vld [tilespmem:$0x1FFF0];
	_ =	sdelay $0x7  }
0x158: {  	v32 =	vld.idx.msk [tilespmem:v0+s24+$0x0 ss:$0x1], $0xffff;
	_ =	sdelay $0x4  }
0x159: {  	v0 =	vperm.xlane v32, v3;
	_ =	sdelay $0x1  }
0x15a: {  	vm0 =	veq.s32 v0, $0x0  }
0x15b: {  	s21 =	sadd.s32 $0x800, s21;
	v0 =	vsel vm0, v23, v31  }
0x15c: {  	v1 =	vsel vm0, v22, v30;
	[tilespmem:s21+$0xFFFFFC00] =	vst v0  }
0x15d: {  	v0 =	vsel vm0, v21, v27;
	[tilespmem:s21+$0xFFFFFC10] =	vst v1  }
0x15e: {  	v1 =	vsel vm0, v19, v28;
	[tilespmem:s21+$0xFFFFFC20] =	vst v0  }
0x15f: {  	v0 =	vsel vm0, v20, v29;
	[tilespmem:s21+$0xFFFFFC30] =	vst v1  }
0x160: {  	v1 =	vperm.xlane v32, v4;
	[tilespmem:s21+$0xFFFFFC40] =	vst v0;
	v0 =	vsel vm0, v18, v26  }
0x161: {  	[tilespmem:s21+$0xFFFFFC50] =	vst v0;
	v0 =	vsel vm0, v17, v24  }
0x162: {  	vm1 =	veq.s32 v1, $0x0;
	v1 =	vsel vm0, v16, v25;
	[tilespmem:s21+$0xFFFFFC60] =	vst v0  }
0x163: {  	v0 =	vsel vm1, v23, v31;
	[tilespmem:s21+$0xFFFFFC70] =	vst v1  }
0x164: {  	v1 =	vsel vm1, v22, v30;
	[tilespmem:s21+$0xFFFFFC80] =	vst v0  }
0x165: {  	v0 =	vsel vm1, v21, v27;
	[tilespmem:s21+$0xFFFFFC90] =	vst v1  }
0x166: {  	v1 =	vsel vm1, v19, v28;
	[tilespmem:s21+$0xFFFFFCA0] =	vst v0  }
0x167: {  	v0 =	vsel vm1, v20, v29;
	[tilespmem:s21+$0xFFFFFCB0] =	vst v1  }
0x168: {  	v1 =	vperm.xlane v32, v5;
	[tilespmem:s21+$0xFFFFFCC0] =	vst v0;
	v0 =	vsel vm1, v18, v26  }
0x169: {  	[tilespmem:s21+$0xFFFFFCD0] =	vst v0;
	v0 =	vsel vm1, v17, v24  }
0x16a: {  	vm6 =	veq.s32 v1, $0x0;
	v1 =	vsel vm1, v16, v25;
	[tilespmem:s21+$0xFFFFFCE0] =	vst v0  }
0x16b: {  	v0 =	vsel vm6, v23, v31;
	[tilespmem:s21+$0xFFFFFCF0] =	vst v1  }
0x16c: {  	v1 =	vsel vm6, v22, v30;
	[tilespmem:s21+$0xFFFFFD00] =	vst v0  }
0x16d: {  	v0 =	vsel vm6, v21, v27;
	[tilespmem:s21+$0xFFFFFD10] =	vst v1  }
0x16e: {  	v1 =	vsel vm6, v19, v28;
	[tilespmem:s21+$0xFFFFFD20] =	vst v0  }
0x16f: {  	v0 =	vsel vm6, v20, v29;
	[tilespmem:s21+$0xFFFFFD30] =	vst v1  }
0x170: {  	v1 =	vperm.xlane v32, v6;
	[tilespmem:s21+$0xFFFFFD40] =	vst v0;
	v0 =	vsel vm6, v18, v26  }
0x171: {  	[tilespmem:s21+$0xFFFFFD50] =	vst v0;
	v0 =	vsel vm6, v17, v24  }
0x172: {  	vm7 =	veq.s32 v1, $0x0;
	v1 =	vsel vm6, v16, v25;
	[tilespmem:s21+$0xFFFFFD60] =	vst v0  }
0x173: {  	v0 =	vsel vm7, v23, v31;
	[tilespmem:s21+$0xFFFFFD70] =	vst v1  }
0x174: {  	v1 =	vsel vm7, v22, v30;
	[tilespmem:s21+$0xFFFFFD80] =	vst v0  }
0x175: {  	v0 =	vsel vm7, v21, v27;
	[tilespmem:s21+$0xFFFFFD90] =	vst v1  }
0x176: {  	v1 =	vsel vm7, v19, v28;
	[tilespmem:s21+$0xFFFFFDA0] =	vst v0  }
0x177: {  	v0 =	vsel vm7, v20, v29;
	[tilespmem:s21+$0xFFFFFDB0] =	vst v1  }
0x178: {  	v1 =	vperm.xlane v32, v7;
	[tilespmem:s21+$0xFFFFFDC0] =	vst v0;
	v0 =	vsel vm7, v18, v26  }
0x179: {  	[tilespmem:s21+$0xFFFFFDD0] =	vst v0;
	v0 =	vsel vm7, v17, v24  }
0x17a: {  	vm8 =	veq.s32 v1, $0x0;
	v1 =	vsel vm7, v16, v25;
	[tilespmem:s21+$0xFFFFFDE0] =	vst v0  }
0x17b: {  	v0 =	vsel vm8, v23, v31;
	[tilespmem:s21+$0xFFFFFDF0] =	vst v1  }
0x17c: {  	v1 =	vsel vm8, v22, v30;
	[tilespmem:s21+$0xFFFFFE00] =	vst v0  }
0x17d: {  	v0 =	vsel vm8, v21, v27;
	[tilespmem:s21+$0xFFFFFE10] =	vst v1  }
0x17e: {  	v1 =	vsel vm8, v19, v28;
	[tilespmem:s21+$0xFFFFFE20] =	vst v0  }
0x17f: {  	v0 =	vsel vm8, v20, v29;
	[tilespmem:s21+$0xFFFFFE30] =	vst v1  }
0x180: {  	v1 =	vperm.xlane v32, v14;
	[tilespmem:s21+$0xFFFFFE40] =	vst v0;
	v0 =	vsel vm8, v18, v26  }
0x181: {  	[tilespmem:s21+$0xFFFFFE50] =	vst v0;
	v0 =	vsel vm8, v17, v24  }
0x182: {  	vm9 =	veq.s32 v1, $0x0;
	v1 =	vsel vm8, v16, v25;
	[tilespmem:s21+$0xFFFFFE60] =	vst v0  }
0x183: {  	v0 =	vsel vm9, v23, v31;
	[tilespmem:s21+$0xFFFFFE70] =	vst v1  }
0x184: {  	v1 =	vsel vm9, v22, v30;
	[tilespmem:s21+$0xFFFFFE80] =	vst v0  }
0x185: {  	v0 =	vsel vm9, v21, v27;
	[tilespmem:s21+$0xFFFFFE90] =	vst v1  }
0x186: {  	v1 =	vsel vm9, v19, v28;
	[tilespmem:s21+$0xFFFFFEA0] =	vst v0  }
0x187: {  	v0 =	vsel vm9, v20, v29;
	[tilespmem:s21+$0xFFFFFEB0] =	vst v1  }
0x188: {  	v1 =	vsel vm9, v18, v26;
	[tilespmem:s21+$0xFFFFFEC0] =	vst v0;
	v0 =	vperm.xlane v32, v43  }
0x189: {  	[tilespmem:s21+$0xFFFFFED0] =	vst v1;
	v1 =	vsel vm9, v17, v24  }
0x18a: {  	[tilespmem:s21+$0xFFFFFEE0] =	vst v1;
	vm10 =	veq.s32 v0, $0x0;
	v0 =	vsel vm9, v16, v25  }
0x18b: {  	v1 =	vsel vm10, v23, v31;
	[tilespmem:s21+$0xFFFFFEF0] =	vst v0  }
0x18c: {  	v0 =	vsel vm10, v22, v30;
	[tilespmem:s21+$0xFFFFFF00] =	vst v1  }
0x18d: {  	v1 =	vsel vm10, v21, v27;
	[tilespmem:s21+$0xFFFFFF10] =	vst v0  }
0x18e: {  	v0 =	vsel vm10, v19, v28;
	[tilespmem:s21+$0xFFFFFF20] =	vst v1  }
0x18f: {  	v1 =	vsel vm10, v20, v29;
	[tilespmem:s21+$0xFFFFFF30] =	vst v0  }
0x190: {  	v0 =	vperm.xlane v32, v44;
	[tilespmem:s21+$0xFFFFFF40] =	vst v1;
	v1 =	vsel vm10, v18, v26  }
0x191: {  	[tilespmem:s21+$0xFFFFFF50] =	vst v1;
	v1 =	vsel vm10, v17, v24  }
0x192: {  	vm11 =	veq.s32 v0, $0x0;
	v0 =	vsel vm10, v16, v25;
	[tilespmem:s21+$0xFFFFFF60] =	vst v1  }
0x193: {  	v1 =	vsel vm11, v23, v31;
	[tilespmem:s21+$0xFFFFFF70] =	vst v0  }
0x194: {  	v0 =	vsel vm11, v22, v30;
	[tilespmem:s21+$0xFFFFFF80] =	vst v1  }
0x195: {  	v1 =	vsel vm11, v21, v27;
	[tilespmem:s21+$0xFFFFFF90] =	vst v0  }
0x196: {  	v0 =	vsel vm11, v19, v28;
	[tilespmem:s21+$0xFFFFFFA0] =	vst v1  }
0x197: {  	v1 =	vsel vm11, v20, v29;
	[tilespmem:s21+$0xFFFFFFB0] =	vst v0  }
0x198: {  	v0 =	vperm.xlane v32, v45;
	[tilespmem:s21+$0xFFFFFFC0] =	vst v1;
	v1 =	vsel vm11, v18, v26  }
0x199: {  	[tilespmem:s21+$0xFFFFFFD0] =	vst v1;
	v1 =	vsel vm11, v17, v24  }
0x19a: {  	vm12 =	veq.s32 v0, $0x0;
	v0 =	vsel vm11, v16, v25;
	[tilespmem:s21+$0xFFFFFFE0] =	vst v1  }
0x19b: {  	v1 =	vsel vm12, v23, v31;
	[tilespmem:s21+$0xFFFFFFF0] =	vst v0  }
0x19c: {  	v0 =	vsel vm12, v22, v30;
	[tilespmem:s21+$0x0] =	vst v1  }
0x19d: {  	v1 =	vsel vm12, v21, v27;
	[tilespmem:s21+$0x10] =	vst v0  }
0x19e: {  	v0 =	vsel vm12, v19, v28;
	[tilespmem:s21+$0x20] =	vst v1  }
0x19f: {  	v1 =	vsel vm12, v20, v29;
	[tilespmem:s21+$0x30] =	vst v0  }
0x1a0: {  	v0 =	vperm.xlane v32, v50;
	[tilespmem:s21+$0x40] =	vst v1;
	v1 =	vsel vm12, v18, v26  }
0x1a1: {  	[tilespmem:s21+$0x50] =	vst v1;
	v1 =	vsel vm12, v17, v24  }
0x1a2: {  	vm13 =	veq.s32 v0, $0x0;
	v0 =	vsel vm12, v16, v25;
	[tilespmem:s21+$0x60] =	vst v1  }
0x1a3: {  	v1 =	vsel vm13, v23, v31;
	[tilespmem:s21+$0x70] =	vst v0  }
0x1a4: {  	v0 =	vsel vm13, v22, v30;
	[tilespmem:s21+$0x80] =	vst v1  }
0x1a5: {  	v1 =	vsel vm13, v21, v27;
	[tilespmem:s21+$0x90] =	vst v0  }
0x1a6: {  	v0 =	vsel vm13, v19, v28;
	[tilespmem:s21+$0xA0] =	vst v1  }
0x1a7: {  	v1 =	vsel vm13, v20, v29;
	[tilespmem:s21+$0xB0] =	vst v0  }
0x1a8: {  	v0 =	vperm.xlane v32, v52;
	[tilespmem:s21+$0xC0] =	vst v1;
	v1 =	vsel vm13, v18, v26  }
0x1a9: {  	[tilespmem:s21+$0xD0] =	vst v1;
	v1 =	vsel vm13, v17, v24  }
0x1aa: {  	vm14 =	veq.s32 v0, $0x0;
	v0 =	vsel vm13, v16, v25;
	[tilespmem:s21+$0xE0] =	vst v1  }
0x1ab: {  	v1 =	vsel vm14, v23, v31;
	[tilespmem:s21+$0xF0] =	vst v0  }
0x1ac: {  	v0 =	vsel vm14, v22, v30;
	[tilespmem:s21+$0x100] =	vst v1  }
0x1ad: {  	v1 =	vsel vm14, v21, v27;
	[tilespmem:s21+$0x110] =	vst v0  }
0x1ae: {  	[tilespmem:s21+$0x120] =	vst v1;
	v1 =	vsel vm14, v20, v29  }
0x1af: {  	v0 =	vsel vm14, v19, v28;
	[tilespmem:s21+$0x140] =	vst v1;
	v1 =	vimm.s32 $0xB  }
0x1b0: {  	[tilespmem:s21+$0x130] =	vst v0;
	v0 =	vsel vm14, v18, v26;
	v1 =	vperm.xlane v32, v1  }
0x1b1: {  	[tilespmem:s21+$0x150] =	vst v0;
	v0 =	vsel vm14, v17, v24  }
0x1b2: {  	[tilespmem:s21+$0x160] =	vst v0;
	vm15 =	veq.s32 v1, $0x0;
	v1 =	vsel vm14, v16, v25  }
0x1b3: {  	v0 =	vsel vm15, v23, v31;
	[tilespmem:s21+$0x170] =	vst v1  }
0x1b4: {  	v1 =	vsel vm15, v22, v30;
	[tilespmem:s21+$0x180] =	vst v0  }
0x1b5: {  	v0 =	vsel vm15, v21, v27;
	[tilespmem:s21+$0x190] =	vst v1  }
0x1b6: {  	v1 =	vsel vm15, v19, v28;
	[tilespmem:s21+$0x1A0] =	vst v0  }
0x1b7: {  	v0 =	vsel vm15, v20, v29;
	[tilespmem:s21+$0x1B0] =	vst v1;
	v1 =	vimm.s32 $0xC  }
0x1b8: {  	v1 =	vperm.xlane v32, v1;
	[tilespmem:s21+$0x1C0] =	vst v0;
	v0 =	vsel vm15, v18, v26  }
0x1b9: {  	[tilespmem:s21+$0x1D0] =	vst v0;
	v0 =	vsel vm15, v17, v24  }
0x1ba: {  	vm4 =	veq.s32 v1, $0x0;
	v1 =	vsel vm15, v16, v25;
	[tilespmem:s21+$0x1E0] =	vst v0  }
0x1bb: {  	v0 =	vsel vm4, v23, v31;
	[tilespmem:s21+$0x1F0] =	vst v1  }
0x1bc: {  	v1 =	vsel vm4, v22, v30;
	[tilespmem:s21+$0x200] =	vst v0  }
0x1bd: {  	v0 =	vsel vm4, v21, v27;
	[tilespmem:s21+$0x210] =	vst v1  }
0x1be: {  	v1 =	vsel vm4, v19, v28;
	[tilespmem:s21+$0x220] =	vst v0  }
0x1bf: {  	v0 =	vsel vm4, v20, v29;
	[tilespmem:s21+$0x230] =	vst v1;
	v1 =	vimm.s32 $0xD  }
0x1c0: {  	v1 =	vperm.xlane v32, v1;
	[tilespmem:s21+$0x240] =	vst v0;
	v0 =	vsel vm4, v18, v26  }
0x1c1: {  	[tilespmem:s21+$0x250] =	vst v0;
	v0 =	vsel vm4, v17, v24  }
0x1c2: {  	vm5 =	veq.s32 v1, $0x0;
	v1 =	vsel vm4, v16, v25;
	[tilespmem:s21+$0x260] =	vst v0  }
0x1c3: {  	v0 =	vsel vm5, v23, v31;
	[tilespmem:s21+$0x270] =	vst v1  }
0x1c4: {  	v1 =	vsel vm5, v22, v30;
	[tilespmem:s21+$0x280] =	vst v0  }
0x1c5: {  	v0 =	vsel vm5, v21, v27;
	[tilespmem:s21+$0x290] =	vst v1  }
0x1c6: {  	v1 =	vsel vm5, v19, v28;
	[tilespmem:s21+$0x2A0] =	vst v0  }
0x1c7: {  	v0 =	vsel vm5, v20, v29;
	[tilespmem:s21+$0x2B0] =	vst v1;
	v1 =	vimm.s32 $0xE  }
0x1c8: {  	v1 =	vperm.xlane v32, v1;
	[tilespmem:s21+$0x2C0] =	vst v0;
	v0 =	vsel vm5, v18, v26  }
0x1c9: {  	[tilespmem:s21+$0x2D0] =	vst v0;
	v0 =	vsel vm5, v17, v24  }
0x1ca: {  	vm6 =	veq.s32 v1, $0x0;
	v1 =	vsel vm5, v16, v25;
	[tilespmem:s21+$0x2E0] =	vst v0  }
0x1cb: {  	v0 =	vsel vm6, v23, v31;
	[tilespmem:s21+$0x2F0] =	vst v1  }
0x1cc: {  	v1 =	vsel vm6, v22, v30;
	[tilespmem:s21+$0x300] =	vst v0  }
0x1cd: {  	v2 =	vsel vm6, v18, v26;
	[tilespmem:s21+$0x310] =	vst v1  }
0x1ce: {  	v1 =	vsel vm6, v19, v28;
	[tilespmem:s21+$0x350] =	vst v2  }
0x1cf: {  	v0 =	vsel vm6, v21, v27;
	[tilespmem:s21+$0x330] =	vst v1;
	v1 =	vimm.s32 $0xF  }
0x1d0: {  	v2 =	vsel vm6, v16, v25;
	[tilespmem:s21+$0x320] =	vst v0;
	v1 =	vperm.xlane v32, v1  }
0x1d1: {  	v0 =	vsel vm6, v20, v29;
	[tilespmem:s21+$0x370] =	vst v2  }
0x1d2: {  	[tilespmem:s21+$0x340] =	vst v0;
	v0 =	vsel vm6, v17, v24;
	vm7 =	veq.s32 v1, $0x0  }
0x1d3: {  	[tilespmem:s21+$0x360] =	vst v0;
	v0 =	vsel vm7, v23, v31  }
0x1d4: {  	v1 =	vsel vm7, v22, v30;
	[tilespmem:s21+$0x380] =	vst v0  }
0x1d5: {  	v0 =	vsel vm7, v21, v27;
	[tilespmem:s21+$0x390] =	vst v1  }
0x1d6: {  	v1 =	vsel vm7, v19, v28;
	[tilespmem:s21+$0x3A0] =	vst v0  }
0x1d7: {  	v0 =	vsel vm7, v20, v29;
	[tilespmem:s21+$0x3B0] =	vst v1  }
0x1d8: {  	v1 =	vsel vm7, v18, v26;
	[tilespmem:s21+$0x3C0] =	vst v0  }
0x1d9: {  	v0 =	vsel vm7, v17, v24;
	[tilespmem:s21+$0x3D0] =	vst v1  }
0x1da: {  	v1 =	vsel vm7, v16, v25;
	[tilespmem:s21+$0x3E0] =	vst v0  }
0x1db: {  	[tilespmem:s21+$0x3F0] =	vst v1  }
0x1dc: {  	v0 =	vld [tilespmem:s22+$0x1C0];
	_ =	sdelay $0x4  }
0x1dd: {  	v1 =	vperm.xlane v0, v3  }
0x1de: {  	v2 =	vperm.xlane v0, v4  }
0x1df: {  	vm8 =	veq.s32 v1, $0x0  }
0x1e0: {  	vm9 =	veq.s32 v2, $0x0;
	v2 =	vperm.xlane v0, v5;
	v1 =	vsel vm8, v23, v31  }
0x1e1: {  	[tilespmem:s19+$0xC580] =	vst v1;
	v1 =	vsel vm8, v22, v30  }
0x1e2: {  	vm10 =	veq.s32 v2, $0x0;
	v2 =	vperm.xlane v0, v6;
	[tilespmem:s19+$0xC590] =	vst v1;
	v1 =	vsel vm8, v21, v27  }
0x1e3: {  	[tilespmem:s19+$0xC5A0] =	vst v1;
	v1 =	vsel vm8, v19, v28  }
0x1e4: {  	vm11 =	veq.s32 v2, $0x0;
	v2 =	vperm.xlane v0, v7;
	[tilespmem:s19+$0xC5B0] =	vst v1;
	v1 =	vsel vm8, v20, v29  }
0x1e5: {  	[tilespmem:s19+$0xC5C0] =	vst v1;
	v1 =	vsel vm8, v18, v26  }
0x1e6: {  	vm12 =	veq.s32 v2, $0x0;
	v2 =	vperm.xlane v0, v14;
	[tilespmem:s19+$0xC5D0] =	vst v1;
	v1 =	vsel vm8, v17, v24  }
0x1e7: {  	[tilespmem:s19+$0xC5E0] =	vst v1;
	v1 =	vsel vm8, v16, v25  }
0x1e8: {  	vm13 =	veq.s32 v2, $0x0;
	v2 =	vperm.xlane v0, v43;
	[tilespmem:s19+$0xC5F0] =	vst v1;
	v1 =	vsel vm9, v23, v31  }
0x1e9: {  	v0 =	vperm.xlane v0, v44;
	[tilespmem:s19+$0xC600] =	vst v1;
	v1 =	vsel vm9, v22, v30  }
0x1ea: {  	vm14 =	veq.s32 v2, $0x0;
	[tilespmem:s19+$0xC610] =	vst v1;
	v1 =	vsel vm9, v21, v27  }
0x1eb: {  	vm15 =	veq.s32 v0, $0x0;
	v0 =	vsel vm14, v16, v25;
	[tilespmem:s19+$0xC620] =	vst v1  }
0x1ec: {  	v1 =	vsel vm9, v19, v28;
	[tilespmem:s19+$0xC8F0] =	vst v0  }
0x1ed: {  	v0 =	vsel vm15, v23, v31;
	[tilespmem:s19+$0xC630] =	vst v1  }
0x1ee: {  	v1 =	vsel vm9, v20, v29;
	[tilespmem:s19+$0xC900] =	vst v0  }
0x1ef: {  	v0 =	vsel vm15, v22, v30;
	[tilespmem:s19+$0xC640] =	vst v1  }
0x1f0: {  	v1 =	vsel vm9, v18, v26;
	[tilespmem:s19+$0xC910] =	vst v0  }
0x1f1: {  	v0 =	vsel vm15, v21, v27;
	[tilespmem:s19+$0xC650] =	vst v1  }
0x1f2: {  	v1 =	vsel vm9, v17, v24;
	[tilespmem:s19+$0xC920] =	vst v0  }
0x1f3: {  	v0 =	vsel vm15, v19, v28;
	[tilespmem:s19+$0xC660] =	vst v1  }
0x1f4: {  	v1 =	vsel vm9, v16, v25;
	[tilespmem:s19+$0xC930] =	vst v0  }
0x1f5: {  	v0 =	vsel vm15, v20, v29;
	[tilespmem:s19+$0xC670] =	vst v1  }
0x1f6: {  	v1 =	vsel vm10, v23, v31;
	[tilespmem:s19+$0xC940] =	vst v0  }
0x1f7: {  	v0 =	vsel vm15, v18, v26;
	[tilespmem:s19+$0xC680] =	vst v1  }
0x1f8: {  	v1 =	vsel vm10, v22, v30;
	[tilespmem:s19+$0xC950] =	vst v0  }
0x1f9: {  	v0 =	vsel vm15, v17, v24;
	[tilespmem:s19+$0xC690] =	vst v1  }
0x1fa: {  	v1 =	vsel vm10, v21, v27;
	[tilespmem:s19+$0xC960] =	vst v0  }
0x1fb: {  	v0 =	vsel vm15, v16, v25;
	[tilespmem:s19+$0xC6A0] =	vst v1  }
0x1fc: {  	v1 =	vsel vm10, v19, v28;
	[tilespmem:s19+$0xC970] =	vst v0  }
0x1fd: {  	[tilespmem:s19+$0xC6B0] =	vst v1;
	v1 =	vsel vm10, v20, v29  }
0x1fe: {  	[tilespmem:s19+$0xC6C0] =	vst v1;
	v1 =	vsel vm10, v18, v26  }
0x1ff: {  	[tilespmem:s19+$0xC6D0] =	vst v1;
	v1 =	vsel vm10, v17, v24  }
0x200: {  	[tilespmem:s19+$0xC6E0] =	vst v1;
	v1 =	vsel vm10, v16, v25  }
0x201: {  	[tilespmem:s19+$0xC6F0] =	vst v1;
	v1 =	vsel vm11, v23, v31  }
0x202: {  	[tilespmem:s19+$0xC700] =	vst v1;
	v1 =	vsel vm11, v22, v30  }
0x203: {  	[tilespmem:s19+$0xC710] =	vst v1;
	v1 =	vsel vm11, v21, v27  }
0x204: {  	[tilespmem:s19+$0xC720] =	vst v1;
	v1 =	vsel vm11, v19, v28  }
0x205: {  	[tilespmem:s19+$0xC730] =	vst v1;
	v1 =	vsel vm11, v20, v29  }
0x206: {  	[tilespmem:s19+$0xC740] =	vst v1;
	v1 =	vsel vm11, v18, v26  }
0x207: {  	[tilespmem:s19+$0xC750] =	vst v1;
	v1 =	vsel vm11, v17, v24  }
0x208: {  	[tilespmem:s19+$0xC760] =	vst v1;
	v1 =	vsel vm11, v16, v25  }
0x209: {  	[tilespmem:s19+$0xC770] =	vst v1;
	v1 =	vsel vm12, v23, v31  }
0x20a: {  	[tilespmem:s19+$0xC780] =	vst v1;
	v1 =	vsel vm12, v22, v30  }
0x20b: {  	[tilespmem:s19+$0xC790] =	vst v1;
	v1 =	vsel vm12, v21, v27  }
0x20c: {  	[tilespmem:s19+$0xC7A0] =	vst v1;
	v1 =	vsel vm12, v19, v28  }
0x20d: {  	[tilespmem:s19+$0xC7B0] =	vst v1;
	v1 =	vsel vm12, v20, v29  }
0x20e: {  	[tilespmem:s19+$0xC7C0] =	vst v1;
	v1 =	vsel vm12, v18, v26  }
0x20f: {  	[tilespmem:s19+$0xC7D0] =	vst v1;
	v1 =	vsel vm12, v17, v24  }
0x210: {  	[tilespmem:s19+$0xC7E0] =	vst v1;
	v1 =	vsel vm12, v16, v25  }
0x211: {  	[tilespmem:s19+$0xC7F0] =	vst v1;
	v1 =	vsel vm13, v23, v31  }
0x212: {  	[tilespmem:s19+$0xC800] =	vst v1;
	v1 =	vsel vm13, v22, v30  }
0x213: {  	[tilespmem:s19+$0xC810] =	vst v1;
	v1 =	vsel vm13, v21, v27  }
0x214: {  	[tilespmem:s19+$0xC820] =	vst v1;
	v1 =	vsel vm13, v19, v28  }
0x215: {  	[tilespmem:s19+$0xC830] =	vst v1;
	v1 =	vsel vm13, v20, v29  }
0x216: {  	[tilespmem:s19+$0xC840] =	vst v1;
	v1 =	vsel vm13, v18, v26  }
0x217: {  	[tilespmem:s19+$0xC850] =	vst v1;
	v1 =	vsel vm13, v17, v24  }
0x218: {  	[tilespmem:s19+$0xC860] =	vst v1;
	v1 =	vsel vm13, v16, v25  }
0x219: {  	[tilespmem:s19+$0xC870] =	vst v1;
	v1 =	vsel vm14, v23, v31  }
0x21a: {  	[tilespmem:s19+$0xC880] =	vst v1;
	v1 =	vsel vm14, v22, v30  }
0x21b: {  	s23 =	sshll.u32 s17, $0x2;
	[tilespmem:s19+$0xC890] =	vst v1;
	v1 =	vsel vm14, v21, v27  }
0x21c: {  	s21 =	sadd.s32 s5, s23;
	[tilespmem:s19+$0xC8A0] =	vst v1;
	v1 =	vsel vm14, v19, v28  }
0x21d: {  	s24 =	smul.u32 $0x380, s21;
	[tilespmem:s19+$0xC8B0] =	vst v1;
	v1 =	vsel vm14, v20, v29  }
0x21e: {  	s21 =	smul.u32 $0x1C00, s21;
	[tilespmem:s19+$0xC8C0] =	vst v1;
	v1 =	vsel vm14, v18, v26  }
0x21f: {  	[tilespmem:s19+$0xC8D0] =	vst v1;
	v1 =	vsel vm14, v17, v24  }
0x220: {  	s18 =	sadd.s32 $0x2, s18;
	s22 =	sadd.s32 s4, s24;
	s25 =	sshrl.u32 s21, $0x3;
	[tilespmem:s19+$0xC8E0] =	vst v1  }
0x221: {  	[hbm4b:s22+s3] =	stream.linear.scatter [tilespmem:s20], [sflag:s18], $0x1900, $0x38;
	[tilespmem:$0x1F580] =	vst v63  }
0x222: {  	s17 =	sadd.s32 $0x1, s17;
	s20 =	sadd.s32 s4, s25  }
0x223: {  	s28 =	sadd.s32 $0x7E80, s19;
	p0 =	sne.s32 s17, $0x80;
	s26 =	sadd.s32 $0x380, s20  }
0x224: {  	[hbm4b:s26+s3] =	stream.linear.scatter [tilespmem:s28], [sflag:s18], $0x1900, $0x38;
	[tilespmem:$0x1F580] =	vst v63  }
.Ltmp1:
0x225: {  	_ = 	snop;
	(pc) =	sbr.rel @p0 .LBB2_2-.Ltmp1, $4  }
0x226: {  	s30 =	sadd.s32 $0x9780, s19;
	s31 =	sadd.s32 $0xB080, s19;
	s29 =	sadd.s32 $0x700, s20  }
0x227: {  	[hbm4b:s29+s3] =	stream.linear.scatter [tilespmem:s30], [sflag:s18], $0x1900, $0x38;
	[tilespmem:$0x1F580] =	vst v63  }
0x228: {  	s15 =	sadd.s32 $0xC8, s15;
	s16 =	sadd.s32 $0x1, s16;
	v8 =	vimm.s32 $0xC;
	v9 =	vimm.s32 $0xD;
	s20 =	sadd.s32 $0xA80, s20  }
0x229: {  	v10 =	vimm.s32 $0xE;
	v11 =	vimm.s32 $0xF;
	v2 =	vimm.s32 $0xB;
	[hbm4b:s20+s3] =	stream.linear.scatter [tilespmem:s31], [sflag:s18], $0x1900, $0x38;
	[tilespmem:$0x1F580] =	vst v63  }
0x22a: {  	_ =	swait.ge [sflag:s10], $0x1900  }
0x22b: {  	[sflag:s10] =	ssyncset.done $0x0  }
0x22c: {  	[sflag:s10] =	ssyncadd.s32 $0xFFFFE700  }
0x22d: {  	_ =	swait.ge [sflag:s10], $0x1900  }
0x22e: {  	[sflag:s10] =	ssyncset.done $0x0  }
0x22f: {  	[sflag:s10] =	ssyncadd.s32 $0xFFFFE700  }
0x230: {  	_ =	swait.ge [sflag:s10], $0x1900  }
0x231: {  	[sflag:s10] =	ssyncset.done $0x0  }
0x232: {  	[sflag:s10] =	ssyncadd.s32 $0xFFFFE700  }
0x233: {  	_ =	swait.ge [sflag:s10], $0x1900  }
0x234: {  	[sflag:s10] =	ssyncset.done $0x0  }
0x235: {  	[sflag:s10] =	ssyncadd.s32 $0xFFFFE700  }
0x236: {  	_ =	swait.ge [sflag:s11], $0x1900  }
0x237: {  	[sflag:s11] =	ssyncset.done $0x0  }
0x238: {  	[sflag:s11] =	ssyncadd.s32 $0xFFFFE700  }
0x239: {  	_ =	swait.ge [sflag:s11], $0x1900  }
0x23a: {  	[sflag:s11] =	ssyncset.done $0x0  }
0x23b: {  	[sflag:s11] =	ssyncadd.s32 $0xFFFFE700  }
0x23c: {  	_ =	swait.ge [sflag:s11], $0x1900  }
0x23d: {  	[sflag:s11] =	ssyncset.done $0x0  }
0x23e: {  	[sflag:s11] =	ssyncadd.s32 $0xFFFFE700  }
0x23f: {  	_ =	swait.ge [sflag:s11], $0x1900  }
0x240: {  	[sflag:s11] =	ssyncset.done $0x0  }
0x241: {  	[sflag:s11] =	ssyncadd.s32 $0xFFFFE700  }
0x242: {  	_ =	swait.ge [sflag:s12], $0x1900  }
0x243: {  	[sflag:s12] =	ssyncset.done $0x0  }
0x244: {  	[sflag:s12] =	ssyncadd.s32 $0xFFFFE700  }
0x245: {  	_ =	swait.ge [sflag:s12], $0x1900  }
0x246: {  	[sflag:s12] =	ssyncset.done $0x0  }
0x247: {  	[sflag:s12] =	ssyncadd.s32 $0xFFFFE700  }
0x248: {  	_ =	swait.ge [sflag:s12], $0x1900  }
0x249: {  	[sflag:s12] =	ssyncset.done $0x0  }
0x24a: {  	[sflag:s12] =	ssyncadd.s32 $0xFFFFE700  }
0x24b: {  	_ =	swait.ge [sflag:s12], $0x1900  }
0x24c: {  	[sflag:s12] =	ssyncset.done $0x0  }
0x24d: {  	[sflag:s12] =	ssyncadd.s32 $0xFFFFE700  }
0x24e: {  	_ =	swait.ge [sflag:s13], $0x1900  }
0x24f: {  	[sflag:s13] =	ssyncset.done $0x0  }
0x250: {  	[sflag:s13] =	ssyncadd.s32 $0xFFFFE700  }
0x251: {  	_ =	swait.ge [sflag:s13], $0x1900  }
0x252: {  	[sflag:s13] =	ssyncset.done $0x0  }
0x253: {  	s14 =	sadd.s32 $0x1, s14;
	[sflag:s13] =	ssyncadd.s32 $0xFFFFE700  }
0x254: {  	p0 =	sne.s32 s14, s7;
	_ =	swait.ge [sflag:s13], $0x1900  }
.Ltmp2:
0x255: {  	[sflag:s13] =	ssyncset.done $0x0;
	(pc) =	sbr.rel @p0 .LBB2_1-.Ltmp2, $4  }
0x256: {  	[sflag:s13] =	ssyncadd.s32 $0xFFFFE700  }
0x257: {  	_ =	swait.ge [sflag:s13], $0x1900  }
0x258: {  	[sflag:s13] =	ssyncset.done $0x0  }
0x259: {  	[sflag:s13] =	ssyncadd.s32 $0xFFFFE700  }
0x25a: {  	_ =	sfence.sel $0x180000  }
0x25b: {  	[bflag:$0x0] =	sbarrier.arrive $0xFFFF  }
0x25c: {  	p0 =	sne.s32 s1, $0x0;
	_ =	strace $0x90000047  }
0x25d: {  	s0 =	sadd.s32 @!p0 $0x100000, s0;
	[bflag:$0x2] =	sbarrier.arrive $0xFFFF  }
0x25e: {  	[sflag:s0] =	ssyncadd.tile.s32 @!p0 $0x1;
	_ =	shalt  }
.Lfunc_end2:
_tile_overlayer_lowered:
.L_overlay_start_2:
0x25f: {  	(tag) =	ssettag $0x2  }
0x260: {  	s0 =	rddreg [dreg:$0x0];
	s2 =	stileid.u32  }
0x261: {  	s1 =	rddreg [dreg:$0x1];
	p0 =	sne.s32 s2, $0x0  }
0x262: {  	s3 =	rddreg [dreg:$0x2];
	[bflag:$0x3] =	sbarrier.arrive $0xFFFF;
	s2 =	simm.s32 @!p0 $0x1C06  }
0x263: {  	[timem:s3], [sflag:s2] =	dma.local @!p0 [hbm:s0], s1  }
0x264: {  	s0 =	simm.s32 @!p0 $0x6  }
0x265: {  	_ =	swait.ge @!p0 [sflag:s0], s1  }
0x266: {  	s1 =	ssub.s32 @!p0 $0x0, s1;
	[sflag:s0] =	ssyncset.done @!p0 $0x0  }
0x267: {  	[sflag:s0] =	ssyncadd.s32 @!p0 s1  }
0x268: {  	[bflag:$0x3] =	sbarrier.arrive $0xFFFF  }
0x269: {  	_ =	shalt  }

</sc_bundles>
